<compile_context>
chip_gen: v7x
topology: tpu7x:2x2x1
jax: 0.10.2.dev20260603
libtpu: 0.0.44.dev20260713+nightly
codegen_flags: <defaults>
</compile_context>

<pallas_src>
import functools

import jax
import jax.numpy as jnp
from jax import lax
from jax.experimental import pallas as pl
from jax.experimental.pallas import tpu as pltpu
from jax.experimental.pallas import tpu_sc as plsc

_NC, _NS = 2, 16
_NW = _NC * _NS
_RS = 5120


def _sc_add(x2, w, rs):
    R, D = x2.shape
    L, _ = w.shape
    rows_per_w = rs // _NW
    CH = 16
    NCH = rows_per_w // CH

    mesh = plsc.VectorSubcoreMesh(core_axis_name="c", subcore_axis_name="s")

    @functools.partial(
        pl.kernel,
        mesh=mesh,
        out_type=jax.ShapeDtypeStruct((rs, D), jnp.float32),
        scratch_types=[
            pltpu.VMEM((CH, D), jnp.float32),
            pltpu.VMEM((CH, D), jnp.float32),
            pltpu.VMEM((CH, D), jnp.float32),
            pltpu.VMEM((CH, D), jnp.float32),
            pltpu.VMEM((CH, D), jnp.float32),
            pltpu.VMEM((CH, D), jnp.float32),
            pltpu.SemaphoreType.DMA,
            pltpu.SemaphoreType.DMA,
            pltpu.SemaphoreType.DMA,
            pltpu.SemaphoreType.DMA,
            pltpu.SemaphoreType.DMA,
            pltpu.SemaphoreType.DMA,
        ],
    )
    def run(x_hbm, w_hbm, o_hbm, xA, xB, wA, wB, oA, oB,
            sxA, sxB, swA, swB, soA, soB):
        wid = lax.axis_index("s") * _NC + lax.axis_index("c")
        base = wid * rows_per_w

        def in_copies(k, xbuf, wbuf, sx, sw):
            r0 = base + k * CH
            w0 = lax.rem(r0, L)
            return (
                pltpu.make_async_copy(x_hbm.at[pl.ds(r0, CH)], xbuf, sx),
                pltpu.make_async_copy(w_hbm.at[pl.ds(w0, CH)], wbuf, sw),
            )

        def out_copy(k, obuf, so):
            return pltpu.make_async_copy(
                obuf, o_hbm.at[pl.ds(base + k * CH, CH)], so
            )

        for cp in in_copies(0, xA, wA, sxA, swA):
            cp.start()
        for cp in in_copies(1, xB, wB, sxB, swB):
            cp.start()

        def step(k, xbuf, wbuf, obuf, sx, sw, so):
            for cp in in_copies(k, xbuf, wbuf, sx, sw):
                cp.wait()

            @pl.when(k >= 2)
            def _():
                out_copy(k - 2, obuf, so).wait()

            @pl.loop(0, CH)
            def _(r):
                rs_ = pl.ds(r, 1)
                for c in range(0, D, 16):
                    cs = pl.ds(c, 16)
                    obuf.at[rs_, cs][...] = (
                        xbuf.at[rs_, cs][...] + wbuf.at[rs_, cs][...]
                    )

            out_copy(k, obuf, so).start()

            @pl.when(k + 2 < NCH)
            def _():
                for cp in in_copies(k + 2, xbuf, wbuf, sx, sw):
                    cp.start()

        @pl.loop(0, NCH, step=2)
        def _(k):
            step(k, xA, wA, oA, sxA, swA, soA)
            step(k + 1, xB, wB, oB, sxB, swB, soB)

        out_copy(NCH - 2, oA, soA).wait()
        out_copy(NCH - 1, oB, soB).wait()

    return run(x2, w)


def _tc_body(x_ref, w_ref, o_ref, BL, L, row0):
    start = lax.rem(row0 + pl.program_id(0) * BL, L)
    o_ref[...] = x_ref[...] + w_ref[pl.ds(start, BL), :]


def _tc_add(x2, w, rs):
    R, D = x2.shape
    L, _ = w.shape
    BL = 1024
    nblk = (R - rs) // BL
    off = rs // BL
    return pl.pallas_call(
        functools.partial(_tc_body, BL=BL, L=L, row0=rs),
        grid=(nblk,),
        in_specs=[
            pl.BlockSpec((BL, D), lambda i: (i + off, 0)),
            pl.BlockSpec((L, D), lambda i: (0, 0)),
        ],
        out_specs=pl.BlockSpec((BL, D), lambda i: (i + off, 0)),
        out_shape=jax.ShapeDtypeStruct((R, D), jnp.float32),
        compiler_params=pltpu.CompilerParams(
            dimension_semantics=("arbitrary",),
        ),
    )(x2, w)


def kernel(x, weight):
    B, L, D = x.shape
    x2 = x.reshape(B * L, D)
    w = weight[:L]
    sc_part = _sc_add(x2, w, _RS)
    full = _tc_add(x2, w, _RS)
    out2 = lax.dynamic_update_slice(full, sc_part, (0, 0))
    return out2.reshape(B, L, D)

# --- scband reference (transcript-rebuilt; emitter-appended) ---
"""Pipeline reference for scband-learned-positional-encoding-79353815761429 (READ-ONLY COPY).

The authoritative reference and input builder live on the scoring server;
editing this copy changes nothing except your own understanding.
"""

import jax, jax.numpy as jnp
import numpy as np

DIM = 1024
MAX_LEN = 4096
B, L = 4, 4096

def _trunc_normal(key, shape, std=0.02, dtype=jnp.float32):
    # approximate torch trunc_normal_(std=0.02), truncated at +/-2 std
    u = jax.random.truncated_normal(key, -2.0, 2.0, shape, dtype)
    return u * std

def setup_inputs(seed: int = 0) -> dict:
    key = jax.random.key(seed)
    kx, kw = jax.random.split(key)
    x = jax.random.normal(kx, (B, L, DIM), dtype=jnp.float32)
    weight = _trunc_normal(kw, (MAX_LEN, DIM))
    return {"x": x, "weight": weight}

def reference(x, weight):
    length = x.shape[1]
    # mirrors the torch guard; static shapes so this is a Python-level check
    if length > weight.shape[0]:
        raise ValueError(f"Sequence length {length} exceeds positional encoding limit {weight.shape[0]}")
    return x + weight[:length][None, :, :]

if __name__ == "__main__":
    import jax
    _d = setup_inputs()
    print(jax.jit(kernel)(*tuple(_d.values())))

</pallas_src>

<mosaic_0001>
#map = affine_map<(d0, d1) -> (0, 0)>
module attributes {stable_mosaic.version = 14 : i64} {
  func.func @run(%arg0: i32, %arg1: i32, %arg2: memref<16384x1024xf32, #tpu.memory_space<hbm>>, %arg3: memref<4096x1024xf32, #tpu.memory_space<hbm>>, %arg4: memref<5120x1024xf32, #tpu.memory_space<hbm>>, %arg5: memref<16x1024xf32, #tpu.memory_space<vmem>>, %arg6: memref<16x1024xf32, #tpu.memory_space<vmem>>, %arg7: memref<16x1024xf32, #tpu.memory_space<vmem>>, %arg8: memref<16x1024xf32, #tpu.memory_space<vmem>>, %arg9: memref<16x1024xf32, #tpu.memory_space<vmem>>, %arg10: memref<16x1024xf32, #tpu.memory_space<vmem>>, %arg11: memref<!tpu.dma_semaphore, #tpu.memory_space<semaphore_mem>>, %arg12: memref<!tpu.dma_semaphore, #tpu.memory_space<semaphore_mem>>, %arg13: memref<!tpu.dma_semaphore, #tpu.memory_space<semaphore_mem>>, %arg14: memref<!tpu.dma_semaphore, #tpu.memory_space<semaphore_mem>>, %arg15: memref<!tpu.dma_semaphore, #tpu.memory_space<semaphore_mem>>, %arg16: memref<!tpu.dma_semaphore, #tpu.memory_space<semaphore_mem>>) attributes {dimension_semantics = [#tpu.dimension_semantics<core_parallel>, #tpu.dimension_semantics<subcore_parallel>], iteration_bounds = array<i64: 2, 16>, scalar_prefetch = 0 : i64, scratch_operands = 12 : i64, tpu.core_type = #tpu.core_type<sc_vector_subcore>, window_params = [{transform_indices = #map}, {transform_indices = #map}, {transform_indices = #map}]} {
    %mul3A = arith.constant 2 : i32
    %mul3A_0 = arith.muli %arg1, %mul3A : i32
    %add3A = arith.addi %mul3A_0, %arg0 : i32
    %mul3A_1 = arith.constant 160 : i32
    %mul3A_2 = arith.muli %add3A, %mul3A_1 : i32
    %add3A_3 = arith.constant 0 : i32
    %add3A_4 = arith.addi %mul3A_2, %add3A_3 : i32
    %rem3A = arith.constant 4096 : i32
    %rem3A_5 = arith.remsi %add3A_4, %rem3A : i32
    %dma_start3A = arith.constant 0 : i32
    %dma_start3A_6 = tpu.memref_slice %arg2[%add3A_4, %dma_start3A] : memref<16384x1024xf32, #tpu.memory_space<hbm>> -> memref<16x1024xf32, #tpu.memory_space<hbm>>
    %dma_start3A_7 = arith.constant 0 : i32
    %dma_start3A_8 = tpu.memref_slice %arg2[%add3A_4, %dma_start3A_7] : memref<16384x1024xf32, #tpu.memory_space<hbm>> -> memref<16x1024xf32, #tpu.memory_space<hbm>>
    tpu.enqueue_dma source(%dma_start3A_8 : memref<16x1024xf32, #tpu.memory_space<hbm>>) target(%arg5 : memref<16x1024xf32, #tpu.memory_space<vmem>>) target_semaphore(%arg11 : memref<!tpu.dma_semaphore, #tpu.memory_space<semaphore_mem>>)
    %dma_start3A_9 = arith.constant 0 : i32
    %dma_start3A_10 = tpu.memref_slice %arg3[%rem3A_5, %dma_start3A_9] : memref<4096x1024xf32, #tpu.memory_space<hbm>> -> memref<16x1024xf32, #tpu.memory_space<hbm>>
    %dma_start3A_11 = arith.constant 0 : i32
    %dma_start3A_12 = tpu.memref_slice %arg3[%rem3A_5, %dma_start3A_11] : memref<4096x1024xf32, #tpu.memory_space<hbm>> -> memref<16x1024xf32, #tpu.memory_space<hbm>>
    tpu.enqueue_dma source(%dma_start3A_12 : memref<16x1024xf32, #tpu.memory_space<hbm>>) target(%arg7 : memref<16x1024xf32, #tpu.memory_space<vmem>>) target_semaphore(%arg13 : memref<!tpu.dma_semaphore, #tpu.memory_space<semaphore_mem>>)
    %add3A_13 = arith.constant 16 : i32
    %add3A_14 = arith.addi %mul3A_2, %add3A_13 : i32
    %rem3A_15 = arith.constant 4096 : i32
    %rem3A_16 = arith.remsi %add3A_14, %rem3A_15 : i32
    %dma_start3A_17 = arith.constant 0 : i32
    %dma_start3A_18 = tpu.memref_slice %arg2[%add3A_14, %dma_start3A_17] : memref<16384x1024xf32, #tpu.memory_space<hbm>> -> memref<16x1024xf32, #tpu.memory_space<hbm>>
    %dma_start3A_19 = arith.constant 0 : i32
    %dma_start3A_20 = tpu.memref_slice %arg2[%add3A_14, %dma_start3A_19] : memref<16384x1024xf32, #tpu.memory_space<hbm>> -> memref<16x1024xf32, #tpu.memory_space<hbm>>
    tpu.enqueue_dma source(%dma_start3A_20 : memref<16x1024xf32, #tpu.memory_space<hbm>>) target(%arg6 : memref<16x1024xf32, #tpu.memory_space<vmem>>) target_semaphore(%arg12 : memref<!tpu.dma_semaphore, #tpu.memory_space<semaphore_mem>>)
    %dma_start3A_21 = arith.constant 0 : i32
    %dma_start3A_22 = tpu.memref_slice %arg3[%rem3A_16, %dma_start3A_21] : memref<4096x1024xf32, #tpu.memory_space<hbm>> -> memref<16x1024xf32, #tpu.memory_space<hbm>>
    %dma_start3A_23 = arith.constant 0 : i32
    %dma_start3A_24 = tpu.memref_slice %arg3[%rem3A_16, %dma_start3A_23] : memref<4096x1024xf32, #tpu.memory_space<hbm>> -> memref<16x1024xf32, #tpu.memory_space<hbm>>
    tpu.enqueue_dma source(%dma_start3A_24 : memref<16x1024xf32, #tpu.memory_space<hbm>>) target(%arg8 : memref<16x1024xf32, #tpu.memory_space<vmem>>) target_semaphore(%arg14 : memref<!tpu.dma_semaphore, #tpu.memory_space<semaphore_mem>>)
    %scan3A = arith.constant 0 : i32
    %scan3A_25 = arith.constant 5 : i32
    %scan3A_26 = arith.addi %scan3A, %scan3A_25 : i32
    %scan3A_27 = arith.constant 1 : i32
    scf.for %scan3A_40 = %scan3A to %scan3A_26 step %scan3A_27  : i32 {
      %mul3A_41 = arith.constant 2 : i32
      %mul3A_42 = arith.muli %scan3A_40, %mul3A_41 : i32
      %add3A_43 = arith.constant 0 : i32
      %add3A_44 = arith.addi %add3A_43, %mul3A_42 : i32
      %mul3A_45 = arith.constant 16 : i32
      %mul3A_46 = arith.muli %add3A_44, %mul3A_45 : i32
      %add3A_47 = arith.addi %mul3A_2, %mul3A_46 : i32
      %rem3A_48 = arith.constant 4096 : i32
      %rem3A_49 = arith.remsi %add3A_47, %rem3A_48 : i32
      %dma_wait3A_50 = arith.constant 0 : i32
      %dma_wait3A_51 = tpu.memref_slice %arg2[%add3A_47, %dma_wait3A_50] : memref<16384x1024xf32, #tpu.memory_space<hbm>> -> memref<16x1024xf32, #tpu.memory_space<hbm>>
      %dma_wait3A_52 = arith.constant 0 : i32
      %dma_wait3A_53 = tpu.memref_slice %arg2[%add3A_47, %dma_wait3A_52] : memref<16384x1024xf32, #tpu.memory_space<hbm>> -> memref<16x1024xf32, #tpu.memory_space<hbm>>
      tpu.wait_dma2 semaphore(%arg11 : memref<!tpu.dma_semaphore, #tpu.memory_space<semaphore_mem>>) src(%dma_wait3A_53 : memref<16x1024xf32, #tpu.memory_space<hbm>>) dst(%arg5 : memref<16x1024xf32, #tpu.memory_space<vmem>>)
      %dma_wait3A_54 = arith.constant 0 : i32
      %dma_wait3A_55 = tpu.memref_slice %arg3[%rem3A_49, %dma_wait3A_54] : memref<4096x1024xf32, #tpu.memory_space<hbm>> -> memref<16x1024xf32, #tpu.memory_space<hbm>>
      %dma_wait3A_56 = arith.constant 0 : i32
      %dma_wait3A_57 = tpu.memref_slice %arg3[%rem3A_49, %dma_wait3A_56] : memref<4096x1024xf32, #tpu.memory_space<hbm>> -> memref<16x1024xf32, #tpu.memory_space<hbm>>
      tpu.wait_dma2 semaphore(%arg13 : memref<!tpu.dma_semaphore, #tpu.memory_space<semaphore_mem>>) src(%dma_wait3A_57 : memref<16x1024xf32, #tpu.memory_space<hbm>>) dst(%arg7 : memref<16x1024xf32, #tpu.memory_space<vmem>>)
      %ge3A = arith.constant 2 : i32
      %ge3A_58 = arith.cmpi sge, %add3A_44, %ge3A : i32
      %convert_element_type3A = arith.extui %ge3A_58 : i1 to i32
      %cond3A = arith.constant 0 : i32
      %cond3A_59 = arith.cmpi ne, %convert_element_type3A, %cond3A : i32
      scf.if %cond3A_59 {
        %sub3A = arith.constant 2 : i32
        %sub3A_117 = arith.subi %add3A_44, %sub3A : i32
        %mul3A_118 = arith.constant 16 : i32
        %mul3A_119 = arith.muli %sub3A_117, %mul3A_118 : i32
        %add3A_120 = arith.addi %mul3A_2, %mul3A_119 : i32
        %dma_wait3A_121 = arith.constant 0 : i32
        %dma_wait3A_122 = tpu.memref_slice %arg4[%add3A_120, %dma_wait3A_121] : memref<5120x1024xf32, #tpu.memory_space<hbm>> -> memref<16x1024xf32, #tpu.memory_space<hbm>>
        %dma_wait3A_123 = arith.constant 0 : i32
        %dma_wait3A_124 = tpu.memref_slice %arg4[%add3A_120, %dma_wait3A_123] : memref<5120x1024xf32, #tpu.memory_space<hbm>> -> memref<16x1024xf32, #tpu.memory_space<hbm>>
        tpu.wait_dma2 semaphore(%arg15 : memref<!tpu.dma_semaphore, #tpu.memory_space<semaphore_mem>>) src(%arg9 : memref<16x1024xf32, #tpu.memory_space<vmem>>) dst(%dma_wait3A_124 : memref<16x1024xf32, #tpu.memory_space<hbm>>)
      } else {
      }
      %scan3A_60 = arith.constant 0 : i32
      %scan3A_61 = arith.constant 16 : i32
      %scan3A_62 = arith.addi %scan3A_60, %scan3A_61 : i32
      %scan3A_63 = arith.constant 1 : i32
      scf.for %scan3A_117 = %scan3A_60 to %scan3A_62 step %scan3A_63  : i32 {
        %mul3A_118 = arith.constant 1 : i32
        %mul3A_119 = arith.muli %scan3A_117, %mul3A_118 : i32
        %add3A_120 = arith.constant 0 : i32
        %add3A_121 = arith.addi %add3A_120, %mul3A_119 : i32
        %get3A = arith.index_cast %add3A_121 : i32 to index
        %get3A_122 = arith.constant 0 : index
        %get3A_123 = tpu.vector_load %arg5[%get3A, %get3A_122] {strides = array<i32>} : memref<16x1024xf32, #tpu.memory_space<vmem>>, vector<1x16xf32>,
        %get3A_124 = vector.shape_cast %get3A_123 : vector<1x16xf32> to vector<1x16xf32>
        %get3A_125 = arith.index_cast %add3A_121 : i32 to index
        %get3A_126 = arith.constant 0 : index
        %get3A_127 = tpu.vector_load %arg7[%get3A_125, %get3A_126] {strides = array<i32>} : memref<16x1024xf32, #tpu.memory_space<vmem>>, vector<1x16xf32>,
        %get3A_128 = vector.shape_cast %get3A_127 : vector<1x16xf32> to vector<1x16xf32>
        %add3A_129 = arith.addf %get3A_124, %get3A_128 : vector<1x16xf32>
        %swap3A = arith.index_cast %add3A_121 : i32 to index
        %swap3A_130 = arith.constant 0 : index
        %swap3A_131 = tpu.vector_load %arg9[%swap3A, %swap3A_130] {strides = array<i32>} : memref<16x1024xf32, #tpu.memory_space<vmem>>, vector<1x16xf32>,
        %swap3A_132 = vector.shape_cast %swap3A_131 : vector<1x16xf32> to vector<1x16xf32>
        %swap3A_133 = vector.shape_cast %add3A_129 : vector<1x16xf32> to vector<1x16xf32>
        tpu.vector_store %arg9[%swap3A, %swap3A_130], %swap3A_133 {strides = array<i32>} : memref<16x1024xf32, #tpu.memory_space<vmem>>, vector<1x16xf32>,
        %get3A_134 = arith.index_cast %add3A_121 : i32 to index
        %get3A_135 = arith.constant 16 : index
        %get3A_136 = tpu.vector_load %arg5[%get3A_134, %get3A_135] {strides = array<i32>} : memref<16x1024xf32, #tpu.memory_space<vmem>>, vector<1x16xf32>,
        %get3A_137 = vector.shape_cast %get3A_136 : vector<1x16xf32> to vector<1x16xf32>
        %get3A_138 = arith.index_cast %add3A_121 : i32 to index
        %get3A_139 = arith.constant 16 : index
        %get3A_140 = tpu.vector_load %arg7[%get3A_138, %get3A_139] {strides = array<i32>} : memref<16x1024xf32, #tpu.memory_space<vmem>>, vector<1x16xf32>,
        %get3A_141 = vector.shape_cast %get3A_140 : vector<1x16xf32> to vector<1x16xf32>
        %add3A_142 = arith.addf %get3A_137, %get3A_141 : vector<1x16xf32>
        %swap3A_143 = arith.index_cast %add3A_121 : i32 to index
        %swap3A_144 = arith.constant 16 : index
        %swap3A_145 = tpu.vector_load %arg9[%swap3A_143, %swap3A_144] {strides = array<i32>} : memref<16x1024xf32, #tpu.memory_space<vmem>>, vector<1x16xf32>,
        %swap3A_146 = vector.shape_cast %swap3A_145 : vector<1x16xf32> to vector<1x16xf32>
        %swap3A_147 = vector.shape_cast %add3A_142 : vector<1x16xf32> to vector<1x16xf32>
        tpu.vector_store %arg9[%swap3A_143, %swap3A_144], %swap3A_147 {strides = array<i32>} : memref<16x1024xf32, #tpu.memory_space<vmem>>, vector<1x16xf32>,
        %get3A_148 = arith.index_cast %add3A_121 : i32 to index
        %get3A_149 = arith.constant 32 : index
        %get3A_150 = tpu.vector_load %arg5[%get3A_148, %get3A_149] {strides = array<i32>} : memref<16x1024xf32, #tpu.memory_space<vmem>>, vector<1x16xf32>,
        %get3A_151 = vector.shape_cast %get3A_150 : vector<1x16xf32> to vector<1x16xf32>
        %get3A_152 = arith.index_cast %add3A_121 : i32 to index
        %get3A_153 = arith.constant 32 : index
        %get3A_154 = tpu.vector_load %arg7[%get3A_152, %get3A_153] {strides = array<i32>} : memref<16x1024xf32, #tpu.memory_space<vmem>>, vector<1x16xf32>,
        %get3A_155 = vector.shape_cast %get3A_154 : vector<1x16xf32> to vector<1x16xf32>
        %add3A_156 = arith.addf %get3A_151, %get3A_155 : vector<1x16xf32>
        %swap3A_157 = arith.index_cast %add3A_121 : i32 to index
        %swap3A_158 = arith.constant 32 : index
        %swap3A_159 = tpu.vector_load %arg9[%swap3A_157, %swap3A_158] {strides = array<i32>} : memref<16x1024xf32, #tpu.memory_space<vmem>>, vector<1x16xf32>,
        %swap3A_160 = vector.shape_cast %swap3A_159 : vector<1x16xf32> to vector<1x16xf32>
        %swap3A_161 = vector.shape_cast %add3A_156 : vector<1x16xf32> to vector<1x16xf32>
        tpu.vector_store %arg9[%swap3A_157, %swap3A_158], %swap3A_161 {strides = array<i32>} : memref<16x1024xf32, #tpu.memory_space<vmem>>, vector<1x16xf32>,
        %get3A_162 = arith.index_cast %add3A_121 : i32 to index
        %get3A_163 = arith.constant 48 : index
        %get3A_164 = tpu.vector_load %arg5[%get3A_162, %get3A_163] {strides = array<i32>} : memref<16x1024xf32, #tpu.memory_space<vmem>>, vector<1x16xf32>,
        %get3A_165 = vector.shape_cast %get3A_164 : vector<1x16xf32> to vector<1x16xf32>
        %get3A_166 = arith.index_cast %add3A_121 : i32 to index
        %get3A_167 = arith.constant 48 : index
        %get3A_168 = tpu.vector_load %arg7[%get3A_166, %get3A_167] {strides = array<i32>} : memref<16x1024xf32, #tpu.memory_space<vmem>>, vector<1x16xf32>,
        %get3A_169 = vector.shape_cast %get3A_168 : vector<1x16xf32> to vector<1x16xf32>
        %add3A_170 = arith.addf %get3A_165, %get3A_169 : vector<1x16xf32>
        %swap3A_171 = arith.index_cast %add3A_121 : i32 to index
        %swap3A_172 = arith.constant 48 : index
        %swap3A_173 = tpu.vector_load %arg9[%swap3A_171, %swap3A_172] {strides = array<i32>} : memref<16x1024xf32, #tpu.memory_space<vmem>>, vector<1x16xf32>,
        %swap3A_174 = vector.shape_cast %swap3A_173 : vector<1x16xf32> to vector<1x16xf32>
        %swap3A_175 = vector.shape_cast %add3A_170 : vector<1x16xf32> to vector<1x16xf32>
        tpu.vector_store %arg9[%swap3A_171, %swap3A_172], %swap3A_175 {strides = array<i32>} : memref<16x1024xf32, #tpu.memory_space<vmem>>, vector<1x16xf32>,
        %get3A_176 = arith.index_cast %add3A_121 : i32 to index
        %get3A_177 = arith.constant 64 : index
        %get3A_178 = tpu.vector_load %arg5[%get3A_176, %get3A_177] {strides = array<i32>} : memref<16x1024xf32, #tpu.memory_space<vmem>>, vector<1x16xf32>,
        %get3A_179 = vector.shape_cast %get3A_178 : vector<1x16xf32> to vector<1x16xf32>
        %get3A_180 = arith.index_cast %add3A_121 : i32 to index
        %get3A_181 = arith.constant 64 : index
        %get3A_182 = tpu.vector_load %arg7[%get3A_180, %get3A_181] {strides = array<i32>} : memref<16x1024xf32, #tpu.memory_space<vmem>>, vector<1x16xf32>,
        %get3A_183 = vector.shape_cast %get3A_182 : vector<1x16xf32> to vector<1x16xf32>
        %add3A_184 = arith.addf %get3A_179, %get3A_183 : vector<1x16xf32>
        %swap3A_185 = arith.index_cast %add3A_121 : i32 to index
        %swap3A_186 = arith.constant 64 : index
        %swap3A_187 = tpu.vector_load %arg9[%swap3A_185, %swap3A_186] {strides = array<i32>} : memref<16x1024xf32, #tpu.memory_space<vmem>>, vector<1x16xf32>,
        %swap3A_188 = vector.shape_cast %swap3A_187 : vector<1x16xf32> to vector<1x16xf32>
        %swap3A_189 = vector.shape_cast %add3A_184 : vector<1x16xf32> to vector<1x16xf32>
        tpu.vector_store %arg9[%swap3A_185, %swap3A_186], %swap3A_189 {strides = array<i32>} : memref<16x1024xf32, #tpu.memory_space<vmem>>, vector<1x16xf32>,
        %get3A_190 = arith.index_cast %add3A_121 : i32 to index
        %get3A_191 = arith.constant 80 : index
        %get3A_192 = tpu.vector_load %arg5[%get3A_190, %get3A_191] {strides = array<i32>} : memref<16x1024xf32, #tpu.memory_space<vmem>>, vector<1x16xf32>,
        %get3A_193 = vector.shape_cast %get3A_192 : vector<1x16xf32> to vector<1x16xf32>
        %get3A_194 = arith.index_cast %add3A_121 : i32 to index
        %get3A_195 = arith.constant 80 : index
        %get3A_196 = tpu.vector_load %arg7[%get3A_194, %get3A_195] {strides = array<i32>} : memref<16x1024xf32, #tpu.memory_space<vmem>>, vector<1x16xf32>,
        %get3A_197 = vector.shape_cast %get3A_196 : vector<1x16xf32> to vector<1x16xf32>
        %add3A_198 = arith.addf %get3A_193, %get3A_197 : vector<1x16xf32>
        %swap3A_199 = arith.index_cast %add3A_121 : i32 to index
        %swap3A_200 = arith.constant 80 : index
        %swap3A_201 = tpu.vector_load %arg9[%swap3A_199, %swap3A_200] {strides = array<i32>} : memref<16x1024xf32, #tpu.memory_space<vmem>>, vector<1x16xf32>,
        %swap3A_202 = vector.shape_cast %swap3A_201 : vector<1x16xf32> to vector<1x16xf32>
        %swap3A_203 = vector.shape_cast %add3A_198 : vector<1x16xf32> to vector<1x16xf32>
        tpu.vector_store %arg9[%swap3A_199, %swap3A_200], %swap3A_203 {strides = array<i32>} : memref<16x1024xf32, #tpu.memory_space<vmem>>, vector<1x16xf32>,
        %get3A_204 = arith.index_cast %add3A_121 : i32 to index
        %get3A_205 = arith.constant 96 : index
        %get3A_206 = tpu.vector_load %arg5[%get3A_204, %get3A_205] {strides = array<i32>} : memref<16x1024xf32, #tpu.memory_space<vmem>>, vector<1x16xf32>,
        %get3A_207 = vector.shape_cast %get3A_206 : vector<1x16xf32> to vector<1x16xf32>
        %get3A_208 = arith.index_cast %add3A_121 : i32 to index
        %get3A_209 = arith.constant 96 : index
        %get3A_210 = tpu.vector_load %arg7[%get3A_208, %get3A_209] {strides = array<i32>} : memref<16x1024xf32, #tpu.memory_space<vmem>>, vector<1x16xf32>,
        %get3A_211 = vector.shape_cast %get3A_210 : vector<1x16xf32> to vector<1x16xf32>
        %add3A_212 = arith.addf %get3A_207, %get3A_211 : vector<1x16xf32>
        %swap3A_213 = arith.index_cast %add3A_121 : i32 to index
        %swap3A_214 = arith.constant 96 : index
        %swap3A_215 = tpu.vector_load %arg9[%swap3A_213, %swap3A_214] {strides = array<i32>} : memref<16x1024xf32, #tpu.memory_space<vmem>>, vector<1x16xf32>,
        %swap3A_216 = vector.shape_cast %swap3A_215 : vector<1x16xf32> to vector<1x16xf32>
        %swap3A_217 = vector.shape_cast %add3A_212 : vector<1x16xf32> to vector<1x16xf32>
        tpu.vector_store %arg9[%swap3A_213, %swap3A_214], %swap3A_217 {strides = array<i32>} : memref<16x1024xf32, #tpu.memory_space<vmem>>, vector<1x16xf32>,
        %get3A_218 = arith.index_cast %add3A_121 : i32 to index
        %get3A_219 = arith.constant 112 : index
        %get3A_220 = tpu.vector_load %arg5[%get3A_218, %get3A_219] {strides = array<i32>} : memref<16x1024xf32, #tpu.memory_space<vmem>>, vector<1x16xf32>,
        %get3A_221 = vector.shape_cast %get3A_220 : vector<1x16xf32> to vector<1x16xf32>
        %get3A_222 = arith.index_cast %add3A_121 : i32 to index
        %get3A_223 = arith.constant 112 : index
        %get3A_224 = tpu.vector_load %arg7[%get3A_222, %get3A_223] {strides = array<i32>} : memref<16x1024xf32, #tpu.memory_space<vmem>>, vector<1x16xf32>,
        %get3A_225 = vector.shape_cast %get3A_224 : vector<1x16xf32> to vector<1x16xf32>
        %add3A_226 = arith.addf %get3A_221, %get3A_225 : vector<1x16xf32>
        %swap3A_227 = arith.index_cast %add3A_121 : i32 to index
        %swap3A_228 = arith.constant 112 : index
        %swap3A_229 = tpu.vector_load %arg9[%swap3A_227, %swap3A_228] {strides = array<i32>} : memref<16x1024xf32, #tpu.memory_space<vmem>>, vector<1x16xf32>,
        %swap3A_230 = vector.shape_cast %swap3A_229 : vector<1x16xf32> to vector<1x16xf32>
        %swap3A_231 = vector.shape_cast %add3A_226 : vector<1x16xf32> to vector<1x16xf32>
        tpu.vector_store %arg9[%swap3A_227, %swap3A_228], %swap3A_231 {strides = array<i32>} : memref<16x1024xf32, #tpu.memory_space<vmem>>, vector<1x16xf32>,
        %get3A_232 = arith.index_cast %add3A_121 : i32 to index
        %get3A_233 = arith.constant 128 : index
        %get3A_234 = tpu.vector_load %arg5[%get3A_232, %get3A_233] {strides = array<i32>} : memref<16x1024xf32, #tpu.memory_space<vmem>>, vector<1x16xf32>,
        %get3A_235 = vector.shape_cast %get3A_234 : vector<1x16xf32> to vector<1x16xf32>
        %get3A_236 = arith.index_cast %add3A_121 : i32 to index
        %get3A_237 = arith.constant 128 : index
        %get3A_238 = tpu.vector_load %arg7[%get3A_236, %get3A_237] {strides = array<i32>} : memref<16x1024xf32, #tpu.memory_space<vmem>>, vector<1x16xf32>,
        %get3A_239 = vector.shape_cast %get3A_238 : vector<1x16xf32> to vector<1x16xf32>
        %add3A_240 = arith.addf %get3A_235, %get3A_239 : vector<1x16xf32>
        %swap3A_241 = arith.index_cast %add3A_121 : i32 to index
        %swap3A_242 = arith.constant 128 : index
        %swap3A_243 = tpu.vector_load %arg9[%swap3A_241, %swap3A_242] {strides = array<i32>} : memref<16x1024xf32, #tpu.memory_space<vmem>>, vector<1x16xf32>,
        %swap3A_244 = vector.shape_cast %swap3A_243 : vector<1x16xf32> to vector<1x16xf32>
        %swap3A_245 = vector.shape_cast %add3A_240 : vector<1x16xf32> to vector<1x16xf32>
        tpu.vector_store %arg9[%swap3A_241, %swap3A_242], %swap3A_245 {strides = array<i32>} : memref<16x1024xf32, #tpu.memory_space<vmem>>, vector<1x16xf32>,
        %get3A_246 = arith.index_cast %add3A_121 : i32 to index
        %get3A_247 = arith.constant 144 : index
        %get3A_248 = tpu.vector_load %arg5[%get3A_246, %get3A_247] {strides = array<i32>} : memref<16x1024xf32, #tpu.memory_space<vmem>>, vector<1x16xf32>,
        %get3A_249 = vector.shape_cast %get3A_248 : vector<1x16xf32> to vector<1x16xf32>
        %get3A_250 = arith.index_cast %add3A_121 : i32 to index
        %get3A_251 = arith.constant 144 : index
        %get3A_252 = tpu.vector_load %arg7[%get3A_250, %get3A_251] {strides = array<i32>} : memref<16x1024xf32, #tpu.memory_space<vmem>>, vector<1x16xf32>,
        %get3A_253 = vector.shape_cast %get3A_252 : vector<1x16xf32> to vector<1x16xf32>
        %add3A_254 = arith.addf %get3A_249, %get3A_253 : vector<1x16xf32>
        %swap3A_255 = arith.index_cast %add3A_121 : i32 to index
        %swap3A_256 = arith.constant 144 : index
        %swap3A_257 = tpu.vector_load %arg9[%swap3A_255, %swap3A_256] {strides = array<i32>} : memref<16x1024xf32, #tpu.memory_space<vmem>>, vector<1x16xf32>,
        %swap3A_258 = vector.shape_cast %swap3A_257 : vector<1x16xf32> to vector<1x16xf32>
        %swap3A_259 = vector.shape_cast %add3A_254 : vector<1x16xf32> to vector<1x16xf32>
        tpu.vector_store %arg9[%swap3A_255, %swap3A_256], %swap3A_259 {strides = array<i32>} : memref<16x1024xf32, #tpu.memory_space<vmem>>, vector<1x16xf32>,
        %get3A_260 = arith.index_cast %add3A_121 : i32 to index
        %get3A_261 = arith.constant 160 : index
        %get3A_262 = tpu.vector_load %arg5[%get3A_260, %get3A_261] {strides = array<i32>} : memref<16x1024xf32, #tpu.memory_space<vmem>>, vector<1x16xf32>,
        %get3A_263 = vector.shape_cast %get3A_262 : vector<1x16xf32> to vector<1x16xf32>
        %get3A_264 = arith.index_cast %add3A_121 : i32 to index
        %get3A_265 = arith.constant 160 : index
        %get3A_266 = tpu.vector_load %arg7[%get3A_264, %get3A_265] {strides = array<i32>} : memref<16x1024xf32, #tpu.memory_space<vmem>>, vector<1x16xf32>,
        %get3A_267 = vector.shape_cast %get3A_266 : vector<1x16xf32> to vector<1x16xf32>
        %add3A_268 = arith.addf %get3A_263, %get3A_267 : vector<1x16xf32>
        %swap3A_269 = arith.index_cast %add3A_121 : i32 to index
        %swap3A_270 = arith.constant 160 : index
        %swap3A_271 = tpu.vector_load %arg9[%swap3A_269, %swap3A_270] {strides = array<i32>} : memref<16x1024xf32, #tpu.memory_space<vmem>>, vector<1x16xf32>,
        %swap3A_272 = vector.shape_cast %swap3A_271 : vector<1x16xf32> to vector<1x16xf32>
        %swap3A_273 = vector.shape_cast %add3A_268 : vector<1x16xf32> to vector<1x16xf32>
        tpu.vector_store %arg9[%swap3A_269, %swap3A_270], %swap3A_273 {strides = array<i32>} : memref<16x1024xf32, #tpu.memory_space<vmem>>, vector<1x16xf32>,
        %get3A_274 = arith.index_cast %add3A_121 : i32 to index
        %get3A_275 = arith.constant 176 : index
        %get3A_276 = tpu.vector_load %arg5[%get3A_274, %get3A_275] {strides = array<i32>} : memref<16x1024xf32, #tpu.memory_space<vmem>>, vector<1x16xf32>,
        %get3A_277 = vector.shape_cast %get3A_276 : vector<1x16xf32> to vector<1x16xf32>
        %get3A_278 = arith.index_cast %add3A_121 : i32 to index
        %get3A_279 = arith.constant 176 : index
        %get3A_280 = tpu.vector_load %arg7[%get3A_278, %get3A_279] {strides = array<i32>} : memref<16x1024xf32, #tpu.memory_space<vmem>>, vector<1x16xf32>,
        %get3A_281 = vector.shape_cast %get3A_280 : vector<1x16xf32> to vector<1x16xf32>
        %add3A_282 = arith.addf %get3A_277, %get3A_281 : vector<1x16xf32>
        %swap3A_283 = arith.index_cast %add3A_121 : i32 to index
        %swap3A_284 = arith.constant 176 : index
        %swap3A_285 = tpu.vector_load %arg9[%swap3A_283, %swap3A_284] {strides = array<i32>} : memref<16x1024xf32, #tpu.memory_space<vmem>>, vector<1x16xf32>,
        %swap3A_286 = vector.shape_cast %swap3A_285 : vector<1x16xf32> to vector<1x16xf32>
        %swap3A_287 = vector.shape_cast %add3A_282 : vector<1x16xf32> to vector<1x16xf32>
        tpu.vector_store %arg9[%swap3A_283, %swap3A_284], %swap3A_287 {strides = array<i32>} : memref<16x1024xf32, #tpu.memory_space<vmem>>, vector<1x16xf32>,
        %get3A_288 = arith.index_cast %add3A_121 : i32 to index
        %get3A_289 = arith.constant 192 : index
        %get3A_290 = tpu.vector_load %arg5[%get3A_288, %get3A_289] {strides = array<i32>} : memref<16x1024xf32, #tpu.memory_space<vmem>>, vector<1x16xf32>,
        %get3A_291 = vector.shape_cast %get3A_290 : vector<1x16xf32> to vector<1x16xf32>
        %get3A_292 = arith.index_cast %add3A_121 : i32 to index
        %get3A_293 = arith.constant 192 : index
        %get3A_294 = tpu.vector_load %arg7[%get3A_292, %get3A_293] {strides = array<i32>} : memref<16x1024xf32, #tpu.memory_space<vmem>>, vector<1x16xf32>,
        %get3A_295 = vector.shape_cast %get3A_294 : vector<1x16xf32> to vector<1x16xf32>
        %add3A_296 = arith.addf %get3A_291, %get3A_295 : vector<1x16xf32>
        %swap3A_297 = arith.index_cast %add3A_121 : i32 to index
        %swap3A_298 = arith.constant 192 : index
        %swap3A_299 = tpu.vector_load %arg9[%swap3A_297, %swap3A_298] {strides = array<i32>} : memref<16x1024xf32, #tpu.memory_space<vmem>>, vector<1x16xf32>,
        %swap3A_300 = vector.shape_cast %swap3A_299 : vector<1x16xf32> to vector<1x16xf32>
        %swap3A_301 = vector.shape_cast %add3A_296 : vector<1x16xf32> to vector<1x16xf32>
        tpu.vector_store %arg9[%swap3A_297, %swap3A_298], %swap3A_301 {strides = array<i32>} : memref<16x1024xf32, #tpu.memory_space<vmem>>, vector<1x16xf32>,
        %get3A_302 = arith.index_cast %add3A_121 : i32 to index
        %get3A_303 = arith.constant 208 : index
        %get3A_304 = tpu.vector_load %arg5[%get3A_302, %get3A_303] {strides = array<i32>} : memref<16x1024xf32, #tpu.memory_space<vmem>>, vector<1x16xf32>,
        %get3A_305 = vector.shape_cast %get3A_304 : vector<1x16xf32> to vector<1x16xf32>
        %get3A_306 = arith.index_cast %add3A_121 : i32 to index
        %get3A_307 = arith.constant 208 : index
        %get3A_308 = tpu.vector_load %arg7[%get3A_306, %get3A_307] {strides = array<i32>} : memref<16x1024xf32, #tpu.memory_space<vmem>>, vector<1x16xf32>,
        %get3A_309 = vector.shape_cast %get3A_308 : vector<1x16xf32> to vector<1x16xf32>
        %add3A_310 = arith.addf %get3A_305, %get3A_309 : vector<1x16xf32>
        %swap3A_311 = arith.index_cast %add3A_121 : i32 to index
        %swap3A_312 = arith.constant 208 : index
        %swap3A_313 = tpu.vector_load %arg9[%swap3A_311, %swap3A_312] {strides = array<i32>} : memref<16x1024xf32, #tpu.memory_space<vmem>>, vector<1x16xf32>,
        %swap3A_314 = vector.shape_cast %swap3A_313 : vector<1x16xf32> to vector<1x16xf32>
        %swap3A_315 = vector.shape_cast %add3A_310 : vector<1x16xf32> to vector<1x16xf32>
        tpu.vector_store %arg9[%swap3A_311, %swap3A_312], %swap3A_315 {strides = array<i32>} : memref<16x1024xf32, #tpu.memory_space<vmem>>, vector<1x16xf32>,
        %get3A_316 = arith.index_cast %add3A_121 : i32 to index
        %get3A_317 = arith.constant 224 : index
        %get3A_318 = tpu.vector_load %arg5[%get3A_316, %get3A_317] {strides = array<i32>} : memref<16x1024xf32, #tpu.memory_space<vmem>>, vector<1x16xf32>,
        %get3A_319 = vector.shape_cast %get3A_318 : vector<1x16xf32> to vector<1x16xf32>
        %get3A_320 = arith.index_cast %add3A_121 : i32 to index
        %get3A_321 = arith.constant 224 : index
        %get3A_322 = tpu.vector_load %arg7[%get3A_320, %get3A_321] {strides = array<i32>} : memref<16x1024xf32, #tpu.memory_space<vmem>>, vector<1x16xf32>,
        %get3A_323 = vector.shape_cast %get3A_322 : vector<1x16xf32> to vector<1x16xf32>
        %add3A_324 = arith.addf %get3A_319, %get3A_323 : vector<1x16xf32>
        %swap3A_325 = arith.index_cast %add3A_121 : i32 to index
        %swap3A_326 = arith.constant 224 : index
        %swap3A_327 = tpu.vector_load %arg9[%swap3A_325, %swap3A_326] {strides = array<i32>} : memref<16x1024xf32, #tpu.memory_space<vmem>>, vector<1x16xf32>,
        %swap3A_328 = vector.shape_cast %swap3A_327 : vector<1x16xf32> to vector<1x16xf32>
        %swap3A_329 = vector.shape_cast %add3A_324 : vector<1x16xf32> to vector<1x16xf32>
        tpu.vector_store %arg9[%swap3A_325, %swap3A_326], %swap3A_329 {strides = array<i32>} : memref<16x1024xf32, #tpu.memory_space<vmem>>, vector<1x16xf32>,
        %get3A_330 = arith.index_cast %add3A_121 : i32 to index
        %get3A_331 = arith.constant 240 : index
        %get3A_332 = tpu.vector_load %arg5[%get3A_330, %get3A_331] {strides = array<i32>} : memref<16x1024xf32, #tpu.memory_space<vmem>>, vector<1x16xf32>,
        %get3A_333 = vector.shape_cast %get3A_332 : vector<1x16xf32> to vector<1x16xf32>
        %get3A_334 = arith.index_cast %add3A_121 : i32 to index
        %get3A_335 = arith.constant 240 : index
        %get3A_336 = tpu.vector_load %arg7[%get3A_334, %get3A_335] {strides = array<i32>} : memref<16x1024xf32, #tpu.memory_space<vmem>>, vector<1x16xf32>,
        %get3A_337 = vector.shape_cast %get3A_336 : vector<1x16xf32> to vector<1x16xf32>
        %add3A_338 = arith.addf %get3A_333, %get3A_337 : vector<1x16xf32>
        %swap3A_339 = arith.index_cast %add3A_121 : i32 to index
        %swap3A_340 = arith.constant 240 : index
        %swap3A_341 = tpu.vector_load %arg9[%swap3A_339, %swap3A_340] {strides = array<i32>} : memref<16x1024xf32, #tpu.memory_space<vmem>>, vector<1x16xf32>,
        %swap3A_342 = vector.shape_cast %swap3A_341 : vector<1x16xf32> to vector<1x16xf32>
        %swap3A_343 = vector.shape_cast %add3A_338 : vector<1x16xf32> to vector<1x16xf32>
        tpu.vector_store %arg9[%swap3A_339, %swap3A_340], %swap3A_343 {strides = array<i32>} : memref<16x1024xf32, #tpu.memory_space<vmem>>, vector<1x16xf32>,
        %get3A_344 = arith.index_cast %add3A_121 : i32 to index
        %get3A_345 = arith.constant 256 : index
        %get3A_346 = tpu.vector_load %arg5[%get3A_344, %get3A_345] {strides = array<i32>} : memref<16x1024xf32, #tpu.memory_space<vmem>>, vector<1x16xf32>,
        %get3A_347 = vector.shape_cast %get3A_346 : vector<1x16xf32> to vector<1x16xf32>
        %get3A_348 = arith.index_cast %add3A_121 : i32 to index
        %get3A_349 = arith.constant 256 : index
        %get3A_350 = tpu.vector_load %arg7[%get3A_348, %get3A_349] {strides = array<i32>} : memref<16x1024xf32, #tpu.memory_space<vmem>>, vector<1x16xf32>,
        %get3A_351 = vector.shape_cast %get3A_350 : vector<1x16xf32> to vector<1x16xf32>
        %add3A_352 = arith.addf %get3A_347, %get3A_351 : vector<1x16xf32>
        %swap3A_353 = arith.index_cast %add3A_121 : i32 to index
        %swap3A_354 = arith.constant 256 : index
        %swap3A_355 = tpu.vector_load %arg9[%swap3A_353, %swap3A_354] {strides = array<i32>} : memref<16x1024xf32, #tpu.memory_space<vmem>>, vector<1x16xf32>,
        %swap3A_356 = vector.shape_cast %swap3A_355 : vector<1x16xf32> to vector<1x16xf32>
        %swap3A_357 = vector.shape_cast %add3A_352 : vector<1x16xf32> to vector<1x16xf32>
        tpu.vector_store %arg9[%swap3A_353, %swap3A_354], %swap3A_357 {strides = array<i32>} : memref<16x1024xf32, #tpu.memory_space<vmem>>, vector<1x16xf32>,
        %get3A_358 = arith.index_cast %add3A_121 : i32 to index
        %get3A_359 = arith.constant 272 : index
        %get3A_360 = tpu.vector_load %arg5[%get3A_358, %get3A_359] {strides = array<i32>} : memref<16x1024xf32, #tpu.memory_space<vmem>>, vector<1x16xf32>,
        %get3A_361 = vector.shape_cast %get3A_360 : vector<1x16xf32> to vector<1x16xf32>
        %get3A_362 = arith.index_cast %add3A_121 : i32 to index
        %get3A_363 = arith.constant 272 : index
        %get3A_364 = tpu.vector_load %arg7[%get3A_362, %get3A_363] {strides = array<i32>} : memref<16x1024xf32, #tpu.memory_space<vmem>>, vector<1x16xf32>,
        %get3A_365 = vector.shape_cast %get3A_364 : vector<1x16xf32> to vector<1x16xf32>
        %add3A_366 = arith.addf %get3A_361, %get3A_365 : vector<1x16xf32>
        %swap3A_367 = arith.index_cast %add3A_121 : i32 to index
        %swap3A_368 = arith.constant 272 : index
        %swap3A_369 = tpu.vector_load %arg9[%swap3A_367, %swap3A_368] {strides = array<i32>} : memref<16x1024xf32, #tpu.memory_space<vmem>>, vector<1x16xf32>,
        %swap3A_370 = vector.shape_cast %swap3A_369 : vector<1x16xf32> to vector<1x16xf32>
        %swap3A_371 = vector.shape_cast %add3A_366 : vector<1x16xf32> to vector<1x16xf32>
        tpu.vector_store %arg9[%swap3A_367, %swap3A_368], %swap3A_371 {strides = array<i32>} : memref<16x1024xf32, #tpu.memory_space<vmem>>, vector<1x16xf32>,
        %get3A_372 = arith.index_cast %add3A_121 : i32 to index
        %get3A_373 = arith.constant 288 : index
        %get3A_374 = tpu.vector_load %arg5[%get3A_372, %get3A_373] {strides = array<i32>} : memref<16x1024xf32, #tpu.memory_space<vmem>>, vector<1x16xf32>,
        %get3A_375 = vector.shape_cast %get3A_374 : vector<1x16xf32> to vector<1x16xf32>
        %get3A_376 = arith.index_cast %add3A_121 : i32 to index
        %get3A_377 = arith.constant 288 : index
        %get3A_378 = tpu.vector_load %arg7[%get3A_376, %get3A_377] {strides = array<i32>} : memref<16x1024xf32, #tpu.memory_space<vmem>>, vector<1x16xf32>,
        %get3A_379 = vector.shape_cast %get3A_378 : vector<1x16xf32> to vector<1x16xf32>
        %add3A_380 = arith.addf %get3A_375, %get3A_379 : vector<1x16xf32>
        %swap3A_381 = arith.index_cast %add3A_121 : i32 to index
        %swap3A_382 = arith.constant 288 : index
        %swap3A_383 = tpu.vector_load %arg9[%swap3A_381, %swap3A_382] {strides = array<i32>} : memref<16x1024xf32, #tpu.memory_space<vmem>>, vector<1x16xf32>,
        %swap3A_384 = vector.shape_cast %swap3A_383 : vector<1x16xf32> to vector<1x16xf32>
        %swap3A_385 = vector.shape_cast %add3A_380 : vector<1x16xf32> to vector<1x16xf32>
        tpu.vector_store %arg9[%swap3A_381, %swap3A_382], %swap3A_385 {strides = array<i32>} : memref<16x1024xf32, #tpu.memory_space<vmem>>, vector<1x16xf32>,
        %get3A_386 = arith.index_cast %add3A_121 : i32 to index
        %get3A_387 = arith.constant 304 : index
        %get3A_388 = tpu.vector_load %arg5[%get3A_386, %get3A_387] {strides = array<i32>} : memref<16x1024xf32, #tpu.memory_space<vmem>>, vector<1x16xf32>,
        %get3A_389 = vector.shape_cast %get3A_388 : vector<1x16xf32> to vector<1x16xf32>
        %get3A_390 = arith.index_cast %add3A_121 : i32 to index
        %get3A_391 = arith.constant 304 : index
        %get3A_392 = tpu.vector_load %arg7[%get3A_390, %get3A_391] {strides = array<i32>} : memref<16x1024xf32, #tpu.memory_space<vmem>>, vector<1x16xf32>,
        %get3A_393 = vector.shape_cast %get3A_392 : vector<1x16xf32> to vector<1x16xf32>
        %add3A_394 = arith.addf %get3A_389, %get3A_393 : vector<1x16xf32>
        %swap3A_395 = arith.index_cast %add3A_121 : i32 to index
        %swap3A_396 = arith.constant 304 : index
        %swap3A_397 = tpu.vector_load %arg9[%swap3A_395, %swap3A_396] {strides = array<i32>} : memref<16x1024xf32, #tpu.memory_space<vmem>>, vector<1x16xf32>,
        %swap3A_398 = vector.shape_cast %swap3A_397 : vector<1x16xf32> to vector<1x16xf32>
        %swap3A_399 = vector.shape_cast %add3A_394 : vector<1x16xf32> to vector<1x16xf32>
        tpu.vector_store %arg9[%swap3A_395, %swap3A_396], %swap3A_399 {strides = array<i32>} : memref<16x1024xf32, #tpu.memory_space<vmem>>, vector<1x16xf32>,
        %get3A_400 = arith.index_cast %add3A_121 : i32 to index
        %get3A_401 = arith.constant 320 : index
        %get3A_402 = tpu.vector_load %arg5[%get3A_400, %get3A_401] {strides = array<i32>} : memref<16x1024xf32, #tpu.memory_space<vmem>>, vector<1x16xf32>,
        %get3A_403 = vector.shape_cast %get3A_402 : vector<1x16xf32> to vector<1x16xf32>
        %get3A_404 = arith.index_cast %add3A_121 : i32 to index
        %get3A_405 = arith.constant 320 : index
        %get3A_406 = tpu.vector_load %arg7[%get3A_404, %get3A_405] {strides = array<i32>} : memref<16x1024xf32, #tpu.memory_space<vmem>>, vector<1x16xf32>,
        %get3A_407 = vector.shape_cast %get3A_406 : vector<1x16xf32> to vector<1x16xf32>
        %add3A_408 = arith.addf %get3A_403, %get3A_407 : vector<1x16xf32>
        %swap3A_409 = arith.index_cast %add3A_121 : i32 to index
        %swap3A_410 = arith.constant 320 : index
        %swap3A_411 = tpu.vector_load %arg9[%swap3A_409, %swap3A_410] {strides = array<i32>} : memref<16x1024xf32, #tpu.memory_space<vmem>>, vector<1x16xf32>,
        %swap3A_412 = vector.shape_cast %swap3A_411 : vector<1x16xf32> to vector<1x16xf32>
        %swap3A_413 = vector.shape_cast %add3A_408 : vector<1x16xf32> to vector<1x16xf32>
        tpu.vector_store %arg9[%swap3A_409, %swap3A_410], %swap3A_413 {strides = array<i32>} : memref<16x1024xf32, #tpu.memory_space<vmem>>, vector<1x16xf32>,
        %get3A_414 = arith.index_cast %add3A_121 : i32 to index
        %get3A_415 = arith.constant 336 : index
        %get3A_416 = tpu.vector_load %arg5[%get3A_414, %get3A_415] {strides = array<i32>} : memref<16x1024xf32, #tpu.memory_space<vmem>>, vector<1x16xf32>,
        %get3A_417 = vector.shape_cast %get3A_416 : vector<1x16xf32> to vector<1x16xf32>
        %get3A_418 = arith.index_cast %add3A_121 : i32 to index
        %get3A_419 = arith.constant 336 : index
        %get3A_420 = tpu.vector_load %arg7[%get3A_418, %get3A_419] {strides = array<i32>} : memref<16x1024xf32, #tpu.memory_space<vmem>>, vector<1x16xf32>,
        %get3A_421 = vector.shape_cast %get3A_420 : vector<1x16xf32> to vector<1x16xf32>
        %add3A_422 = arith.addf %get3A_417, %get3A_421 : vector<1x16xf32>
        %swap3A_423 = arith.index_cast %add3A_121 : i32 to index
        %swap3A_424 = arith.constant 336 : index
        %swap3A_425 = tpu.vector_load %arg9[%swap3A_423, %swap3A_424] {strides = array<i32>} : memref<16x1024xf32, #tpu.memory_space<vmem>>, vector<1x16xf32>,
        %swap3A_426 = vector.shape_cast %swap3A_425 : vector<1x16xf32> to vector<1x16xf32>
        %swap3A_427 = vector.shape_cast %add3A_422 : vector<1x16xf32> to vector<1x16xf32>
        tpu.vector_store %arg9[%swap3A_423, %swap3A_424], %swap3A_427 {strides = array<i32>} : memref<16x1024xf32, #tpu.memory_space<vmem>>, vector<1x16xf32>,
        %get3A_428 = arith.index_cast %add3A_121 : i32 to index
        %get3A_429 = arith.constant 352 : index
        %get3A_430 = tpu.vector_load %arg5[%get3A_428, %get3A_429] {strides = array<i32>} : memref<16x1024xf32, #tpu.memory_space<vmem>>, vector<1x16xf32>,
        %get3A_431 = vector.shape_cast %get3A_430 : vector<1x16xf32> to vector<1x16xf32>
        %get3A_432 = arith.index_cast %add3A_121 : i32 to index
        %get3A_433 = arith.constant 352 : index
        %get3A_434 = tpu.vector_load %arg7[%get3A_432, %get3A_433] {strides = array<i32>} : memref<16x1024xf32, #tpu.memory_space<vmem>>, vector<1x16xf32>,
        %get3A_435 = vector.shape_cast %get3A_434 : vector<1x16xf32> to vector<1x16xf32>
        %add3A_436 = arith.addf %get3A_431, %get3A_435 : vector<1x16xf32>
        %swap3A_437 = arith.index_cast %add3A_121 : i32 to index
        %swap3A_438 = arith.constant 352 : index
        %swap3A_439 = tpu.vector_load %arg9[%swap3A_437, %swap3A_438] {strides = array<i32>} : memref<16x1024xf32, #tpu.memory_space<vmem>>, vector<1x16xf32>,
        %swap3A_440 = vector.shape_cast %swap3A_439 : vector<1x16xf32> to vector<1x16xf32>
        %swap3A_441 = vector.shape_cast %add3A_436 : vector<1x16xf32> to vector<1x16xf32>
        tpu.vector_store %arg9[%swap3A_437, %swap3A_438], %swap3A_441 {strides = array<i32>} : memref<16x1024xf32, #tpu.memory_space<vmem>>, vector<1x16xf32>,
        %get3A_442 = arith.index_cast %add3A_121 : i32 to index
        %get3A_443 = arith.constant 368 : index
        %get3A_444 = tpu.vector_load %arg5[%get3A_442, %get3A_443] {strides = array<i32>} : memref<16x1024xf32, #tpu.memory_space<vmem>>, vector<1x16xf32>,
        %get3A_445 = vector.shape_cast %get3A_444 : vector<1x16xf32> to vector<1x16xf32>
        %get3A_446 = arith.index_cast %add3A_121 : i32 to index
        %get3A_447 = arith.constant 368 : index
        %get3A_448 = tpu.vector_load %arg7[%get3A_446, %get3A_447] {strides = array<i32>} : memref<16x1024xf32, #tpu.memory_space<vmem>>, vector<1x16xf32>,
        %get3A_449 = vector.shape_cast %get3A_448 : vector<1x16xf32> to vector<1x16xf32>
        %add3A_450 = arith.addf %get3A_445, %get3A_449 : vector<1x16xf32>
        %swap3A_451 = arith.index_cast %add3A_121 : i32 to index
        %swap3A_452 = arith.constant 368 : index
        %swap3A_453 = tpu.vector_load %arg9[%swap3A_451, %swap3A_452] {strides = array<i32>} : memref<16x1024xf32, #tpu.memory_space<vmem>>, vector<1x16xf32>,
        %swap3A_454 = vector.shape_cast %swap3A_453 : vector<1x16xf32> to vector<1x16xf32>
        %swap3A_455 = vector.shape_cast %add3A_450 : vector<1x16xf32> to vector<1x16xf32>
        tpu.vector_store %arg9[%swap3A_451, %swap3A_452], %swap3A_455 {strides = array<i32>} : memref<16x1024xf32, #tpu.memory_space<vmem>>, vector<1x16xf32>,
        %get3A_456 = arith.index_cast %add3A_121 : i32 to index
        %get3A_457 = arith.constant 384 : index
        %get3A_458 = tpu.vector_load %arg5[%get3A_456, %get3A_457] {strides = array<i32>} : memref<16x1024xf32, #tpu.memory_space<vmem>>, vector<1x16xf32>,
        %get3A_459 = vector.shape_cast %get3A_458 : vector<1x16xf32> to vector<1x16xf32>
        %get3A_460 = arith.index_cast %add3A_121 : i32 to index
        %get3A_461 = arith.constant 384 : index
        %get3A_462 = tpu.vector_load %arg7[%get3A_460, %get3A_461] {strides = array<i32>} : memref<16x1024xf32, #tpu.memory_space<vmem>>, vector<1x16xf32>,
        %get3A_463 = vector.shape_cast %get3A_462 : vector<1x16xf32> to vector<1x16xf32>
        %add3A_464 = arith.addf %get3A_459, %get3A_463 : vector<1x16xf32>
        %swap3A_465 = arith.index_cast %add3A_121 : i32 to index
        %swap3A_466 = arith.constant 384 : index
        %swap3A_467 = tpu.vector_load %arg9[%swap3A_465, %swap3A_466] {strides = array<i32>} : memref<16x1024xf32, #tpu.memory_space<vmem>>, vector<1x16xf32>,
        %swap3A_468 = vector.shape_cast %swap3A_467 : vector<1x16xf32> to vector<1x16xf32>
        %swap3A_469 = vector.shape_cast %add3A_464 : vector<1x16xf32> to vector<1x16xf32>
        tpu.vector_store %arg9[%swap3A_465, %swap3A_466], %swap3A_469 {strides = array<i32>} : memref<16x1024xf32, #tpu.memory_space<vmem>>, vector<1x16xf32>,
        %get3A_470 = arith.index_cast %add3A_121 : i32 to index
        %get3A_471 = arith.constant 400 : index
        %get3A_472 = tpu.vector_load %arg5[%get3A_470, %get3A_471] {strides = array<i32>} : memref<16x1024xf32, #tpu.memory_space<vmem>>, vector<1x16xf32>,
        %get3A_473 = vector.shape_cast %get3A_472 : vector<1x16xf32> to vector<1x16xf32>
        %get3A_474 = arith.index_cast %add3A_121 : i32 to index
        %get3A_475 = arith.constant 400 : index
        %get3A_476 = tpu.vector_load %arg7[%get3A_474, %get3A_475] {strides = array<i32>} : memref<16x1024xf32, #tpu.memory_space<vmem>>, vector<1x16xf32>,
        %get3A_477 = vector.shape_cast %get3A_476 : vector<1x16xf32> to vector<1x16xf32>
        %add3A_478 = arith.addf %get3A_473, %get3A_477 : vector<1x16xf32>
        %swap3A_479 = arith.index_cast %add3A_121 : i32 to index
        %swap3A_480 = arith.constant 400 : index
        %swap3A_481 = tpu.vector_load %arg9[%swap3A_479, %swap3A_480] {strides = array<i32>} : memref<16x1024xf32, #tpu.memory_space<vmem>>, vector<1x16xf32>,
        %swap3A_482 = vector.shape_cast %swap3A_481 : vector<1x16xf32> to vector<1x16xf32>
        %swap3A_483 = vector.shape_cast %add3A_478 : vector<1x16xf32> to vector<1x16xf32>
        tpu.vector_store %arg9[%swap3A_479, %swap3A_480], %swap3A_483 {strides = array<i32>} : memref<16x1024xf32, #tpu.memory_space<vmem>>, vector<1x16xf32>,
        %get3A_484 = arith.index_cast %add3A_121 : i32 to index
        %get3A_485 = arith.constant 416 : index
        %get3A_486 = tpu.vector_load %arg5[%get3A_484, %get3A_485] {strides = array<i32>} : memref<16x1024xf32, #tpu.memory_space<vmem>>, vector<1x16xf32>,
        %get3A_487 = vector.shape_cast %get3A_486 : vector<1x16xf32> to vector<1x16xf32>
        %get3A_488 = arith.index_cast %add3A_121 : i32 to index
        %get3A_489 = arith.constant 416 : index
        %get3A_490 = tpu.vector_load %arg7[%get3A_488, %get3A_489] {strides = array<i32>} : memref<16x1024xf32, #tpu.memory_space<vmem>>, vector<1x16xf32>,
        %get3A_491 = vector.shape_cast %get3A_490 : vector<1x16xf32> to vector<1x16xf32>
        %add3A_492 = arith.addf %get3A_487, %get3A_491 : vector<1x16xf32>
        %swap3A_493 = arith.index_cast %add3A_121 : i32 to index
        %swap3A_494 = arith.constant 416 : index
        %swap3A_495 = tpu.vector_load %arg9[%swap3A_493, %swap3A_494] {strides = array<i32>} : memref<16x1024xf32, #tpu.memory_space<vmem>>, vector<1x16xf32>,
        %swap3A_496 = vector.shape_cast %swap3A_495 : vector<1x16xf32> to vector<1x16xf32>
        %swap3A_497 = vector.shape_cast %add3A_492 : vector<1x16xf32> to vector<1x16xf32>
        tpu.vector_store %arg9[%swap3A_493, %swap3A_494], %swap3A_497 {strides = array<i32>} : memref<16x1024xf32, #tpu.memory_space<vmem>>, vector<1x16xf32>,
        %get3A_498 = arith.index_cast %add3A_121 : i32 to index
        %get3A_499 = arith.constant 432 : index
        %get3A_500 = tpu.vector_load %arg5[%get3A_498, %get3A_499] {strides = array<i32>} : memref<16x1024xf32, #tpu.memory_space<vmem>>, vector<1x16xf32>,
        %get3A_501 = vector.shape_cast %get3A_500 : vector<1x16xf32> to vector<1x16xf32>
        %get3A_502 = arith.index_cast %add3A_121 : i32 to index
        %get3A_503 = arith.constant 432 : index
        %get3A_504 = tpu.vector_load %arg7[%get3A_502, %get3A_503] {strides = array<i32>} : memref<16x1024xf32, #tpu.memory_space<vmem>>, vector<1x16xf32>,
        %get3A_505 = vector.shape_cast %get3A_504 : vector<1x16xf32> to vector<1x16xf32>
        %add3A_506 = arith.addf %get3A_501, %get3A_505 : vector<1x16xf32>
        %swap3A_507 = arith.index_cast %add3A_121 : i32 to index
        %swap3A_508 = arith.constant 432 : index
        %swap3A_509 = tpu.vector_load %arg9[%swap3A_507, %swap3A_508] {strides = array<i32>} : memref<16x1024xf32, #tpu.memory_space<vmem>>, vector<1x16xf32>,
        %swap3A_510 = vector.shape_cast %swap3A_509 : vector<1x16xf32> to vector<1x16xf32>
        %swap3A_511 = vector.shape_cast %add3A_506 : vector<1x16xf32> to vector<1x16xf32>
        tpu.vector_store %arg9[%swap3A_507, %swap3A_508], %swap3A_511 {strides = array<i32>} : memref<16x1024xf32, #tpu.memory_space<vmem>>, vector<1x16xf32>,
        %get3A_512 = arith.index_cast %add3A_121 : i32 to index
        %get3A_513 = arith.constant 448 : index
        %get3A_514 = tpu.vector_load %arg5[%get3A_512, %get3A_513] {strides = array<i32>} : memref<16x1024xf32, #tpu.memory_space<vmem>>, vector<1x16xf32>,
        %get3A_515 = vector.shape_cast %get3A_514 : vector<1x16xf32> to vector<1x16xf32>
        %get3A_516 = arith.index_cast %add3A_121 : i32 to index
        %get3A_517 = arith.constant 448 : index
        %get3A_518 = tpu.vector_load %arg7[%get3A_516, %get3A_517] {strides = array<i32>} : memref<16x1024xf32, #tpu.memory_space<vmem>>, vector<1x16xf32>,
        %get3A_519 = vector.shape_cast %get3A_518 : vector<1x16xf32> to vector<1x16xf32>
        %add3A_520 = arith.addf %get3A_515, %get3A_519 : vector<1x16xf32>
        %swap3A_521 = arith.index_cast %add3A_121 : i32 to index
        %swap3A_522 = arith.constant 448 : index
        %swap3A_523 = tpu.vector_load %arg9[%swap3A_521, %swap3A_522] {strides = array<i32>} : memref<16x1024xf32, #tpu.memory_space<vmem>>, vector<1x16xf32>,
        %swap3A_524 = vector.shape_cast %swap3A_523 : vector<1x16xf32> to vector<1x16xf32>
        %swap3A_525 = vector.shape_cast %add3A_520 : vector<1x16xf32> to vector<1x16xf32>
        tpu.vector_store %arg9[%swap3A_521, %swap3A_522], %swap3A_525 {strides = array<i32>} : memref<16x1024xf32, #tpu.memory_space<vmem>>, vector<1x16xf32>,
        %get3A_526 = arith.index_cast %add3A_121 : i32 to index
        %get3A_527 = arith.constant 464 : index
        %get3A_528 = tpu.vector_load %arg5[%get3A_526, %get3A_527] {strides = array<i32>} : memref<16x1024xf32, #tpu.memory_space<vmem>>, vector<1x16xf32>,
        %get3A_529 = vector.shape_cast %get3A_528 : vector<1x16xf32> to vector<1x16xf32>
        %get3A_530 = arith.index_cast %add3A_121 : i32 to index
        %get3A_531 = arith.constant 464 : index
        %get3A_532 = tpu.vector_load %arg7[%get3A_530, %get3A_531] {strides = array<i32>} : memref<16x1024xf32, #tpu.memory_space<vmem>>, vector<1x16xf32>,
        %get3A_533 = vector.shape_cast %get3A_532 : vector<1x16xf32> to vector<1x16xf32>
        %add3A_534 = arith.addf %get3A_529, %get3A_533 : vector<1x16xf32>
        %swap3A_535 = arith.index_cast %add3A_121 : i32 to index
        %swap3A_536 = arith.constant 464 : index
        %swap3A_537 = tpu.vector_load %arg9[%swap3A_535, %swap3A_536] {strides = array<i32>} : memref<16x1024xf32, #tpu.memory_space<vmem>>, vector<1x16xf32>,
        %swap3A_538 = vector.shape_cast %swap3A_537 : vector<1x16xf32> to vector<1x16xf32>
        %swap3A_539 = vector.shape_cast %add3A_534 : vector<1x16xf32> to vector<1x16xf32>
        tpu.vector_store %arg9[%swap3A_535, %swap3A_536], %swap3A_539 {strides = array<i32>} : memref<16x1024xf32, #tpu.memory_space<vmem>>, vector<1x16xf32>,
        %get3A_540 = arith.index_cast %add3A_121 : i32 to index
        %get3A_541 = arith.constant 480 : index
        %get3A_542 = tpu.vector_load %arg5[%get3A_540, %get3A_541] {strides = array<i32>} : memref<16x1024xf32, #tpu.memory_space<vmem>>, vector<1x16xf32>,
        %get3A_543 = vector.shape_cast %get3A_542 : vector<1x16xf32> to vector<1x16xf32>
        %get3A_544 = arith.index_cast %add3A_121 : i32 to index
        %get3A_545 = arith.constant 480 : index
        %get3A_546 = tpu.vector_load %arg7[%get3A_544, %get3A_545] {strides = array<i32>} : memref<16x1024xf32, #tpu.memory_space<vmem>>, vector<1x16xf32>,
        %get3A_547 = vector.shape_cast %get3A_546 : vector<1x16xf32> to vector<1x16xf32>
        %add3A_548 = arith.addf %get3A_543, %get3A_547 : vector<1x16xf32>
        %swap3A_549 = arith.index_cast %add3A_121 : i32 to index
        %swap3A_550 = arith.constant 480 : index
        %swap3A_551 = tpu.vector_load %arg9[%swap3A_549, %swap3A_550] {strides = array<i32>} : memref<16x1024xf32, #tpu.memory_space<vmem>>, vector<1x16xf32>,
        %swap3A_552 = vector.shape_cast %swap3A_551 : vector<1x16xf32> to vector<1x16xf32>
        %swap3A_553 = vector.shape_cast %add3A_548 : vector<1x16xf32> to vector<1x16xf32>
        tpu.vector_store %arg9[%swap3A_549, %swap3A_550], %swap3A_553 {strides = array<i32>} : memref<16x1024xf32, #tpu.memory_space<vmem>>, vector<1x16xf32>,
        %get3A_554 = arith.index_cast %add3A_121 : i32 to index
        %get3A_555 = arith.constant 496 : index
        %get3A_556 = tpu.vector_load %arg5[%get3A_554, %get3A_555] {strides = array<i32>} : memref<16x1024xf32, #tpu.memory_space<vmem>>, vector<1x16xf32>,
        %get3A_557 = vector.shape_cast %get3A_556 : vector<1x16xf32> to vector<1x16xf32>
        %get3A_558 = arith.index_cast %add3A_121 : i32 to index
        %get3A_559 = arith.constant 496 : index
        %get3A_560 = tpu.vector_load %arg7[%get3A_558, %get3A_559] {strides = array<i32>} : memref<16x1024xf32, #tpu.memory_space<vmem>>, vector<1x16xf32>,
        %get3A_561 = vector.shape_cast %get3A_560 : vector<1x16xf32> to vector<1x16xf32>
        %add3A_562 = arith.addf %get3A_557, %get3A_561 : vector<1x16xf32>
        %swap3A_563 = arith.index_cast %add3A_121 : i32 to index
        %swap3A_564 = arith.constant 496 : index
        %swap3A_565 = tpu.vector_load %arg9[%swap3A_563, %swap3A_564] {strides = array<i32>} : memref<16x1024xf32, #tpu.memory_space<vmem>>, vector<1x16xf32>,
        %swap3A_566 = vector.shape_cast %swap3A_565 : vector<1x16xf32> to vector<1x16xf32>
        %swap3A_567 = vector.shape_cast %add3A_562 : vector<1x16xf32> to vector<1x16xf32>
        tpu.vector_store %arg9[%swap3A_563, %swap3A_564], %swap3A_567 {strides = array<i32>} : memref<16x1024xf32, #tpu.memory_space<vmem>>, vector<1x16xf32>,
        %get3A_568 = arith.index_cast %add3A_121 : i32 to index
        %get3A_569 = arith.constant 512 : index
        %get3A_570 = tpu.vector_load %arg5[%get3A_568, %get3A_569] {strides = array<i32>} : memref<16x1024xf32, #tpu.memory_space<vmem>>, vector<1x16xf32>,
        %get3A_571 = vector.shape_cast %get3A_570 : vector<1x16xf32> to vector<1x16xf32>
        %get3A_572 = arith.index_cast %add3A_121 : i32 to index
        %get3A_573 = arith.constant 512 : index
        %get3A_574 = tpu.vector_load %arg7[%get3A_572, %get3A_573] {strides = array<i32>} : memref<16x1024xf32, #tpu.memory_space<vmem>>, vector<1x16xf32>,
        %get3A_575 = vector.shape_cast %get3A_574 : vector<1x16xf32> to vector<1x16xf32>
        %add3A_576 = arith.addf %get3A_571, %get3A_575 : vector<1x16xf32>
        %swap3A_577 = arith.index_cast %add3A_121 : i32 to index
        %swap3A_578 = arith.constant 512 : index
        %swap3A_579 = tpu.vector_load %arg9[%swap3A_577, %swap3A_578] {strides = array<i32>} : memref<16x1024xf32, #tpu.memory_space<vmem>>, vector<1x16xf32>,
        %swap3A_580 = vector.shape_cast %swap3A_579 : vector<1x16xf32> to vector<1x16xf32>
        %swap3A_581 = vector.shape_cast %add3A_576 : vector<1x16xf32> to vector<1x16xf32>
        tpu.vector_store %arg9[%swap3A_577, %swap3A_578], %swap3A_581 {strides = array<i32>} : memref<16x1024xf32, #tpu.memory_space<vmem>>, vector<1x16xf32>,
        %get3A_582 = arith.index_cast %add3A_121 : i32 to index
        %get3A_583 = arith.constant 528 : index
        %get3A_584 = tpu.vector_load %arg5[%get3A_582, %get3A_583] {strides = array<i32>} : memref<16x1024xf32, #tpu.memory_space<vmem>>, vector<1x16xf32>,
        %get3A_585 = vector.shape_cast %get3A_584 : vector<1x16xf32> to vector<1x16xf32>
        %get3A_586 = arith.index_cast %add3A_121 : i32 to index
        %get3A_587 = arith.constant 528 : index
        %get3A_588 = tpu.vector_load %arg7[%get3A_586, %get3A_587] {strides = array<i32>} : memref<16x1024xf32, #tpu.memory_space<vmem>>, vector<1x16xf32>,
        %get3A_589 = vector.shape_cast %get3A_588 : vector<1x16xf32> to vector<1x16xf32>
        %add3A_590 = arith.addf %get3A_585, %get3A_589 : vector<1x16xf32>
        %swap3A_591 = arith.index_cast %add3A_121 : i32 to index
        %swap3A_592 = arith.constant 528 : index
        %swap3A_593 = tpu.vector_load %arg9[%swap3A_591, %swap3A_592] {strides = array<i32>} : memref<16x1024xf32, #tpu.memory_space<vmem>>, vector<1x16xf32>,
        %swap3A_594 = vector.shape_cast %swap3A_593 : vector<1x16xf32> to vector<1x16xf32>
        %swap3A_595 = vector.shape_cast %add3A_590 : vector<1x16xf32> to vector<1x16xf32>
        tpu.vector_store %arg9[%swap3A_591, %swap3A_592], %swap3A_595 {strides = array<i32>} : memref<16x1024xf32, #tpu.memory_space<vmem>>, vector<1x16xf32>,
        %get3A_596 = arith.index_cast %add3A_121 : i32 to index
        %get3A_597 = arith.constant 544 : index
        %get3A_598 = tpu.vector_load %arg5[%get3A_596, %get3A_597] {strides = array<i32>} : memref<16x1024xf32, #tpu.memory_space<vmem>>, vector<1x16xf32>,
        %get3A_599 = vector.shape_cast %get3A_598 : vector<1x16xf32> to vector<1x16xf32>
        %get3A_600 = arith.index_cast %add3A_121 : i32 to index
        %get3A_601 = arith.constant 544 : index
        %get3A_602 = tpu.vector_load %arg7[%get3A_600, %get3A_601] {strides = array<i32>} : memref<16x1024xf32, #tpu.memory_space<vmem>>, vector<1x16xf32>,
        %get3A_603 = vector.shape_cast %get3A_602 : vector<1x16xf32> to vector<1x16xf32>
        %add3A_604 = arith.addf %get3A_599, %get3A_603 : vector<1x16xf32>
        %swap3A_605 = arith.index_cast %add3A_121 : i32 to index
        %swap3A_606 = arith.constant 544 : index
        %swap3A_607 = tpu.vector_load %arg9[%swap3A_605, %swap3A_606] {strides = array<i32>} : memref<16x1024xf32, #tpu.memory_space<vmem>>, vector<1x16xf32>,
        %swap3A_608 = vector.shape_cast %swap3A_607 : vector<1x16xf32> to vector<1x16xf32>
        %swap3A_609 = vector.shape_cast %add3A_604 : vector<1x16xf32> to vector<1x16xf32>
        tpu.vector_store %arg9[%swap3A_605, %swap3A_606], %swap3A_609 {strides = array<i32>} : memref<16x1024xf32, #tpu.memory_space<vmem>>, vector<1x16xf32>,
        %get3A_610 = arith.index_cast %add3A_121 : i32 to index
        %get3A_611 = arith.constant 560 : index
        %get3A_612 = tpu.vector_load %arg5[%get3A_610, %get3A_611] {strides = array<i32>} : memref<16x1024xf32, #tpu.memory_space<vmem>>, vector<1x16xf32>,
        %get3A_613 = vector.shape_cast %get3A_612 : vector<1x16xf32> to vector<1x16xf32>
        %get3A_614 = arith.index_cast %add3A_121 : i32 to index
        %get3A_615 = arith.constant 560 : index
        %get3A_616 = tpu.vector_load %arg7[%get3A_614, %get3A_615] {strides = array<i32>} : memref<16x1024xf32, #tpu.memory_space<vmem>>, vector<1x16xf32>,
        %get3A_617 = vector.shape_cast %get3A_616 : vector<1x16xf32> to vector<1x16xf32>
        %add3A_618 = arith.addf %get3A_613, %get3A_617 : vector<1x16xf32>
        %swap3A_619 = arith.index_cast %add3A_121 : i32 to index
        %swap3A_620 = arith.constant 560 : index
        %swap3A_621 = tpu.vector_load %arg9[%swap3A_619, %swap3A_620] {strides = array<i32>} : memref<16x1024xf32, #tpu.memory_space<vmem>>, vector<1x16xf32>,
        %swap3A_622 = vector.shape_cast %swap3A_621 : vector<1x16xf32> to vector<1x16xf32>
        %swap3A_623 = vector.shape_cast %add3A_618 : vector<1x16xf32> to vector<1x16xf32>
        tpu.vector_store %arg9[%swap3A_619, %swap3A_620], %swap3A_623 {strides = array<i32>} : memref<16x1024xf32, #tpu.memory_space<vmem>>, vector<1x16xf32>,
        %get3A_624 = arith.index_cast %add3A_121 : i32 to index
        %get3A_625 = arith.constant 576 : index
        %get3A_626 = tpu.vector_load %arg5[%get3A_624, %get3A_625] {strides = array<i32>} : memref<16x1024xf32, #tpu.memory_space<vmem>>, vector<1x16xf32>,
        %get3A_627 = vector.shape_cast %get3A_626 : vector<1x16xf32> to vector<1x16xf32>
        %get3A_628 = arith.index_cast %add3A_121 : i32 to index
        %get3A_629 = arith.constant 576 : index
        %get3A_630 = tpu.vector_load %arg7[%get3A_628, %get3A_629] {strides = array<i32>} : memref<16x1024xf32, #tpu.memory_space<vmem>>, vector<1x16xf32>,
        %get3A_631 = vector.shape_cast %get3A_630 : vector<1x16xf32> to vector<1x16xf32>
        %add3A_632 = arith.addf %get3A_627, %get3A_631 : vector<1x16xf32>
        %swap3A_633 = arith.index_cast %add3A_121 : i32 to index
        %swap3A_634 = arith.constant 576 : index
        %swap3A_635 = tpu.vector_load %arg9[%swap3A_633, %swap3A_634] {strides = array<i32>} : memref<16x1024xf32, #tpu.memory_space<vmem>>, vector<1x16xf32>,
        %swap3A_636 = vector.shape_cast %swap3A_635 : vector<1x16xf32> to vector<1x16xf32>
        %swap3A_637 = vector.shape_cast %add3A_632 : vector<1x16xf32> to vector<1x16xf32>
        tpu.vector_store %arg9[%swap3A_633, %swap3A_634], %swap3A_637 {strides = array<i32>} : memref<16x1024xf32, #tpu.memory_space<vmem>>, vector<1x16xf32>,
        %get3A_638 = arith.index_cast %add3A_121 : i32 to index
        %get3A_639 = arith.constant 592 : index
        %get3A_640 = tpu.vector_load %arg5[%get3A_638, %get3A_639] {strides = array<i32>} : memref<16x1024xf32, #tpu.memory_space<vmem>>, vector<1x16xf32>,
        %get3A_641 = vector.shape_cast %get3A_640 : vector<1x16xf32> to vector<1x16xf32>
        %get3A_642 = arith.index_cast %add3A_121 : i32 to index
        %get3A_643 = arith.constant 592 : index
        %get3A_644 = tpu.vector_load %arg7[%get3A_642, %get3A_643] {strides = array<i32>} : memref<16x1024xf32, #tpu.memory_space<vmem>>, vector<1x16xf32>,
        %get3A_645 = vector.shape_cast %get3A_644 : vector<1x16xf32> to vector<1x16xf32>
        %add3A_646 = arith.addf %get3A_641, %get3A_645 : vector<1x16xf32>
        %swap3A_647 = arith.index_cast %add3A_121 : i32 to index
        %swap3A_648 = arith.constant 592 : index
        %swap3A_649 = tpu.vector_load %arg9[%swap3A_647, %swap3A_648] {strides = array<i32>} : memref<16x1024xf32, #tpu.memory_space<vmem>>, vector<1x16xf32>,
        %swap3A_650 = vector.shape_cast %swap3A_649 : vector<1x16xf32> to vector<1x16xf32>
        %swap3A_651 = vector.shape_cast %add3A_646 : vector<1x16xf32> to vector<1x16xf32>
        tpu.vector_store %arg9[%swap3A_647, %swap3A_648], %swap3A_651 {strides = array<i32>} : memref<16x1024xf32, #tpu.memory_space<vmem>>, vector<1x16xf32>,
        %get3A_652 = arith.index_cast %add3A_121 : i32 to index
        %get3A_653 = arith.constant 608 : index
        %get3A_654 = tpu.vector_load %arg5[%get3A_652, %get3A_653] {strides = array<i32>} : memref<16x1024xf32, #tpu.memory_space<vmem>>, vector<1x16xf32>,
        %get3A_655 = vector.shape_cast %get3A_654 : vector<1x16xf32> to vector<1x16xf32>
        %get3A_656 = arith.index_cast %add3A_121 : i32 to index
        %get3A_657 = arith.constant 608 : index
        %get3A_658 = tpu.vector_load %arg7[%get3A_656, %get3A_657] {strides = array<i32>} : memref<16x1024xf32, #tpu.memory_space<vmem>>, vector<1x16xf32>,
        %get3A_659 = vector.shape_cast %get3A_658 : vector<1x16xf32> to vector<1x16xf32>
        %add3A_660 = arith.addf %get3A_655, %get3A_659 : vector<1x16xf32>
        %swap3A_661 = arith.index_cast %add3A_121 : i32 to index
        %swap3A_662 = arith.constant 608 : index
        %swap3A_663 = tpu.vector_load %arg9[%swap3A_661, %swap3A_662] {strides = array<i32>} : memref<16x1024xf32, #tpu.memory_space<vmem>>, vector<1x16xf32>,
        %swap3A_664 = vector.shape_cast %swap3A_663 : vector<1x16xf32> to vector<1x16xf32>
        %swap3A_665 = vector.shape_cast %add3A_660 : vector<1x16xf32> to vector<1x16xf32>
        tpu.vector_store %arg9[%swap3A_661, %swap3A_662], %swap3A_665 {strides = array<i32>} : memref<16x1024xf32, #tpu.memory_space<vmem>>, vector<1x16xf32>,
        %get3A_666 = arith.index_cast %add3A_121 : i32 to index
        %get3A_667 = arith.constant 624 : index
        %get3A_668 = tpu.vector_load %arg5[%get3A_666, %get3A_667] {strides = array<i32>} : memref<16x1024xf32, #tpu.memory_space<vmem>>, vector<1x16xf32>,
        %get3A_669 = vector.shape_cast %get3A_668 : vector<1x16xf32> to vector<1x16xf32>
        %get3A_670 = arith.index_cast %add3A_121 : i32 to index
        %get3A_671 = arith.constant 624 : index
        %get3A_672 = tpu.vector_load %arg7[%get3A_670, %get3A_671] {strides = array<i32>} : memref<16x1024xf32, #tpu.memory_space<vmem>>, vector<1x16xf32>,
        %get3A_673 = vector.shape_cast %get3A_672 : vector<1x16xf32> to vector<1x16xf32>
        %add3A_674 = arith.addf %get3A_669, %get3A_673 : vector<1x16xf32>
        %swap3A_675 = arith.index_cast %add3A_121 : i32 to index
        %swap3A_676 = arith.constant 624 : index
        %swap3A_677 = tpu.vector_load %arg9[%swap3A_675, %swap3A_676] {strides = array<i32>} : memref<16x1024xf32, #tpu.memory_space<vmem>>, vector<1x16xf32>,
        %swap3A_678 = vector.shape_cast %swap3A_677 : vector<1x16xf32> to vector<1x16xf32>
        %swap3A_679 = vector.shape_cast %add3A_674 : vector<1x16xf32> to vector<1x16xf32>
        tpu.vector_store %arg9[%swap3A_675, %swap3A_676], %swap3A_679 {strides = array<i32>} : memref<16x1024xf32, #tpu.memory_space<vmem>>, vector<1x16xf32>,
        %get3A_680 = arith.index_cast %add3A_121 : i32 to index
        %get3A_681 = arith.constant 640 : index
        %get3A_682 = tpu.vector_load %arg5[%get3A_680, %get3A_681] {strides = array<i32>} : memref<16x1024xf32, #tpu.memory_space<vmem>>, vector<1x16xf32>,
        %get3A_683 = vector.shape_cast %get3A_682 : vector<1x16xf32> to vector<1x16xf32>
        %get3A_684 = arith.index_cast %add3A_121 : i32 to index
        %get3A_685 = arith.constant 640 : index
        %get3A_686 = tpu.vector_load %arg7[%get3A_684, %get3A_685] {strides = array<i32>} : memref<16x1024xf32, #tpu.memory_space<vmem>>, vector<1x16xf32>,
        %get3A_687 = vector.shape_cast %get3A_686 : vector<1x16xf32> to vector<1x16xf32>
        %add3A_688 = arith.addf %get3A_683, %get3A_687 : vector<1x16xf32>
        %swap3A_689 = arith.index_cast %add3A_121 : i32 to index
        %swap3A_690 = arith.constant 640 : index
        %swap3A_691 = tpu.vector_load %arg9[%swap3A_689, %swap3A_690] {strides = array<i32>} : memref<16x1024xf32, #tpu.memory_space<vmem>>, vector<1x16xf32>,
        %swap3A_692 = vector.shape_cast %swap3A_691 : vector<1x16xf32> to vector<1x16xf32>
        %swap3A_693 = vector.shape_cast %add3A_688 : vector<1x16xf32> to vector<1x16xf32>
        tpu.vector_store %arg9[%swap3A_689, %swap3A_690], %swap3A_693 {strides = array<i32>} : memref<16x1024xf32, #tpu.memory_space<vmem>>, vector<1x16xf32>,
        %get3A_694 = arith.index_cast %add3A_121 : i32 to index
        %get3A_695 = arith.constant 656 : index
        %get3A_696 = tpu.vector_load %arg5[%get3A_694, %get3A_695] {strides = array<i32>} : memref<16x1024xf32, #tpu.memory_space<vmem>>, vector<1x16xf32>,
        %get3A_697 = vector.shape_cast %get3A_696 : vector<1x16xf32> to vector<1x16xf32>
        %get3A_698 = arith.index_cast %add3A_121 : i32 to index
        %get3A_699 = arith.constant 656 : index
        %get3A_700 = tpu.vector_load %arg7[%get3A_698, %get3A_699] {strides = array<i32>} : memref<16x1024xf32, #tpu.memory_space<vmem>>, vector<1x16xf32>,
        %get3A_701 = vector.shape_cast %get3A_700 : vector<1x16xf32> to vector<1x16xf32>
        %add3A_702 = arith.addf %get3A_697, %get3A_701 : vector<1x16xf32>
        %swap3A_703 = arith.index_cast %add3A_121 : i32 to index
        %swap3A_704 = arith.constant 656 : index
        %swap3A_705 = tpu.vector_load %arg9[%swap3A_703, %swap3A_704] {strides = array<i32>} : memref<16x1024xf32, #tpu.memory_space<vmem>>, vector<1x16xf32>,
        %swap3A_706 = vector.shape_cast %swap3A_705 : vector<1x16xf32> to vector<1x16xf32>
        %swap3A_707 = vector.shape_cast %add3A_702 : vector<1x16xf32> to vector<1x16xf32>
        tpu.vector_store %arg9[%swap3A_703, %swap3A_704], %swap3A_707 {strides = array<i32>} : memref<16x1024xf32, #tpu.memory_space<vmem>>, vector<1x16xf32>,
        %get3A_708 = arith.index_cast %add3A_121 : i32 to index
        %get3A_709 = arith.constant 672 : index
        %get3A_710 = tpu.vector_load %arg5[%get3A_708, %get3A_709] {strides = array<i32>} : memref<16x1024xf32, #tpu.memory_space<vmem>>, vector<1x16xf32>,
        %get3A_711 = vector.shape_cast %get3A_710 : vector<1x16xf32> to vector<1x16xf32>
        %get3A_712 = arith.index_cast %add3A_121 : i32 to index
        %get3A_713 = arith.constant 672 : index
        %get3A_714 = tpu.vector_load %arg7[%get3A_712, %get3A_713] {strides = array<i32>} : memref<16x1024xf32, #tpu.memory_space<vmem>>, vector<1x16xf32>,
        %get3A_715 = vector.shape_cast %get3A_714 : vector<1x16xf32> to vector<1x16xf32>
        %add3A_716 = arith.addf %get3A_711, %get3A_715 : vector<1x16xf32>
        %swap3A_717 = arith.index_cast %add3A_121 : i32 to index
        %swap3A_718 = arith.constant 672 : index
        %swap3A_719 = tpu.vector_load %arg9[%swap3A_717, %swap3A_718] {strides = array<i32>} : memref<16x1024xf32, #tpu.memory_space<vmem>>, vector<1x16xf32>,
        %swap3A_720 = vector.shape_cast %swap3A_719 : vector<1x16xf32> to vector<1x16xf32>
        %swap3A_721 = vector.shape_cast %add3A_716 : vector<1x16xf32> to vector<1x16xf32>
        tpu.vector_store %arg9[%swap3A_717, %swap3A_718], %swap3A_721 {strides = array<i32>} : memref<16x1024xf32, #tpu.memory_space<vmem>>, vector<1x16xf32>,
        %get3A_722 = arith.index_cast %add3A_121 : i32 to index
        %get3A_723 = arith.constant 688 : index
        %get3A_724 = tpu.vector_load %arg5[%get3A_722, %get3A_723] {strides = array<i32>} : memref<16x1024xf32, #tpu.memory_space<vmem>>, vector<1x16xf32>,
        %get3A_725 = vector.shape_cast %get3A_724 : vector<1x16xf32> to vector<1x16xf32>
        %get3A_726 = arith.index_cast %add3A_121 : i32 to index
        %get3A_727 = arith.constant 688 : index
        %get3A_728 = tpu.vector_load %arg7[%get3A_726, %get3A_727] {strides = array<i32>} : memref<16x1024xf32, #tpu.memory_space<vmem>>, vector<1x16xf32>,
        %get3A_729 = vector.shape_cast %get3A_728 : vector<1x16xf32> to vector<1x16xf32>
        %add3A_730 = arith.addf %get3A_725, %get3A_729 : vector<1x16xf32>
        %swap3A_731 = arith.index_cast %add3A_121 : i32 to index
        %swap3A_732 = arith.constant 688 : index
        %swap3A_733 = tpu.vector_load %arg9[%swap3A_731, %swap3A_732] {strides = array<i32>} : memref<16x1024xf32, #tpu.memory_space<vmem>>, vector<1x16xf32>,
        %swap3A_734 = vector.shape_cast %swap3A_733 : vector<1x16xf32> to vector<1x16xf32>
        %swap3A_735 = vector.shape_cast %add3A_730 : vector<1x16xf32> to vector<1x16xf32>
        tpu.vector_store %arg9[%swap3A_731, %swap3A_732], %swap3A_735 {strides = array<i32>} : memref<16x1024xf32, #tpu.memory_space<vmem>>, vector<1x16xf32>,
        %get3A_736 = arith.index_cast %add3A_121 : i32 to index
        %get3A_737 = arith.constant 704 : index
        %get3A_738 = tpu.vector_load %arg5[%get3A_736, %get3A_737] {strides = array<i32>} : memref<16x1024xf32, #tpu.memory_space<vmem>>, vector<1x16xf32>,
        %get3A_739 = vector.shape_cast %get3A_738 : vector<1x16xf32> to vector<1x16xf32>
        %get3A_740 = arith.index_cast %add3A_121 : i32 to index
        %get3A_741 = arith.constant 704 : index
        %get3A_742 = tpu.vector_load %arg7[%get3A_740, %get3A_741] {strides = array<i32>} : memref<16x1024xf32, #tpu.memory_space<vmem>>, vector<1x16xf32>,
        %get3A_743 = vector.shape_cast %get3A_742 : vector<1x16xf32> to vector<1x16xf32>
        %add3A_744 = arith.addf %get3A_739, %get3A_743 : vector<1x16xf32>
        %swap3A_745 = arith.index_cast %add3A_121 : i32 to index
        %swap3A_746 = arith.constant 704 : index
        %swap3A_747 = tpu.vector_load %arg9[%swap3A_745, %swap3A_746] {strides = array<i32>} : memref<16x1024xf32, #tpu.memory_space<vmem>>, vector<1x16xf32>,
        %swap3A_748 = vector.shape_cast %swap3A_747 : vector<1x16xf32> to vector<1x16xf32>
        %swap3A_749 = vector.shape_cast %add3A_744 : vector<1x16xf32> to vector<1x16xf32>
        tpu.vector_store %arg9[%swap3A_745, %swap3A_746], %swap3A_749 {strides = array<i32>} : memref<16x1024xf32, #tpu.memory_space<vmem>>, vector<1x16xf32>,
        %get3A_750 = arith.index_cast %add3A_121 : i32 to index
        %get3A_751 = arith.constant 720 : index
        %get3A_752 = tpu.vector_load %arg5[%get3A_750, %get3A_751] {strides = array<i32>} : memref<16x1024xf32, #tpu.memory_space<vmem>>, vector<1x16xf32>,
        %get3A_753 = vector.shape_cast %get3A_752 : vector<1x16xf32> to vector<1x16xf32>
        %get3A_754 = arith.index_cast %add3A_121 : i32 to index
        %get3A_755 = arith.constant 720 : index
        %get3A_756 = tpu.vector_load %arg7[%get3A_754, %get3A_755] {strides = array<i32>} : memref<16x1024xf32, #tpu.memory_space<vmem>>, vector<1x16xf32>,
        %get3A_757 = vector.shape_cast %get3A_756 : vector<1x16xf32> to vector<1x16xf32>
        %add3A_758 = arith.addf %get3A_753, %get3A_757 : vector<1x16xf32>
        %swap3A_759 = arith.index_cast %add3A_121 : i32 to index
        %swap3A_760 = arith.constant 720 : index
        %swap3A_761 = tpu.vector_load %arg9[%swap3A_759, %swap3A_760] {strides = array<i32>} : memref<16x1024xf32, #tpu.memory_space<vmem>>, vector<1x16xf32>,
        %swap3A_762 = vector.shape_cast %swap3A_761 : vector<1x16xf32> to vector<1x16xf32>
        %swap3A_763 = vector.shape_cast %add3A_758 : vector<1x16xf32> to vector<1x16xf32>
        tpu.vector_store %arg9[%swap3A_759, %swap3A_760], %swap3A_763 {strides = array<i32>} : memref<16x1024xf32, #tpu.memory_space<vmem>>, vector<1x16xf32>,
        %get3A_764 = arith.index_cast %add3A_121 : i32 to index
        %get3A_765 = arith.constant 736 : index
        %get3A_766 = tpu.vector_load %arg5[%get3A_764, %get3A_765] {strides = array<i32>} : memref<16x1024xf32, #tpu.memory_space<vmem>>, vector<1x16xf32>,
        %get3A_767 = vector.shape_cast %get3A_766 : vector<1x16xf32> to vector<1x16xf32>
        %get3A_768 = arith.index_cast %add3A_121 : i32 to index
        %get3A_769 = arith.constant 736 : index
        %get3A_770 = tpu.vector_load %arg7[%get3A_768, %get3A_769] {strides = array<i32>} : memref<16x1024xf32, #tpu.memory_space<vmem>>, vector<1x16xf32>,
        %get3A_771 = vector.shape_cast %get3A_770 : vector<1x16xf32> to vector<1x16xf32>
        %add3A_772 = arith.addf %get3A_767, %get3A_771 : vector<1x16xf32>
        %swap3A_773 = arith.index_cast %add3A_121 : i32 to index
        %swap3A_774 = arith.constant 736 : index
        %swap3A_775 = tpu.vector_load %arg9[%swap3A_773, %swap3A_774] {strides = array<i32>} : memref<16x1024xf32, #tpu.memory_space<vmem>>, vector<1x16xf32>,
        %swap3A_776 = vector.shape_cast %swap3A_775 : vector<1x16xf32> to vector<1x16xf32>
        %swap3A_777 = vector.shape_cast %add3A_772 : vector<1x16xf32> to vector<1x16xf32>
        tpu.vector_store %arg9[%swap3A_773, %swap3A_774], %swap3A_777 {strides = array<i32>} : memref<16x1024xf32, #tpu.memory_space<vmem>>, vector<1x16xf32>,
        %get3A_778 = arith.index_cast %add3A_121 : i32 to index
        %get3A_779 = arith.constant 752 : index
        %get3A_780 = tpu.vector_load %arg5[%get3A_778, %get3A_779] {strides = array<i32>} : memref<16x1024xf32, #tpu.memory_space<vmem>>, vector<1x16xf32>,
        %get3A_781 = vector.shape_cast %get3A_780 : vector<1x16xf32> to vector<1x16xf32>
        %get3A_782 = arith.index_cast %add3A_121 : i32 to index
        %get3A_783 = arith.constant 752 : index
        %get3A_784 = tpu.vector_load %arg7[%get3A_782, %get3A_783] {strides = array<i32>} : memref<16x1024xf32, #tpu.memory_space<vmem>>, vector<1x16xf32>,
        %get3A_785 = vector.shape_cast %get3A_784 : vector<1x16xf32> to vector<1x16xf32>
        %add3A_786 = arith.addf %get3A_781, %get3A_785 : vector<1x16xf32>
        %swap3A_787 = arith.index_cast %add3A_121 : i32 to index
        %swap3A_788 = arith.constant 752 : index
        %swap3A_789 = tpu.vector_load %arg9[%swap3A_787, %swap3A_788] {strides = array<i32>} : memref<16x1024xf32, #tpu.memory_space<vmem>>, vector<1x16xf32>,
        %swap3A_790 = vector.shape_cast %swap3A_789 : vector<1x16xf32> to vector<1x16xf32>
        %swap3A_791 = vector.shape_cast %add3A_786 : vector<1x16xf32> to vector<1x16xf32>
        tpu.vector_store %arg9[%swap3A_787, %swap3A_788], %swap3A_791 {strides = array<i32>} : memref<16x1024xf32, #tpu.memory_space<vmem>>, vector<1x16xf32>,
        %get3A_792 = arith.index_cast %add3A_121 : i32 to index
        %get3A_793 = arith.constant 768 : index
        %get3A_794 = tpu.vector_load %arg5[%get3A_792, %get3A_793] {strides = array<i32>} : memref<16x1024xf32, #tpu.memory_space<vmem>>, vector<1x16xf32>,
        %get3A_795 = vector.shape_cast %get3A_794 : vector<1x16xf32> to vector<1x16xf32>
        %get3A_796 = arith.index_cast %add3A_121 : i32 to index
        %get3A_797 = arith.constant 768 : index
        %get3A_798 = tpu.vector_load %arg7[%get3A_796, %get3A_797] {strides = array<i32>} : memref<16x1024xf32, #tpu.memory_space<vmem>>, vector<1x16xf32>,
        %get3A_799 = vector.shape_cast %get3A_798 : vector<1x16xf32> to vector<1x16xf32>
        %add3A_800 = arith.addf %get3A_795, %get3A_799 : vector<1x16xf32>
        %swap3A_801 = arith.index_cast %add3A_121 : i32 to index
        %swap3A_802 = arith.constant 768 : index
        %swap3A_803 = tpu.vector_load %arg9[%swap3A_801, %swap3A_802] {strides = array<i32>} : memref<16x1024xf32, #tpu.memory_space<vmem>>, vector<1x16xf32>,
        %swap3A_804 = vector.shape_cast %swap3A_803 : vector<1x16xf32> to vector<1x16xf32>
        %swap3A_805 = vector.shape_cast %add3A_800 : vector<1x16xf32> to vector<1x16xf32>
        tpu.vector_store %arg9[%swap3A_801, %swap3A_802], %swap3A_805 {strides = array<i32>} : memref<16x1024xf32, #tpu.memory_space<vmem>>, vector<1x16xf32>,
        %get3A_806 = arith.index_cast %add3A_121 : i32 to index
        %get3A_807 = arith.constant 784 : index
        %get3A_808 = tpu.vector_load %arg5[%get3A_806, %get3A_807] {strides = array<i32>} : memref<16x1024xf32, #tpu.memory_space<vmem>>, vector<1x16xf32>,
        %get3A_809 = vector.shape_cast %get3A_808 : vector<1x16xf32> to vector<1x16xf32>
        %get3A_810 = arith.index_cast %add3A_121 : i32 to index
        %get3A_811 = arith.constant 784 : index
        %get3A_812 = tpu.vector_load %arg7[%get3A_810, %get3A_811] {strides = array<i32>} : memref<16x1024xf32, #tpu.memory_space<vmem>>, vector<1x16xf32>,
        %get3A_813 = vector.shape_cast %get3A_812 : vector<1x16xf32> to vector<1x16xf32>
        %add3A_814 = arith.addf %get3A_809, %get3A_813 : vector<1x16xf32>
        %swap3A_815 = arith.index_cast %add3A_121 : i32 to index
        %swap3A_816 = arith.constant 784 : index
        %swap3A_817 = tpu.vector_load %arg9[%swap3A_815, %swap3A_816] {strides = array<i32>} : memref<16x1024xf32, #tpu.memory_space<vmem>>, vector<1x16xf32>,
        %swap3A_818 = vector.shape_cast %swap3A_817 : vector<1x16xf32> to vector<1x16xf32>
        %swap3A_819 = vector.shape_cast %add3A_814 : vector<1x16xf32> to vector<1x16xf32>
        tpu.vector_store %arg9[%swap3A_815, %swap3A_816], %swap3A_819 {strides = array<i32>} : memref<16x1024xf32, #tpu.memory_space<vmem>>, vector<1x16xf32>,
        %get3A_820 = arith.index_cast %add3A_121 : i32 to index
        %get3A_821 = arith.constant 800 : index
        %get3A_822 = tpu.vector_load %arg5[%get3A_820, %get3A_821] {strides = array<i32>} : memref<16x1024xf32, #tpu.memory_space<vmem>>, vector<1x16xf32>,
        %get3A_823 = vector.shape_cast %get3A_822 : vector<1x16xf32> to vector<1x16xf32>
        %get3A_824 = arith.index_cast %add3A_121 : i32 to index
        %get3A_825 = arith.constant 800 : index
        %get3A_826 = tpu.vector_load %arg7[%get3A_824, %get3A_825] {strides = array<i32>} : memref<16x1024xf32, #tpu.memory_space<vmem>>, vector<1x16xf32>,
        %get3A_827 = vector.shape_cast %get3A_826 : vector<1x16xf32> to vector<1x16xf32>
        %add3A_828 = arith.addf %get3A_823, %get3A_827 : vector<1x16xf32>
        %swap3A_829 = arith.index_cast %add3A_121 : i32 to index
        %swap3A_830 = arith.constant 800 : index
        %swap3A_831 = tpu.vector_load %arg9[%swap3A_829, %swap3A_830] {strides = array<i32>} : memref<16x1024xf32, #tpu.memory_space<vmem>>, vector<1x16xf32>,
        %swap3A_832 = vector.shape_cast %swap3A_831 : vector<1x16xf32> to vector<1x16xf32>
        %swap3A_833 = vector.shape_cast %add3A_828 : vector<1x16xf32> to vector<1x16xf32>
        tpu.vector_store %arg9[%swap3A_829, %swap3A_830], %swap3A_833 {strides = array<i32>} : memref<16x1024xf32, #tpu.memory_space<vmem>>, vector<1x16xf32>,
        %get3A_834 = arith.index_cast %add3A_121 : i32 to index
        %get3A_835 = arith.constant 816 : index
        %get3A_836 = tpu.vector_load %arg5[%get3A_834, %get3A_835] {strides = array<i32>} : memref<16x1024xf32, #tpu.memory_space<vmem>>, vector<1x16xf32>,
        %get3A_837 = vector.shape_cast %get3A_836 : vector<1x16xf32> to vector<1x16xf32>
        %get3A_838 = arith.index_cast %add3A_121 : i32 to index
        %get3A_839 = arith.constant 816 : index
        %get3A_840 = tpu.vector_load %arg7[%get3A_838, %get3A_839] {strides = array<i32>} : memref<16x1024xf32, #tpu.memory_space<vmem>>, vector<1x16xf32>,
        %get3A_841 = vector.shape_cast %get3A_840 : vector<1x16xf32> to vector<1x16xf32>
        %add3A_842 = arith.addf %get3A_837, %get3A_841 : vector<1x16xf32>
        %swap3A_843 = arith.index_cast %add3A_121 : i32 to index
        %swap3A_844 = arith.constant 816 : index
        %swap3A_845 = tpu.vector_load %arg9[%swap3A_843, %swap3A_844] {strides = array<i32>} : memref<16x1024xf32, #tpu.memory_space<vmem>>, vector<1x16xf32>,
        %swap3A_846 = vector.shape_cast %swap3A_845 : vector<1x16xf32> to vector<1x16xf32>
        %swap3A_847 = vector.shape_cast %add3A_842 : vector<1x16xf32> to vector<1x16xf32>
        tpu.vector_store %arg9[%swap3A_843, %swap3A_844], %swap3A_847 {strides = array<i32>} : memref<16x1024xf32, #tpu.memory_space<vmem>>, vector<1x16xf32>,
        %get3A_848 = arith.index_cast %add3A_121 : i32 to index
        %get3A_849 = arith.constant 832 : index
        %get3A_850 = tpu.vector_load %arg5[%get3A_848, %get3A_849] {strides = array<i32>} : memref<16x1024xf32, #tpu.memory_space<vmem>>, vector<1x16xf32>,
        %get3A_851 = vector.shape_cast %get3A_850 : vector<1x16xf32> to vector<1x16xf32>
        %get3A_852 = arith.index_cast %add3A_121 : i32 to index
        %get3A_853 = arith.constant 832 : index
        %get3A_854 = tpu.vector_load %arg7[%get3A_852, %get3A_853] {strides = array<i32>} : memref<16x1024xf32, #tpu.memory_space<vmem>>, vector<1x16xf32>,
        %get3A_855 = vector.shape_cast %get3A_854 : vector<1x16xf32> to vector<1x16xf32>
        %add3A_856 = arith.addf %get3A_851, %get3A_855 : vector<1x16xf32>
        %swap3A_857 = arith.index_cast %add3A_121 : i32 to index
        %swap3A_858 = arith.constant 832 : index
        %swap3A_859 = tpu.vector_load %arg9[%swap3A_857, %swap3A_858] {strides = array<i32>} : memref<16x1024xf32, #tpu.memory_space<vmem>>, vector<1x16xf32>,
        %swap3A_860 = vector.shape_cast %swap3A_859 : vector<1x16xf32> to vector<1x16xf32>
        %swap3A_861 = vector.shape_cast %add3A_856 : vector<1x16xf32> to vector<1x16xf32>
        tpu.vector_store %arg9[%swap3A_857, %swap3A_858], %swap3A_861 {strides = array<i32>} : memref<16x1024xf32, #tpu.memory_space<vmem>>, vector<1x16xf32>,
        %get3A_862 = arith.index_cast %add3A_121 : i32 to index
        %get3A_863 = arith.constant 848 : index
        %get3A_864 = tpu.vector_load %arg5[%get3A_862, %get3A_863] {strides = array<i32>} : memref<16x1024xf32, #tpu.memory_space<vmem>>, vector<1x16xf32>,
        %get3A_865 = vector.shape_cast %get3A_864 : vector<1x16xf32> to vector<1x16xf32>
        %get3A_866 = arith.index_cast %add3A_121 : i32 to index
        %get3A_867 = arith.constant 848 : index
        %get3A_868 = tpu.vector_load %arg7[%get3A_866, %get3A_867] {strides = array<i32>} : memref<16x1024xf32, #tpu.memory_space<vmem>>, vector<1x16xf32>,
        %get3A_869 = vector.shape_cast %get3A_868 : vector<1x16xf32> to vector<1x16xf32>
        %add3A_870 = arith.addf %get3A_865, %get3A_869 : vector<1x16xf32>
        %swap3A_871 = arith.index_cast %add3A_121 : i32 to index
        %swap3A_872 = arith.constant 848 : index
        %swap3A_873 = tpu.vector_load %arg9[%swap3A_871, %swap3A_872] {strides = array<i32>} : memref<16x1024xf32, #tpu.memory_space<vmem>>, vector<1x16xf32>,
        %swap3A_874 = vector.shape_cast %swap3A_873 : vector<1x16xf32> to vector<1x16xf32>
        %swap3A_875 = vector.shape_cast %add3A_870 : vector<1x16xf32> to vector<1x16xf32>
        tpu.vector_store %arg9[%swap3A_871, %swap3A_872], %swap3A_875 {strides = array<i32>} : memref<16x1024xf32, #tpu.memory_space<vmem>>, vector<1x16xf32>,
        %get3A_876 = arith.index_cast %add3A_121 : i32 to index
        %get3A_877 = arith.constant 864 : index
        %get3A_878 = tpu.vector_load %arg5[%get3A_876, %get3A_877] {strides = array<i32>} : memref<16x1024xf32, #tpu.memory_space<vmem>>, vector<1x16xf32>,
        %get3A_879 = vector.shape_cast %get3A_878 : vector<1x16xf32> to vector<1x16xf32>
        %get3A_880 = arith.index_cast %add3A_121 : i32 to index
        %get3A_881 = arith.constant 864 : index
        %get3A_882 = tpu.vector_load %arg7[%get3A_880, %get3A_881] {strides = array<i32>} : memref<16x1024xf32, #tpu.memory_space<vmem>>, vector<1x16xf32>,
        %get3A_883 = vector.shape_cast %get3A_882 : vector<1x16xf32> to vector<1x16xf32>
        %add3A_884 = arith.addf %get3A_879, %get3A_883 : vector<1x16xf32>
        %swap3A_885 = arith.index_cast %add3A_121 : i32 to index
        %swap3A_886 = arith.constant 864 : index
        %swap3A_887 = tpu.vector_load %arg9[%swap3A_885, %swap3A_886] {strides = array<i32>} : memref<16x1024xf32, #tpu.memory_space<vmem>>, vector<1x16xf32>,
        %swap3A_888 = vector.shape_cast %swap3A_887 : vector<1x16xf32> to vector<1x16xf32>
        %swap3A_889 = vector.shape_cast %add3A_884 : vector<1x16xf32> to vector<1x16xf32>
        tpu.vector_store %arg9[%swap3A_885, %swap3A_886], %swap3A_889 {strides = array<i32>} : memref<16x1024xf32, #tpu.memory_space<vmem>>, vector<1x16xf32>,
        %get3A_890 = arith.index_cast %add3A_121 : i32 to index
        %get3A_891 = arith.constant 880 : index
        %get3A_892 = tpu.vector_load %arg5[%get3A_890, %get3A_891] {strides = array<i32>} : memref<16x1024xf32, #tpu.memory_space<vmem>>, vector<1x16xf32>,
        %get3A_893 = vector.shape_cast %get3A_892 : vector<1x16xf32> to vector<1x16xf32>
        %get3A_894 = arith.index_cast %add3A_121 : i32 to index
        %get3A_895 = arith.constant 880 : index
        %get3A_896 = tpu.vector_load %arg7[%get3A_894, %get3A_895] {strides = array<i32>} : memref<16x1024xf32, #tpu.memory_space<vmem>>, vector<1x16xf32>,
        %get3A_897 = vector.shape_cast %get3A_896 : vector<1x16xf32> to vector<1x16xf32>
        %add3A_898 = arith.addf %get3A_893, %get3A_897 : vector<1x16xf32>
        %swap3A_899 = arith.index_cast %add3A_121 : i32 to index
        %swap3A_900 = arith.constant 880 : index
        %swap3A_901 = tpu.vector_load %arg9[%swap3A_899, %swap3A_900] {strides = array<i32>} : memref<16x1024xf32, #tpu.memory_space<vmem>>, vector<1x16xf32>,
        %swap3A_902 = vector.shape_cast %swap3A_901 : vector<1x16xf32> to vector<1x16xf32>
        %swap3A_903 = vector.shape_cast %add3A_898 : vector<1x16xf32> to vector<1x16xf32>
        tpu.vector_store %arg9[%swap3A_899, %swap3A_900], %swap3A_903 {strides = array<i32>} : memref<16x1024xf32, #tpu.memory_space<vmem>>, vector<1x16xf32>,
        %get3A_904 = arith.index_cast %add3A_121 : i32 to index
        %get3A_905 = arith.constant 896 : index
        %get3A_906 = tpu.vector_load %arg5[%get3A_904, %get3A_905] {strides = array<i32>} : memref<16x1024xf32, #tpu.memory_space<vmem>>, vector<1x16xf32>,
        %get3A_907 = vector.shape_cast %get3A_906 : vector<1x16xf32> to vector<1x16xf32>
        %get3A_908 = arith.index_cast %add3A_121 : i32 to index
        %get3A_909 = arith.constant 896 : index
        %get3A_910 = tpu.vector_load %arg7[%get3A_908, %get3A_909] {strides = array<i32>} : memref<16x1024xf32, #tpu.memory_space<vmem>>, vector<1x16xf32>,
        %get3A_911 = vector.shape_cast %get3A_910 : vector<1x16xf32> to vector<1x16xf32>
        %add3A_912 = arith.addf %get3A_907, %get3A_911 : vector<1x16xf32>
        %swap3A_913 = arith.index_cast %add3A_121 : i32 to index
        %swap3A_914 = arith.constant 896 : index
        %swap3A_915 = tpu.vector_load %arg9[%swap3A_913, %swap3A_914] {strides = array<i32>} : memref<16x1024xf32, #tpu.memory_space<vmem>>, vector<1x16xf32>,
        %swap3A_916 = vector.shape_cast %swap3A_915 : vector<1x16xf32> to vector<1x16xf32>
        %swap3A_917 = vector.shape_cast %add3A_912 : vector<1x16xf32> to vector<1x16xf32>
        tpu.vector_store %arg9[%swap3A_913, %swap3A_914], %swap3A_917 {strides = array<i32>} : memref<16x1024xf32, #tpu.memory_space<vmem>>, vector<1x16xf32>,
        %get3A_918 = arith.index_cast %add3A_121 : i32 to index
        %get3A_919 = arith.constant 912 : index
        %get3A_920 = tpu.vector_load %arg5[%get3A_918, %get3A_919] {strides = array<i32>} : memref<16x1024xf32, #tpu.memory_space<vmem>>, vector<1x16xf32>,
        %get3A_921 = vector.shape_cast %get3A_920 : vector<1x16xf32> to vector<1x16xf32>
        %get3A_922 = arith.index_cast %add3A_121 : i32 to index
        %get3A_923 = arith.constant 912 : index
        %get3A_924 = tpu.vector_load %arg7[%get3A_922, %get3A_923] {strides = array<i32>} : memref<16x1024xf32, #tpu.memory_space<vmem>>, vector<1x16xf32>,
        %get3A_925 = vector.shape_cast %get3A_924 : vector<1x16xf32> to vector<1x16xf32>
        %add3A_926 = arith.addf %get3A_921, %get3A_925 : vector<1x16xf32>
        %swap3A_927 = arith.index_cast %add3A_121 : i32 to index
        %swap3A_928 = arith.constant 912 : index
        %swap3A_929 = tpu.vector_load %arg9[%swap3A_927, %swap3A_928] {strides = array<i32>} : memref<16x1024xf32, #tpu.memory_space<vmem>>, vector<1x16xf32>,
        %swap3A_930 = vector.shape_cast %swap3A_929 : vector<1x16xf32> to vector<1x16xf32>
        %swap3A_931 = vector.shape_cast %add3A_926 : vector<1x16xf32> to vector<1x16xf32>
        tpu.vector_store %arg9[%swap3A_927, %swap3A_928], %swap3A_931 {strides = array<i32>} : memref<16x1024xf32, #tpu.memory_space<vmem>>, vector<1x16xf32>,
        %get3A_932 = arith.index_cast %add3A_121 : i32 to index
        %get3A_933 = arith.constant 928 : index
        %get3A_934 = tpu.vector_load %arg5[%get3A_932, %get3A_933] {strides = array<i32>} : memref<16x1024xf32, #tpu.memory_space<vmem>>, vector<1x16xf32>,
        %get3A_935 = vector.shape_cast %get3A_934 : vector<1x16xf32> to vector<1x16xf32>
        %get3A_936 = arith.index_cast %add3A_121 : i32 to index
        %get3A_937 = arith.constant 928 : index
        %get3A_938 = tpu.vector_load %arg7[%get3A_936, %get3A_937] {strides = array<i32>} : memref<16x1024xf32, #tpu.memory_space<vmem>>, vector<1x16xf32>,
        %get3A_939 = vector.shape_cast %get3A_938 : vector<1x16xf32> to vector<1x16xf32>
        %add3A_940 = arith.addf %get3A_935, %get3A_939 : vector<1x16xf32>
        %swap3A_941 = arith.index_cast %add3A_121 : i32 to index
        %swap3A_942 = arith.constant 928 : index
        %swap3A_943 = tpu.vector_load %arg9[%swap3A_941, %swap3A_942] {strides = array<i32>} : memref<16x1024xf32, #tpu.memory_space<vmem>>, vector<1x16xf32>,
        %swap3A_944 = vector.shape_cast %swap3A_943 : vector<1x16xf32> to vector<1x16xf32>
        %swap3A_945 = vector.shape_cast %add3A_940 : vector<1x16xf32> to vector<1x16xf32>
        tpu.vector_store %arg9[%swap3A_941, %swap3A_942], %swap3A_945 {strides = array<i32>} : memref<16x1024xf32, #tpu.memory_space<vmem>>, vector<1x16xf32>,
        %get3A_946 = arith.index_cast %add3A_121 : i32 to index
        %get3A_947 = arith.constant 944 : index
        %get3A_948 = tpu.vector_load %arg5[%get3A_946, %get3A_947] {strides = array<i32>} : memref<16x1024xf32, #tpu.memory_space<vmem>>, vector<1x16xf32>,
        %get3A_949 = vector.shape_cast %get3A_948 : vector<1x16xf32> to vector<1x16xf32>
        %get3A_950 = arith.index_cast %add3A_121 : i32 to index
        %get3A_951 = arith.constant 944 : index
        %get3A_952 = tpu.vector_load %arg7[%get3A_950, %get3A_951] {strides = array<i32>} : memref<16x1024xf32, #tpu.memory_space<vmem>>, vector<1x16xf32>,
        %get3A_953 = vector.shape_cast %get3A_952 : vector<1x16xf32> to vector<1x16xf32>
        %add3A_954 = arith.addf %get3A_949, %get3A_953 : vector<1x16xf32>
        %swap3A_955 = arith.index_cast %add3A_121 : i32 to index
        %swap3A_956 = arith.constant 944 : index
        %swap3A_957 = tpu.vector_load %arg9[%swap3A_955, %swap3A_956] {strides = array<i32>} : memref<16x1024xf32, #tpu.memory_space<vmem>>, vector<1x16xf32>,
        %swap3A_958 = vector.shape_cast %swap3A_957 : vector<1x16xf32> to vector<1x16xf32>
        %swap3A_959 = vector.shape_cast %add3A_954 : vector<1x16xf32> to vector<1x16xf32>
        tpu.vector_store %arg9[%swap3A_955, %swap3A_956], %swap3A_959 {strides = array<i32>} : memref<16x1024xf32, #tpu.memory_space<vmem>>, vector<1x16xf32>,
        %get3A_960 = arith.index_cast %add3A_121 : i32 to index
        %get3A_961 = arith.constant 960 : index
        %get3A_962 = tpu.vector_load %arg5[%get3A_960, %get3A_961] {strides = array<i32>} : memref<16x1024xf32, #tpu.memory_space<vmem>>, vector<1x16xf32>,
        %get3A_963 = vector.shape_cast %get3A_962 : vector<1x16xf32> to vector<1x16xf32>
        %get3A_964 = arith.index_cast %add3A_121 : i32 to index
        %get3A_965 = arith.constant 960 : index
        %get3A_966 = tpu.vector_load %arg7[%get3A_964, %get3A_965] {strides = array<i32>} : memref<16x1024xf32, #tpu.memory_space<vmem>>, vector<1x16xf32>,
        %get3A_967 = vector.shape_cast %get3A_966 : vector<1x16xf32> to vector<1x16xf32>
        %add3A_968 = arith.addf %get3A_963, %get3A_967 : vector<1x16xf32>
        %swap3A_969 = arith.index_cast %add3A_121 : i32 to index
        %swap3A_970 = arith.constant 960 : index
        %swap3A_971 = tpu.vector_load %arg9[%swap3A_969, %swap3A_970] {strides = array<i32>} : memref<16x1024xf32, #tpu.memory_space<vmem>>, vector<1x16xf32>,
        %swap3A_972 = vector.shape_cast %swap3A_971 : vector<1x16xf32> to vector<1x16xf32>
        %swap3A_973 = vector.shape_cast %add3A_968 : vector<1x16xf32> to vector<1x16xf32>
        tpu.vector_store %arg9[%swap3A_969, %swap3A_970], %swap3A_973 {strides = array<i32>} : memref<16x1024xf32, #tpu.memory_space<vmem>>, vector<1x16xf32>,
        %get3A_974 = arith.index_cast %add3A_121 : i32 to index
        %get3A_975 = arith.constant 976 : index
        %get3A_976 = tpu.vector_load %arg5[%get3A_974, %get3A_975] {strides = array<i32>} : memref<16x1024xf32, #tpu.memory_space<vmem>>, vector<1x16xf32>,
        %get3A_977 = vector.shape_cast %get3A_976 : vector<1x16xf32> to vector<1x16xf32>
        %get3A_978 = arith.index_cast %add3A_121 : i32 to index
        %get3A_979 = arith.constant 976 : index
        %get3A_980 = tpu.vector_load %arg7[%get3A_978, %get3A_979] {strides = array<i32>} : memref<16x1024xf32, #tpu.memory_space<vmem>>, vector<1x16xf32>,
        %get3A_981 = vector.shape_cast %get3A_980 : vector<1x16xf32> to vector<1x16xf32>
        %add3A_982 = arith.addf %get3A_977, %get3A_981 : vector<1x16xf32>
        %swap3A_983 = arith.index_cast %add3A_121 : i32 to index
        %swap3A_984 = arith.constant 976 : index
        %swap3A_985 = tpu.vector_load %arg9[%swap3A_983, %swap3A_984] {strides = array<i32>} : memref<16x1024xf32, #tpu.memory_space<vmem>>, vector<1x16xf32>,
        %swap3A_986 = vector.shape_cast %swap3A_985 : vector<1x16xf32> to vector<1x16xf32>
        %swap3A_987 = vector.shape_cast %add3A_982 : vector<1x16xf32> to vector<1x16xf32>
        tpu.vector_store %arg9[%swap3A_983, %swap3A_984], %swap3A_987 {strides = array<i32>} : memref<16x1024xf32, #tpu.memory_space<vmem>>, vector<1x16xf32>,
        %get3A_988 = arith.index_cast %add3A_121 : i32 to index
        %get3A_989 = arith.constant 992 : index
        %get3A_990 = tpu.vector_load %arg5[%get3A_988, %get3A_989] {strides = array<i32>} : memref<16x1024xf32, #tpu.memory_space<vmem>>, vector<1x16xf32>,
        %get3A_991 = vector.shape_cast %get3A_990 : vector<1x16xf32> to vector<1x16xf32>
        %get3A_992 = arith.index_cast %add3A_121 : i32 to index
        %get3A_993 = arith.constant 992 : index
        %get3A_994 = tpu.vector_load %arg7[%get3A_992, %get3A_993] {strides = array<i32>} : memref<16x1024xf32, #tpu.memory_space<vmem>>, vector<1x16xf32>,
        %get3A_995 = vector.shape_cast %get3A_994 : vector<1x16xf32> to vector<1x16xf32>
        %add3A_996 = arith.addf %get3A_991, %get3A_995 : vector<1x16xf32>
        %swap3A_997 = arith.index_cast %add3A_121 : i32 to index
        %swap3A_998 = arith.constant 992 : index
        %swap3A_999 = tpu.vector_load %arg9[%swap3A_997, %swap3A_998] {strides = array<i32>} : memref<16x1024xf32, #tpu.memory_space<vmem>>, vector<1x16xf32>,
        %swap3A_1000 = vector.shape_cast %swap3A_999 : vector<1x16xf32> to vector<1x16xf32>
        %swap3A_1001 = vector.shape_cast %add3A_996 : vector<1x16xf32> to vector<1x16xf32>
        tpu.vector_store %arg9[%swap3A_997, %swap3A_998], %swap3A_1001 {strides = array<i32>} : memref<16x1024xf32, #tpu.memory_space<vmem>>, vector<1x16xf32>,
        %get3A_1002 = arith.index_cast %add3A_121 : i32 to index
        %get3A_1003 = arith.constant 1008 : index
        %get3A_1004 = tpu.vector_load %arg5[%get3A_1002, %get3A_1003] {strides = array<i32>} : memref<16x1024xf32, #tpu.memory_space<vmem>>, vector<1x16xf32>,
        %get3A_1005 = vector.shape_cast %get3A_1004 : vector<1x16xf32> to vector<1x16xf32>
        %get3A_1006 = arith.index_cast %add3A_121 : i32 to index
        %get3A_1007 = arith.constant 1008 : index
        %get3A_1008 = tpu.vector_load %arg7[%get3A_1006, %get3A_1007] {strides = array<i32>} : memref<16x1024xf32, #tpu.memory_space<vmem>>, vector<1x16xf32>,
        %get3A_1009 = vector.shape_cast %get3A_1008 : vector<1x16xf32> to vector<1x16xf32>
        %add3A_1010 = arith.addf %get3A_1005, %get3A_1009 : vector<1x16xf32>
        %swap3A_1011 = arith.index_cast %add3A_121 : i32 to index
        %swap3A_1012 = arith.constant 1008 : index
        %swap3A_1013 = tpu.vector_load %arg9[%swap3A_1011, %swap3A_1012] {strides = array<i32>} : memref<16x1024xf32, #tpu.memory_space<vmem>>, vector<1x16xf32>,
        %swap3A_1014 = vector.shape_cast %swap3A_1013 : vector<1x16xf32> to vector<1x16xf32>
        %swap3A_1015 = vector.shape_cast %add3A_1010 : vector<1x16xf32> to vector<1x16xf32>
        tpu.vector_store %arg9[%swap3A_1011, %swap3A_1012], %swap3A_1015 {strides = array<i32>} : memref<16x1024xf32, #tpu.memory_space<vmem>>, vector<1x16xf32>,
      }
      %scan3A_64 = arith.constant 16 : i32
      %mul3A_65 = arith.constant 16 : i32
      %mul3A_66 = arith.muli %add3A_44, %mul3A_65 : i32
      %add3A_67 = arith.addi %mul3A_2, %mul3A_66 : i32
      %dma_start3A_68 = arith.constant 0 : i32
      %dma_start3A_69 = tpu.memref_slice %arg4[%add3A_67, %dma_start3A_68] : memref<5120x1024xf32, #tpu.memory_space<hbm>> -> memref<16x1024xf32, #tpu.memory_space<hbm>>
      %dma_start3A_70 = arith.constant 0 : i32
      %dma_start3A_71 = tpu.memref_slice %arg4[%add3A_67, %dma_start3A_70] : memref<5120x1024xf32, #tpu.memory_space<hbm>> -> memref<16x1024xf32, #tpu.memory_space<hbm>>
      tpu.enqueue_dma source(%arg9 : memref<16x1024xf32, #tpu.memory_space<vmem>>) target(%dma_start3A_71 : memref<16x1024xf32, #tpu.memory_space<hbm>>) target_semaphore(%arg15 : memref<!tpu.dma_semaphore, #tpu.memory_space<semaphore_mem>>)
      %add3A_72 = arith.constant 2 : i32
      %add3A_73 = arith.addi %add3A_44, %add3A_72 : i32
      %lt3A = arith.constant 10 : i32
      %lt3A_74 = arith.cmpi slt, %add3A_73, %lt3A : i32
      %convert_element_type3A_75 = arith.extui %lt3A_74 : i1 to i32
      %cond3A_76 = arith.constant 0 : i32
      %cond3A_77 = arith.cmpi ne, %convert_element_type3A_75, %cond3A_76 : i32
      scf.if %cond3A_77 {
        %add3A_117 = arith.constant 2 : i32
        %add3A_118 = arith.addi %add3A_44, %add3A_117 : i32
        %mul3A_119 = arith.constant 16 : i32
        %mul3A_120 = arith.muli %add3A_118, %mul3A_119 : i32
        %add3A_121 = arith.addi %mul3A_2, %mul3A_120 : i32
        %rem3A_122 = arith.constant 4096 : i32
        %rem3A_123 = arith.remsi %add3A_121, %rem3A_122 : i32
        %dma_start3A_124 = arith.constant 0 : i32
        %dma_start3A_125 = tpu.memref_slice %arg2[%add3A_121, %dma_start3A_124] : memref<16384x1024xf32, #tpu.memory_space<hbm>> -> memref<16x1024xf32, #tpu.memory_space<hbm>>
        %dma_start3A_126 = arith.constant 0 : i32
        %dma_start3A_127 = tpu.memref_slice %arg2[%add3A_121, %dma_start3A_126] : memref<16384x1024xf32, #tpu.memory_space<hbm>> -> memref<16x1024xf32, #tpu.memory_space<hbm>>
        tpu.enqueue_dma source(%dma_start3A_127 : memref<16x1024xf32, #tpu.memory_space<hbm>>) target(%arg5 : memref<16x1024xf32, #tpu.memory_space<vmem>>) target_semaphore(%arg11 : memref<!tpu.dma_semaphore, #tpu.memory_space<semaphore_mem>>)
        %dma_start3A_128 = arith.constant 0 : i32
        %dma_start3A_129 = tpu.memref_slice %arg3[%rem3A_123, %dma_start3A_128] : memref<4096x1024xf32, #tpu.memory_space<hbm>> -> memref<16x1024xf32, #tpu.memory_space<hbm>>
        %dma_start3A_130 = arith.constant 0 : i32
        %dma_start3A_131 = tpu.memref_slice %arg3[%rem3A_123, %dma_start3A_130] : memref<4096x1024xf32, #tpu.memory_space<hbm>> -> memref<16x1024xf32, #tpu.memory_space<hbm>>
        tpu.enqueue_dma source(%dma_start3A_131 : memref<16x1024xf32, #tpu.memory_space<hbm>>) target(%arg7 : memref<16x1024xf32, #tpu.memory_space<vmem>>) target_semaphore(%arg13 : memref<!tpu.dma_semaphore, #tpu.memory_space<semaphore_mem>>)
      } else {
      }
      %add3A_78 = arith.constant 1 : i32
      %add3A_79 = arith.addi %add3A_44, %add3A_78 : i32
      %mul3A_80 = arith.constant 16 : i32
      %mul3A_81 = arith.muli %add3A_79, %mul3A_80 : i32
      %add3A_82 = arith.addi %mul3A_2, %mul3A_81 : i32
      %rem3A_83 = arith.constant 4096 : i32
      %rem3A_84 = arith.remsi %add3A_82, %rem3A_83 : i32
      %dma_wait3A_85 = arith.constant 0 : i32
      %dma_wait3A_86 = tpu.memref_slice %arg2[%add3A_82, %dma_wait3A_85] : memref<16384x1024xf32, #tpu.memory_space<hbm>> -> memref<16x1024xf32, #tpu.memory_space<hbm>>
      %dma_wait3A_87 = arith.constant 0 : i32
      %dma_wait3A_88 = tpu.memref_slice %arg2[%add3A_82, %dma_wait3A_87] : memref<16384x1024xf32, #tpu.memory_space<hbm>> -> memref<16x1024xf32, #tpu.memory_space<hbm>>
      tpu.wait_dma2 semaphore(%arg12 : memref<!tpu.dma_semaphore, #tpu.memory_space<semaphore_mem>>) src(%dma_wait3A_88 : memref<16x1024xf32, #tpu.memory_space<hbm>>) dst(%arg6 : memref<16x1024xf32, #tpu.memory_space<vmem>>)
      %dma_wait3A_89 = arith.constant 0 : i32
      %dma_wait3A_90 = tpu.memref_slice %arg3[%rem3A_84, %dma_wait3A_89] : memref<4096x1024xf32, #tpu.memory_space<hbm>> -> memref<16x1024xf32, #tpu.memory_space<hbm>>
      %dma_wait3A_91 = arith.constant 0 : i32
      %dma_wait3A_92 = tpu.memref_slice %arg3[%rem3A_84, %dma_wait3A_91] : memref<4096x1024xf32, #tpu.memory_space<hbm>> -> memref<16x1024xf32, #tpu.memory_space<hbm>>
      tpu.wait_dma2 semaphore(%arg14 : memref<!tpu.dma_semaphore, #tpu.memory_space<semaphore_mem>>) src(%dma_wait3A_92 : memref<16x1024xf32, #tpu.memory_space<hbm>>) dst(%arg8 : memref<16x1024xf32, #tpu.memory_space<vmem>>)
      %ge3A_93 = arith.constant 2 : i32
      %ge3A_94 = arith.cmpi sge, %add3A_79, %ge3A_93 : i32
      %convert_element_type3A_95 = arith.extui %ge3A_94 : i1 to i32
      %cond3A_96 = arith.constant 0 : i32
      %cond3A_97 = arith.cmpi ne, %convert_element_type3A_95, %cond3A_96 : i32
      scf.if %cond3A_97 {
        %sub3A = arith.constant 2 : i32
        %sub3A_117 = arith.subi %add3A_79, %sub3A : i32
        %mul3A_118 = arith.constant 16 : i32
        %mul3A_119 = arith.muli %sub3A_117, %mul3A_118 : i32
        %add3A_120 = arith.addi %mul3A_2, %mul3A_119 : i32
        %dma_wait3A_121 = arith.constant 0 : i32
        %dma_wait3A_122 = tpu.memref_slice %arg4[%add3A_120, %dma_wait3A_121] : memref<5120x1024xf32, #tpu.memory_space<hbm>> -> memref<16x1024xf32, #tpu.memory_space<hbm>>
        %dma_wait3A_123 = arith.constant 0 : i32
        %dma_wait3A_124 = tpu.memref_slice %arg4[%add3A_120, %dma_wait3A_123] : memref<5120x1024xf32, #tpu.memory_space<hbm>> -> memref<16x1024xf32, #tpu.memory_space<hbm>>
        tpu.wait_dma2 semaphore(%arg16 : memref<!tpu.dma_semaphore, #tpu.memory_space<semaphore_mem>>) src(%arg10 : memref<16x1024xf32, #tpu.memory_space<vmem>>) dst(%dma_wait3A_124 : memref<16x1024xf32, #tpu.memory_space<hbm>>)
      } else {
      }
      %scan3A_98 = arith.constant 0 : i32
      %scan3A_99 = arith.constant 16 : i32
      %scan3A_100 = arith.addi %scan3A_98, %scan3A_99 : i32
      %scan3A_101 = arith.constant 1 : i32
      scf.for %scan3A_117 = %scan3A_98 to %scan3A_100 step %scan3A_101  : i32 {
        %mul3A_118 = arith.constant 1 : i32
        %mul3A_119 = arith.muli %scan3A_117, %mul3A_118 : i32
        %add3A_120 = arith.constant 0 : i32
        %add3A_121 = arith.addi %add3A_120, %mul3A_119 : i32
        %get3A = arith.index_cast %add3A_121 : i32 to index
        %get3A_122 = arith.constant 0 : index
        %get3A_123 = tpu.vector_load %arg6[%get3A, %get3A_122] {strides = array<i32>} : memref<16x1024xf32, #tpu.memory_space<vmem>>, vector<1x16xf32>,
        %get3A_124 = vector.shape_cast %get3A_123 : vector<1x16xf32> to vector<1x16xf32>
        %get3A_125 = arith.index_cast %add3A_121 : i32 to index
        %get3A_126 = arith.constant 0 : index
        %get3A_127 = tpu.vector_load %arg8[%get3A_125, %get3A_126] {strides = array<i32>} : memref<16x1024xf32, #tpu.memory_space<vmem>>, vector<1x16xf32>,
        %get3A_128 = vector.shape_cast %get3A_127 : vector<1x16xf32> to vector<1x16xf32>
        %add3A_129 = arith.addf %get3A_124, %get3A_128 : vector<1x16xf32>
        %swap3A = arith.index_cast %add3A_121 : i32 to index
        %swap3A_130 = arith.constant 0 : index
        %swap3A_131 = tpu.vector_load %arg10[%swap3A, %swap3A_130] {strides = array<i32>} : memref<16x1024xf32, #tpu.memory_space<vmem>>, vector<1x16xf32>,
        %swap3A_132 = vector.shape_cast %swap3A_131 : vector<1x16xf32> to vector<1x16xf32>
        %swap3A_133 = vector.shape_cast %add3A_129 : vector<1x16xf32> to vector<1x16xf32>
        tpu.vector_store %arg10[%swap3A, %swap3A_130], %swap3A_133 {strides = array<i32>} : memref<16x1024xf32, #tpu.memory_space<vmem>>, vector<1x16xf32>,
        %get3A_134 = arith.index_cast %add3A_121 : i32 to index
        %get3A_135 = arith.constant 16 : index
        %get3A_136 = tpu.vector_load %arg6[%get3A_134, %get3A_135] {strides = array<i32>} : memref<16x1024xf32, #tpu.memory_space<vmem>>, vector<1x16xf32>,
        %get3A_137 = vector.shape_cast %get3A_136 : vector<1x16xf32> to vector<1x16xf32>
        %get3A_138 = arith.index_cast %add3A_121 : i32 to index
        %get3A_139 = arith.constant 16 : index
        %get3A_140 = tpu.vector_load %arg8[%get3A_138, %get3A_139] {strides = array<i32>} : memref<16x1024xf32, #tpu.memory_space<vmem>>, vector<1x16xf32>,
        %get3A_141 = vector.shape_cast %get3A_140 : vector<1x16xf32> to vector<1x16xf32>
        %add3A_142 = arith.addf %get3A_137, %get3A_141 : vector<1x16xf32>
        %swap3A_143 = arith.index_cast %add3A_121 : i32 to index
        %swap3A_144 = arith.constant 16 : index
        %swap3A_145 = tpu.vector_load %arg10[%swap3A_143, %swap3A_144] {strides = array<i32>} : memref<16x1024xf32, #tpu.memory_space<vmem>>, vector<1x16xf32>,
        %swap3A_146 = vector.shape_cast %swap3A_145 : vector<1x16xf32> to vector<1x16xf32>
        %swap3A_147 = vector.shape_cast %add3A_142 : vector<1x16xf32> to vector<1x16xf32>
        tpu.vector_store %arg10[%swap3A_143, %swap3A_144], %swap3A_147 {strides = array<i32>} : memref<16x1024xf32, #tpu.memory_space<vmem>>, vector<1x16xf32>,
        %get3A_148 = arith.index_cast %add3A_121 : i32 to index
        %get3A_149 = arith.constant 32 : index
        %get3A_150 = tpu.vector_load %arg6[%get3A_148, %get3A_149] {strides = array<i32>} : memref<16x1024xf32, #tpu.memory_space<vmem>>, vector<1x16xf32>,
        %get3A_151 = vector.shape_cast %get3A_150 : vector<1x16xf32> to vector<1x16xf32>
        %get3A_152 = arith.index_cast %add3A_121 : i32 to index
        %get3A_153 = arith.constant 32 : index
        %get3A_154 = tpu.vector_load %arg8[%get3A_152, %get3A_153] {strides = array<i32>} : memref<16x1024xf32, #tpu.memory_space<vmem>>, vector<1x16xf32>,
        %get3A_155 = vector.shape_cast %get3A_154 : vector<1x16xf32> to vector<1x16xf32>
        %add3A_156 = arith.addf %get3A_151, %get3A_155 : vector<1x16xf32>
        %swap3A_157 = arith.index_cast %add3A_121 : i32 to index
        %swap3A_158 = arith.constant 32 : index
        %swap3A_159 = tpu.vector_load %arg10[%swap3A_157, %swap3A_158] {strides = array<i32>} : memref<16x1024xf32, #tpu.memory_space<vmem>>, vector<1x16xf32>,
        %swap3A_160 = vector.shape_cast %swap3A_159 : vector<1x16xf32> to vector<1x16xf32>
        %swap3A_161 = vector.shape_cast %add3A_156 : vector<1x16xf32> to vector<1x16xf32>
        tpu.vector_store %arg10[%swap3A_157, %swap3A_158], %swap3A_161 {strides = array<i32>} : memref<16x1024xf32, #tpu.memory_space<vmem>>, vector<1x16xf32>,
        %get3A_162 = arith.index_cast %add3A_121 : i32 to index
        %get3A_163 = arith.constant 48 : index
        %get3A_164 = tpu.vector_load %arg6[%get3A_162, %get3A_163] {strides = array<i32>} : memref<16x1024xf32, #tpu.memory_space<vmem>>, vector<1x16xf32>,
        %get3A_165 = vector.shape_cast %get3A_164 : vector<1x16xf32> to vector<1x16xf32>
        %get3A_166 = arith.index_cast %add3A_121 : i32 to index
        %get3A_167 = arith.constant 48 : index
        %get3A_168 = tpu.vector_load %arg8[%get3A_166, %get3A_167] {strides = array<i32>} : memref<16x1024xf32, #tpu.memory_space<vmem>>, vector<1x16xf32>,
        %get3A_169 = vector.shape_cast %get3A_168 : vector<1x16xf32> to vector<1x16xf32>
        %add3A_170 = arith.addf %get3A_165, %get3A_169 : vector<1x16xf32>
        %swap3A_171 = arith.index_cast %add3A_121 : i32 to index
        %swap3A_172 = arith.constant 48 : index
        %swap3A_173 = tpu.vector_load %arg10[%swap3A_171, %swap3A_172] {strides = array<i32>} : memref<16x1024xf32, #tpu.memory_space<vmem>>, vector<1x16xf32>,
        %swap3A_174 = vector.shape_cast %swap3A_173 : vector<1x16xf32> to vector<1x16xf32>
        %swap3A_175 = vector.shape_cast %add3A_170 : vector<1x16xf32> to vector<1x16xf32>
        tpu.vector_store %arg10[%swap3A_171, %swap3A_172], %swap3A_175 {strides = array<i32>} : memref<16x1024xf32, #tpu.memory_space<vmem>>, vector<1x16xf32>,
        %get3A_176 = arith.index_cast %add3A_121 : i32 to index
        %get3A_177 = arith.constant 64 : index
        %get3A_178 = tpu.vector_load %arg6[%get3A_176, %get3A_177] {strides = array<i32>} : memref<16x1024xf32, #tpu.memory_space<vmem>>, vector<1x16xf32>,
        %get3A_179 = vector.shape_cast %get3A_178 : vector<1x16xf32> to vector<1x16xf32>
        %get3A_180 = arith.index_cast %add3A_121 : i32 to index
        %get3A_181 = arith.constant 64 : index
        %get3A_182 = tpu.vector_load %arg8[%get3A_180, %get3A_181] {strides = array<i32>} : memref<16x1024xf32, #tpu.memory_space<vmem>>, vector<1x16xf32>,
        %get3A_183 = vector.shape_cast %get3A_182 : vector<1x16xf32> to vector<1x16xf32>
        %add3A_184 = arith.addf %get3A_179, %get3A_183 : vector<1x16xf32>
        %swap3A_185 = arith.index_cast %add3A_121 : i32 to index
        %swap3A_186 = arith.constant 64 : index
        %swap3A_187 = tpu.vector_load %arg10[%swap3A_185, %swap3A_186] {strides = array<i32>} : memref<16x1024xf32, #tpu.memory_space<vmem>>, vector<1x16xf32>,
        %swap3A_188 = vector.shape_cast %swap3A_187 : vector<1x16xf32> to vector<1x16xf32>
        %swap3A_189 = vector.shape_cast %add3A_184 : vector<1x16xf32> to vector<1x16xf32>
        tpu.vector_store %arg10[%swap3A_185, %swap3A_186], %swap3A_189 {strides = array<i32>} : memref<16x1024xf32, #tpu.memory_space<vmem>>, vector<1x16xf32>,
        %get3A_190 = arith.index_cast %add3A_121 : i32 to index
        %get3A_191 = arith.constant 80 : index
        %get3A_192 = tpu.vector_load %arg6[%get3A_190, %get3A_191] {strides = array<i32>} : memref<16x1024xf32, #tpu.memory_space<vmem>>, vector<1x16xf32>,
        %get3A_193 = vector.shape_cast %get3A_192 : vector<1x16xf32> to vector<1x16xf32>
        %get3A_194 = arith.index_cast %add3A_121 : i32 to index
        %get3A_195 = arith.constant 80 : index
        %get3A_196 = tpu.vector_load %arg8[%get3A_194, %get3A_195] {strides = array<i32>} : memref<16x1024xf32, #tpu.memory_space<vmem>>, vector<1x16xf32>,
        %get3A_197 = vector.shape_cast %get3A_196 : vector<1x16xf32> to vector<1x16xf32>
        %add3A_198 = arith.addf %get3A_193, %get3A_197 : vector<1x16xf32>
        %swap3A_199 = arith.index_cast %add3A_121 : i32 to index
        %swap3A_200 = arith.constant 80 : index
        %swap3A_201 = tpu.vector_load %arg10[%swap3A_199, %swap3A_200] {strides = array<i32>} : memref<16x1024xf32, #tpu.memory_space<vmem>>, vector<1x16xf32>,
        %swap3A_202 = vector.shape_cast %swap3A_201 : vector<1x16xf32> to vector<1x16xf32>
        %swap3A_203 = vector.shape_cast %add3A_198 : vector<1x16xf32> to vector<1x16xf32>
        tpu.vector_store %arg10[%swap3A_199, %swap3A_200], %swap3A_203 {strides = array<i32>} : memref<16x1024xf32, #tpu.memory_space<vmem>>, vector<1x16xf32>,
        %get3A_204 = arith.index_cast %add3A_121 : i32 to index
        %get3A_205 = arith.constant 96 : index
        %get3A_206 = tpu.vector_load %arg6[%get3A_204, %get3A_205] {strides = array<i32>} : memref<16x1024xf32, #tpu.memory_space<vmem>>, vector<1x16xf32>,
        %get3A_207 = vector.shape_cast %get3A_206 : vector<1x16xf32> to vector<1x16xf32>
        %get3A_208 = arith.index_cast %add3A_121 : i32 to index
        %get3A_209 = arith.constant 96 : index
        %get3A_210 = tpu.vector_load %arg8[%get3A_208, %get3A_209] {strides = array<i32>} : memref<16x1024xf32, #tpu.memory_space<vmem>>, vector<1x16xf32>,
        %get3A_211 = vector.shape_cast %get3A_210 : vector<1x16xf32> to vector<1x16xf32>
        %add3A_212 = arith.addf %get3A_207, %get3A_211 : vector<1x16xf32>
        %swap3A_213 = arith.index_cast %add3A_121 : i32 to index
        %swap3A_214 = arith.constant 96 : index
        %swap3A_215 = tpu.vector_load %arg10[%swap3A_213, %swap3A_214] {strides = array<i32>} : memref<16x1024xf32, #tpu.memory_space<vmem>>, vector<1x16xf32>,
        %swap3A_216 = vector.shape_cast %swap3A_215 : vector<1x16xf32> to vector<1x16xf32>
        %swap3A_217 = vector.shape_cast %add3A_212 : vector<1x16xf32> to vector<1x16xf32>
        tpu.vector_store %arg10[%swap3A_213, %swap3A_214], %swap3A_217 {strides = array<i32>} : memref<16x1024xf32, #tpu.memory_space<vmem>>, vector<1x16xf32>,
        %get3A_218 = arith.index_cast %add3A_121 : i32 to index
        %get3A_219 = arith.constant 112 : index
        %get3A_220 = tpu.vector_load %arg6[%get3A_218, %get3A_219] {strides = array<i32>} : memref<16x1024xf32, #tpu.memory_space<vmem>>, vector<1x16xf32>,
        %get3A_221 = vector.shape_cast %get3A_220 : vector<1x16xf32> to vector<1x16xf32>
        %get3A_222 = arith.index_cast %add3A_121 : i32 to index
        %get3A_223 = arith.constant 112 : index
        %get3A_224 = tpu.vector_load %arg8[%get3A_222, %get3A_223] {strides = array<i32>} : memref<16x1024xf32, #tpu.memory_space<vmem>>, vector<1x16xf32>,
        %get3A_225 = vector.shape_cast %get3A_224 : vector<1x16xf32> to vector<1x16xf32>
        %add3A_226 = arith.addf %get3A_221, %get3A_225 : vector<1x16xf32>
        %swap3A_227 = arith.index_cast %add3A_121 : i32 to index
        %swap3A_228 = arith.constant 112 : index
        %swap3A_229 = tpu.vector_load %arg10[%swap3A_227, %swap3A_228] {strides = array<i32>} : memref<16x1024xf32, #tpu.memory_space<vmem>>, vector<1x16xf32>,
        %swap3A_230 = vector.shape_cast %swap3A_229 : vector<1x16xf32> to vector<1x16xf32>
        %swap3A_231 = vector.shape_cast %add3A_226 : vector<1x16xf32> to vector<1x16xf32>
        tpu.vector_store %arg10[%swap3A_227, %swap3A_228], %swap3A_231 {strides = array<i32>} : memref<16x1024xf32, #tpu.memory_space<vmem>>, vector<1x16xf32>,
        %get3A_232 = arith.index_cast %add3A_121 : i32 to index
        %get3A_233 = arith.constant 128 : index
        %get3A_234 = tpu.vector_load %arg6[%get3A_232, %get3A_233] {strides = array<i32>} : memref<16x1024xf32, #tpu.memory_space<vmem>>, vector<1x16xf32>,
        %get3A_235 = vector.shape_cast %get3A_234 : vector<1x16xf32> to vector<1x16xf32>
        %get3A_236 = arith.index_cast %add3A_121 : i32 to index
        %get3A_237 = arith.constant 128 : index
        %get3A_238 = tpu.vector_load %arg8[%get3A_236, %get3A_237] {strides = array<i32>} : memref<16x1024xf32, #tpu.memory_space<vmem>>, vector<1x16xf32>,
        %get3A_239 = vector.shape_cast %get3A_238 : vector<1x16xf32> to vector<1x16xf32>
        %add3A_240 = arith.addf %get3A_235, %get3A_239 : vector<1x16xf32>
        %swap3A_241 = arith.index_cast %add3A_121 : i32 to index
        %swap3A_242 = arith.constant 128 : index
        %swap3A_243 = tpu.vector_load %arg10[%swap3A_241, %swap3A_242] {strides = array<i32>} : memref<16x1024xf32, #tpu.memory_space<vmem>>, vector<1x16xf32>,
        %swap3A_244 = vector.shape_cast %swap3A_243 : vector<1x16xf32> to vector<1x16xf32>
        %swap3A_245 = vector.shape_cast %add3A_240 : vector<1x16xf32> to vector<1x16xf32>
        tpu.vector_store %arg10[%swap3A_241, %swap3A_242], %swap3A_245 {strides = array<i32>} : memref<16x1024xf32, #tpu.memory_space<vmem>>, vector<1x16xf32>,
        %get3A_246 = arith.index_cast %add3A_121 : i32 to index
        %get3A_247 = arith.constant 144 : index
        %get3A_248 = tpu.vector_load %arg6[%get3A_246, %get3A_247] {strides = array<i32>} : memref<16x1024xf32, #tpu.memory_space<vmem>>, vector<1x16xf32>,
        %get3A_249 = vector.shape_cast %get3A_248 : vector<1x16xf32> to vector<1x16xf32>
        %get3A_250 = arith.index_cast %add3A_121 : i32 to index
        %get3A_251 = arith.constant 144 : index
        %get3A_252 = tpu.vector_load %arg8[%get3A_250, %get3A_251] {strides = array<i32>} : memref<16x1024xf32, #tpu.memory_space<vmem>>, vector<1x16xf32>,
        %get3A_253 = vector.shape_cast %get3A_252 : vector<1x16xf32> to vector<1x16xf32>
        %add3A_254 = arith.addf %get3A_249, %get3A_253 : vector<1x16xf32>
        %swap3A_255 = arith.index_cast %add3A_121 : i32 to index
        %swap3A_256 = arith.constant 144 : index
        %swap3A_257 = tpu.vector_load %arg10[%swap3A_255, %swap3A_256] {strides = array<i32>} : memref<16x1024xf32, #tpu.memory_space<vmem>>, vector<1x16xf32>,
        %swap3A_258 = vector.shape_cast %swap3A_257 : vector<1x16xf32> to vector<1x16xf32>
        %swap3A_259 = vector.shape_cast %add3A_254 : vector<1x16xf32> to vector<1x16xf32>
        tpu.vector_store %arg10[%swap3A_255, %swap3A_256], %swap3A_259 {strides = array<i32>} : memref<16x1024xf32, #tpu.memory_space<vmem>>, vector<1x16xf32>,
        %get3A_260 = arith.index_cast %add3A_121 : i32 to index
        %get3A_261 = arith.constant 160 : index
        %get3A_262 = tpu.vector_load %arg6[%get3A_260, %get3A_261] {strides = array<i32>} : memref<16x1024xf32, #tpu.memory_space<vmem>>, vector<1x16xf32>,
        %get3A_263 = vector.shape_cast %get3A_262 : vector<1x16xf32> to vector<1x16xf32>
        %get3A_264 = arith.index_cast %add3A_121 : i32 to index
        %get3A_265 = arith.constant 160 : index
        %get3A_266 = tpu.vector_load %arg8[%get3A_264, %get3A_265] {strides = array<i32>} : memref<16x1024xf32, #tpu.memory_space<vmem>>, vector<1x16xf32>,
        %get3A_267 = vector.shape_cast %get3A_266 : vector<1x16xf32> to vector<1x16xf32>
        %add3A_268 = arith.addf %get3A_263, %get3A_267 : vector<1x16xf32>
        %swap3A_269 = arith.index_cast %add3A_121 : i32 to index
        %swap3A_270 = arith.constant 160 : index
        %swap3A_271 = tpu.vector_load %arg10[%swap3A_269, %swap3A_270] {strides = array<i32>} : memref<16x1024xf32, #tpu.memory_space<vmem>>, vector<1x16xf32>,
        %swap3A_272 = vector.shape_cast %swap3A_271 : vector<1x16xf32> to vector<1x16xf32>
        %swap3A_273 = vector.shape_cast %add3A_268 : vector<1x16xf32> to vector<1x16xf32>
        tpu.vector_store %arg10[%swap3A_269, %swap3A_270], %swap3A_273 {strides = array<i32>} : memref<16x1024xf32, #tpu.memory_space<vmem>>, vector<1x16xf32>,
        %get3A_274 = arith.index_cast %add3A_121 : i32 to index
        %get3A_275 = arith.constant 176 : index
        %get3A_276 = tpu.vector_load %arg6[%get3A_274, %get3A_275] {strides = array<i32>} : memref<16x1024xf32, #tpu.memory_space<vmem>>, vector<1x16xf32>,
        %get3A_277 = vector.shape_cast %get3A_276 : vector<1x16xf32> to vector<1x16xf32>
        %get3A_278 = arith.index_cast %add3A_121 : i32 to index
        %get3A_279 = arith.constant 176 : index
        %get3A_280 = tpu.vector_load %arg8[%get3A_278, %get3A_279] {strides = array<i32>} : memref<16x1024xf32, #tpu.memory_space<vmem>>, vector<1x16xf32>,
        %get3A_281 = vector.shape_cast %get3A_280 : vector<1x16xf32> to vector<1x16xf32>
        %add3A_282 = arith.addf %get3A_277, %get3A_281 : vector<1x16xf32>
        %swap3A_283 = arith.index_cast %add3A_121 : i32 to index
        %swap3A_284 = arith.constant 176 : index
        %swap3A_285 = tpu.vector_load %arg10[%swap3A_283, %swap3A_284] {strides = array<i32>} : memref<16x1024xf32, #tpu.memory_space<vmem>>, vector<1x16xf32>,
        %swap3A_286 = vector.shape_cast %swap3A_285 : vector<1x16xf32> to vector<1x16xf32>
        %swap3A_287 = vector.shape_cast %add3A_282 : vector<1x16xf32> to vector<1x16xf32>
        tpu.vector_store %arg10[%swap3A_283, %swap3A_284], %swap3A_287 {strides = array<i32>} : memref<16x1024xf32, #tpu.memory_space<vmem>>, vector<1x16xf32>,
        %get3A_288 = arith.index_cast %add3A_121 : i32 to index
        %get3A_289 = arith.constant 192 : index
        %get3A_290 = tpu.vector_load %arg6[%get3A_288, %get3A_289] {strides = array<i32>} : memref<16x1024xf32, #tpu.memory_space<vmem>>, vector<1x16xf32>,
        %get3A_291 = vector.shape_cast %get3A_290 : vector<1x16xf32> to vector<1x16xf32>
        %get3A_292 = arith.index_cast %add3A_121 : i32 to index
        %get3A_293 = arith.constant 192 : index
        %get3A_294 = tpu.vector_load %arg8[%get3A_292, %get3A_293] {strides = array<i32>} : memref<16x1024xf32, #tpu.memory_space<vmem>>, vector<1x16xf32>,
        %get3A_295 = vector.shape_cast %get3A_294 : vector<1x16xf32> to vector<1x16xf32>
        %add3A_296 = arith.addf %get3A_291, %get3A_295 : vector<1x16xf32>
        %swap3A_297 = arith.index_cast %add3A_121 : i32 to index
        %swap3A_298 = arith.constant 192 : index
        %swap3A_299 = tpu.vector_load %arg10[%swap3A_297, %swap3A_298] {strides = array<i32>} : memref<16x1024xf32, #tpu.memory_space<vmem>>, vector<1x16xf32>,
        %swap3A_300 = vector.shape_cast %swap3A_299 : vector<1x16xf32> to vector<1x16xf32>
        %swap3A_301 = vector.shape_cast %add3A_296 : vector<1x16xf32> to vector<1x16xf32>
        tpu.vector_store %arg10[%swap3A_297, %swap3A_298], %swap3A_301 {strides = array<i32>} : memref<16x1024xf32, #tpu.memory_space<vmem>>, vector<1x16xf32>,
        %get3A_302 = arith.index_cast %add3A_121 : i32 to index
        %get3A_303 = arith.constant 208 : index
        %get3A_304 = tpu.vector_load %arg6[%get3A_302, %get3A_303] {strides = array<i32>} : memref<16x1024xf32, #tpu.memory_space<vmem>>, vector<1x16xf32>,
        %get3A_305 = vector.shape_cast %get3A_304 : vector<1x16xf32> to vector<1x16xf32>
        %get3A_306 = arith.index_cast %add3A_121 : i32 to index
        %get3A_307 = arith.constant 208 : index
        %get3A_308 = tpu.vector_load %arg8[%get3A_306, %get3A_307] {strides = array<i32>} : memref<16x1024xf32, #tpu.memory_space<vmem>>, vector<1x16xf32>,
        %get3A_309 = vector.shape_cast %get3A_308 : vector<1x16xf32> to vector<1x16xf32>
        %add3A_310 = arith.addf %get3A_305, %get3A_309 : vector<1x16xf32>
        %swap3A_311 = arith.index_cast %add3A_121 : i32 to index
        %swap3A_312 = arith.constant 208 : index
        %swap3A_313 = tpu.vector_load %arg10[%swap3A_311, %swap3A_312] {strides = array<i32>} : memref<16x1024xf32, #tpu.memory_space<vmem>>, vector<1x16xf32>,
        %swap3A_314 = vector.shape_cast %swap3A_313 : vector<1x16xf32> to vector<1x16xf32>
        %swap3A_315 = vector.shape_cast %add3A_310 : vector<1x16xf32> to vector<1x16xf32>
        tpu.vector_store %arg10[%swap3A_311, %swap3A_312], %swap3A_315 {strides = array<i32>} : memref<16x1024xf32, #tpu.memory_space<vmem>>, vector<1x16xf32>,
        %get3A_316 = arith.index_cast %add3A_121 : i32 to index
        %get3A_317 = arith.constant 224 : index
        %get3A_318 = tpu.vector_load %arg6[%get3A_316, %get3A_317] {strides = array<i32>} : memref<16x1024xf32, #tpu.memory_space<vmem>>, vector<1x16xf32>,
        %get3A_319 = vector.shape_cast %get3A_318 : vector<1x16xf32> to vector<1x16xf32>
        %get3A_320 = arith.index_cast %add3A_121 : i32 to index
        %get3A_321 = arith.constant 224 : index
        %get3A_322 = tpu.vector_load %arg8[%get3A_320, %get3A_321] {strides = array<i32>} : memref<16x1024xf32, #tpu.memory_space<vmem>>, vector<1x16xf32>,
        %get3A_323 = vector.shape_cast %get3A_322 : vector<1x16xf32> to vector<1x16xf32>
        %add3A_324 = arith.addf %get3A_319, %get3A_323 : vector<1x16xf32>
        %swap3A_325 = arith.index_cast %add3A_121 : i32 to index
        %swap3A_326 = arith.constant 224 : index
        %swap3A_327 = tpu.vector_load %arg10[%swap3A_325, %swap3A_326] {strides = array<i32>} : memref<16x1024xf32, #tpu.memory_space<vmem>>, vector<1x16xf32>,
        %swap3A_328 = vector.shape_cast %swap3A_327 : vector<1x16xf32> to vector<1x16xf32>
        %swap3A_329 = vector.shape_cast %add3A_324 : vector<1x16xf32> to vector<1x16xf32>
        tpu.vector_store %arg10[%swap3A_325, %swap3A_326], %swap3A_329 {strides = array<i32>} : memref<16x1024xf32, #tpu.memory_space<vmem>>, vector<1x16xf32>,
        %get3A_330 = arith.index_cast %add3A_121 : i32 to index
        %get3A_331 = arith.constant 240 : index
        %get3A_332 = tpu.vector_load %arg6[%get3A_330, %get3A_331] {strides = array<i32>} : memref<16x1024xf32, #tpu.memory_space<vmem>>, vector<1x16xf32>,
        %get3A_333 = vector.shape_cast %get3A_332 : vector<1x16xf32> to vector<1x16xf32>
        %get3A_334 = arith.index_cast %add3A_121 : i32 to index
        %get3A_335 = arith.constant 240 : index
        %get3A_336 = tpu.vector_load %arg8[%get3A_334, %get3A_335] {strides = array<i32>} : memref<16x1024xf32, #tpu.memory_space<vmem>>, vector<1x16xf32>,
        %get3A_337 = vector.shape_cast %get3A_336 : vector<1x16xf32> to vector<1x16xf32>
        %add3A_338 = arith.addf %get3A_333, %get3A_337 : vector<1x16xf32>
        %swap3A_339 = arith.index_cast %add3A_121 : i32 to index
        %swap3A_340 = arith.constant 240 : index
        %swap3A_341 = tpu.vector_load %arg10[%swap3A_339, %swap3A_340] {strides = array<i32>} : memref<16x1024xf32, #tpu.memory_space<vmem>>, vector<1x16xf32>,
        %swap3A_342 = vector.shape_cast %swap3A_341 : vector<1x16xf32> to vector<1x16xf32>
        %swap3A_343 = vector.shape_cast %add3A_338 : vector<1x16xf32> to vector<1x16xf32>
        tpu.vector_store %arg10[%swap3A_339, %swap3A_340], %swap3A_343 {strides = array<i32>} : memref<16x1024xf32, #tpu.memory_space<vmem>>, vector<1x16xf32>,
        %get3A_344 = arith.index_cast %add3A_121 : i32 to index
        %get3A_345 = arith.constant 256 : index
        %get3A_346 = tpu.vector_load %arg6[%get3A_344, %get3A_345] {strides = array<i32>} : memref<16x1024xf32, #tpu.memory_space<vmem>>, vector<1x16xf32>,
        %get3A_347 = vector.shape_cast %get3A_346 : vector<1x16xf32> to vector<1x16xf32>
        %get3A_348 = arith.index_cast %add3A_121 : i32 to index
        %get3A_349 = arith.constant 256 : index
        %get3A_350 = tpu.vector_load %arg8[%get3A_348, %get3A_349] {strides = array<i32>} : memref<16x1024xf32, #tpu.memory_space<vmem>>, vector<1x16xf32>,
        %get3A_351 = vector.shape_cast %get3A_350 : vector<1x16xf32> to vector<1x16xf32>
        %add3A_352 = arith.addf %get3A_347, %get3A_351 : vector<1x16xf32>
        %swap3A_353 = arith.index_cast %add3A_121 : i32 to index
        %swap3A_354 = arith.constant 256 : index
        %swap3A_355 = tpu.vector_load %arg10[%swap3A_353, %swap3A_354] {strides = array<i32>} : memref<16x1024xf32, #tpu.memory_space<vmem>>, vector<1x16xf32>,
        %swap3A_356 = vector.shape_cast %swap3A_355 : vector<1x16xf32> to vector<1x16xf32>
        %swap3A_357 = vector.shape_cast %add3A_352 : vector<1x16xf32> to vector<1x16xf32>
        tpu.vector_store %arg10[%swap3A_353, %swap3A_354], %swap3A_357 {strides = array<i32>} : memref<16x1024xf32, #tpu.memory_space<vmem>>, vector<1x16xf32>,
        %get3A_358 = arith.index_cast %add3A_121 : i32 to index
        %get3A_359 = arith.constant 272 : index
        %get3A_360 = tpu.vector_load %arg6[%get3A_358, %get3A_359] {strides = array<i32>} : memref<16x1024xf32, #tpu.memory_space<vmem>>, vector<1x16xf32>,
        %get3A_361 = vector.shape_cast %get3A_360 : vector<1x16xf32> to vector<1x16xf32>
        %get3A_362 = arith.index_cast %add3A_121 : i32 to index
        %get3A_363 = arith.constant 272 : index
        %get3A_364 = tpu.vector_load %arg8[%get3A_362, %get3A_363] {strides = array<i32>} : memref<16x1024xf32, #tpu.memory_space<vmem>>, vector<1x16xf32>,
        %get3A_365 = vector.shape_cast %get3A_364 : vector<1x16xf32> to vector<1x16xf32>
        %add3A_366 = arith.addf %get3A_361, %get3A_365 : vector<1x16xf32>
        %swap3A_367 = arith.index_cast %add3A_121 : i32 to index
        %swap3A_368 = arith.constant 272 : index
        %swap3A_369 = tpu.vector_load %arg10[%swap3A_367, %swap3A_368] {strides = array<i32>} : memref<16x1024xf32, #tpu.memory_space<vmem>>, vector<1x16xf32>,
        %swap3A_370 = vector.shape_cast %swap3A_369 : vector<1x16xf32> to vector<1x16xf32>
        %swap3A_371 = vector.shape_cast %add3A_366 : vector<1x16xf32> to vector<1x16xf32>
        tpu.vector_store %arg10[%swap3A_367, %swap3A_368], %swap3A_371 {strides = array<i32>} : memref<16x1024xf32, #tpu.memory_space<vmem>>, vector<1x16xf32>,
        %get3A_372 = arith.index_cast %add3A_121 : i32 to index
        %get3A_373 = arith.constant 288 : index
        %get3A_374 = tpu.vector_load %arg6[%get3A_372, %get3A_373] {strides = array<i32>} : memref<16x1024xf32, #tpu.memory_space<vmem>>, vector<1x16xf32>,
        %get3A_375 = vector.shape_cast %get3A_374 : vector<1x16xf32> to vector<1x16xf32>
        %get3A_376 = arith.index_cast %add3A_121 : i32 to index
        %get3A_377 = arith.constant 288 : index
        %get3A_378 = tpu.vector_load %arg8[%get3A_376, %get3A_377] {strides = array<i32>} : memref<16x1024xf32, #tpu.memory_space<vmem>>, vector<1x16xf32>,
        %get3A_379 = vector.shape_cast %get3A_378 : vector<1x16xf32> to vector<1x16xf32>
        %add3A_380 = arith.addf %get3A_375, %get3A_379 : vector<1x16xf32>
        %swap3A_381 = arith.index_cast %add3A_121 : i32 to index
        %swap3A_382 = arith.constant 288 : index
        %swap3A_383 = tpu.vector_load %arg10[%swap3A_381, %swap3A_382] {strides = array<i32>} : memref<16x1024xf32, #tpu.memory_space<vmem>>, vector<1x16xf32>,
        %swap3A_384 = vector.shape_cast %swap3A_383 : vector<1x16xf32> to vector<1x16xf32>
        %swap3A_385 = vector.shape_cast %add3A_380 : vector<1x16xf32> to vector<1x16xf32>
        tpu.vector_store %arg10[%swap3A_381, %swap3A_382], %swap3A_385 {strides = array<i32>} : memref<16x1024xf32, #tpu.memory_space<vmem>>, vector<1x16xf32>,
        %get3A_386 = arith.index_cast %add3A_121 : i32 to index
        %get3A_387 = arith.constant 304 : index
        %get3A_388 = tpu.vector_load %arg6[%get3A_386, %get3A_387] {strides = array<i32>} : memref<16x1024xf32, #tpu.memory_space<vmem>>, vector<1x16xf32>,
        %get3A_389 = vector.shape_cast %get3A_388 : vector<1x16xf32> to vector<1x16xf32>
        %get3A_390 = arith.index_cast %add3A_121 : i32 to index
        %get3A_391 = arith.constant 304 : index
        %get3A_392 = tpu.vector_load %arg8[%get3A_390, %get3A_391] {strides = array<i32>} : memref<16x1024xf32, #tpu.memory_space<vmem>>, vector<1x16xf32>,
        %get3A_393 = vector.shape_cast %get3A_392 : vector<1x16xf32> to vector<1x16xf32>
        %add3A_394 = arith.addf %get3A_389, %get3A_393 : vector<1x16xf32>
        %swap3A_395 = arith.index_cast %add3A_121 : i32 to index
        %swap3A_396 = arith.constant 304 : index
        %swap3A_397 = tpu.vector_load %arg10[%swap3A_395, %swap3A_396] {strides = array<i32>} : memref<16x1024xf32, #tpu.memory_space<vmem>>, vector<1x16xf32>,
        %swap3A_398 = vector.shape_cast %swap3A_397 : vector<1x16xf32> to vector<1x16xf32>
        %swap3A_399 = vector.shape_cast %add3A_394 : vector<1x16xf32> to vector<1x16xf32>
        tpu.vector_store %arg10[%swap3A_395, %swap3A_396], %swap3A_399 {strides = array<i32>} : memref<16x1024xf32, #tpu.memory_space<vmem>>, vector<1x16xf32>,
        %get3A_400 = arith.index_cast %add3A_121 : i32 to index
        %get3A_401 = arith.constant 320 : index
        %get3A_402 = tpu.vector_load %arg6[%get3A_400, %get3A_401] {strides = array<i32>} : memref<16x1024xf32, #tpu.memory_space<vmem>>, vector<1x16xf32>,
        %get3A_403 = vector.shape_cast %get3A_402 : vector<1x16xf32> to vector<1x16xf32>
        %get3A_404 = arith.index_cast %add3A_121 : i32 to index
        %get3A_405 = arith.constant 320 : index
        %get3A_406 = tpu.vector_load %arg8[%get3A_404, %get3A_405] {strides = array<i32>} : memref<16x1024xf32, #tpu.memory_space<vmem>>, vector<1x16xf32>,
        %get3A_407 = vector.shape_cast %get3A_406 : vector<1x16xf32> to vector<1x16xf32>
        %add3A_408 = arith.addf %get3A_403, %get3A_407 : vector<1x16xf32>
        %swap3A_409 = arith.index_cast %add3A_121 : i32 to index
        %swap3A_410 = arith.constant 320 : index
        %swap3A_411 = tpu.vector_load %arg10[%swap3A_409, %swap3A_410] {strides = array<i32>} : memref<16x1024xf32, #tpu.memory_space<vmem>>, vector<1x16xf32>,
        %swap3A_412 = vector.shape_cast %swap3A_411 : vector<1x16xf32> to vector<1x16xf32>
        %swap3A_413 = vector.shape_cast %add3A_408 : vector<1x16xf32> to vector<1x16xf32>
        tpu.vector_store %arg10[%swap3A_409, %swap3A_410], %swap3A_413 {strides = array<i32>} : memref<16x1024xf32, #tpu.memory_space<vmem>>, vector<1x16xf32>,
        %get3A_414 = arith.index_cast %add3A_121 : i32 to index
        %get3A_415 = arith.constant 336 : index
        %get3A_416 = tpu.vector_load %arg6[%get3A_414, %get3A_415] {strides = array<i32>} : memref<16x1024xf32, #tpu.memory_space<vmem>>, vector<1x16xf32>,
        %get3A_417 = vector.shape_cast %get3A_416 : vector<1x16xf32> to vector<1x16xf32>
        %get3A_418 = arith.index_cast %add3A_121 : i32 to index
        %get3A_419 = arith.constant 336 : index
        %get3A_420 = tpu.vector_load %arg8[%get3A_418, %get3A_419] {strides = array<i32>} : memref<16x1024xf32, #tpu.memory_space<vmem>>, vector<1x16xf32>,
        %get3A_421 = vector.shape_cast %get3A_420 : vector<1x16xf32> to vector<1x16xf32>
        %add3A_422 = arith.addf %get3A_417, %get3A_421 : vector<1x16xf32>
        %swap3A_423 = arith.index_cast %add3A_121 : i32 to index
        %swap3A_424 = arith.constant 336 : index
        %swap3A_425 = tpu.vector_load %arg10[%swap3A_423, %swap3A_424] {strides = array<i32>} : memref<16x1024xf32, #tpu.memory_space<vmem>>, vector<1x16xf32>,
        %swap3A_426 = vector.shape_cast %swap3A_425 : vector<1x16xf32> to vector<1x16xf32>
        %swap3A_427 = vector.shape_cast %add3A_422 : vector<1x16xf32> to vector<1x16xf32>
        tpu.vector_store %arg10[%swap3A_423, %swap3A_424], %swap3A_427 {strides = array<i32>} : memref<16x1024xf32, #tpu.memory_space<vmem>>, vector<1x16xf32>,
        %get3A_428 = arith.index_cast %add3A_121 : i32 to index
        %get3A_429 = arith.constant 352 : index
        %get3A_430 = tpu.vector_load %arg6[%get3A_428, %get3A_429] {strides = array<i32>} : memref<16x1024xf32, #tpu.memory_space<vmem>>, vector<1x16xf32>,
        %get3A_431 = vector.shape_cast %get3A_430 : vector<1x16xf32> to vector<1x16xf32>
        %get3A_432 = arith.index_cast %add3A_121 : i32 to index
        %get3A_433 = arith.constant 352 : index
        %get3A_434 = tpu.vector_load %arg8[%get3A_432, %get3A_433] {strides = array<i32>} : memref<16x1024xf32, #tpu.memory_space<vmem>>, vector<1x16xf32>,
        %get3A_435 = vector.shape_cast %get3A_434 : vector<1x16xf32> to vector<1x16xf32>
        %add3A_436 = arith.addf %get3A_431, %get3A_435 : vector<1x16xf32>
        %swap3A_437 = arith.index_cast %add3A_121 : i32 to index
        %swap3A_438 = arith.constant 352 : index
        %swap3A_439 = tpu.vector_load %arg10[%swap3A_437, %swap3A_438] {strides = array<i32>} : memref<16x1024xf32, #tpu.memory_space<vmem>>, vector<1x16xf32>,
        %swap3A_440 = vector.shape_cast %swap3A_439 : vector<1x16xf32> to vector<1x16xf32>
        %swap3A_441 = vector.shape_cast %add3A_436 : vector<1x16xf32> to vector<1x16xf32>
        tpu.vector_store %arg10[%swap3A_437, %swap3A_438], %swap3A_441 {strides = array<i32>} : memref<16x1024xf32, #tpu.memory_space<vmem>>, vector<1x16xf32>,
        %get3A_442 = arith.index_cast %add3A_121 : i32 to index
        %get3A_443 = arith.constant 368 : index
        %get3A_444 = tpu.vector_load %arg6[%get3A_442, %get3A_443] {strides = array<i32>} : memref<16x1024xf32, #tpu.memory_space<vmem>>, vector<1x16xf32>,
        %get3A_445 = vector.shape_cast %get3A_444 : vector<1x16xf32> to vector<1x16xf32>
        %get3A_446 = arith.index_cast %add3A_121 : i32 to index
        %get3A_447 = arith.constant 368 : index
        %get3A_448 = tpu.vector_load %arg8[%get3A_446, %get3A_447] {strides = array<i32>} : memref<16x1024xf32, #tpu.memory_space<vmem>>, vector<1x16xf32>,
        %get3A_449 = vector.shape_cast %get3A_448 : vector<1x16xf32> to vector<1x16xf32>
        %add3A_450 = arith.addf %get3A_445, %get3A_449 : vector<1x16xf32>
        %swap3A_451 = arith.index_cast %add3A_121 : i32 to index
        %swap3A_452 = arith.constant 368 : index
        %swap3A_453 = tpu.vector_load %arg10[%swap3A_451, %swap3A_452] {strides = array<i32>} : memref<16x1024xf32, #tpu.memory_space<vmem>>, vector<1x16xf32>,
        %swap3A_454 = vector.shape_cast %swap3A_453 : vector<1x16xf32> to vector<1x16xf32>
        %swap3A_455 = vector.shape_cast %add3A_450 : vector<1x16xf32> to vector<1x16xf32>
        tpu.vector_store %arg10[%swap3A_451, %swap3A_452], %swap3A_455 {strides = array<i32>} : memref<16x1024xf32, #tpu.memory_space<vmem>>, vector<1x16xf32>,
        %get3A_456 = arith.index_cast %add3A_121 : i32 to index
        %get3A_457 = arith.constant 384 : index
        %get3A_458 = tpu.vector_load %arg6[%get3A_456, %get3A_457] {strides = array<i32>} : memref<16x1024xf32, #tpu.memory_space<vmem>>, vector<1x16xf32>,
        %get3A_459 = vector.shape_cast %get3A_458 : vector<1x16xf32> to vector<1x16xf32>
        %get3A_460 = arith.index_cast %add3A_121 : i32 to index
        %get3A_461 = arith.constant 384 : index
        %get3A_462 = tpu.vector_load %arg8[%get3A_460, %get3A_461] {strides = array<i32>} : memref<16x1024xf32, #tpu.memory_space<vmem>>, vector<1x16xf32>,
        %get3A_463 = vector.shape_cast %get3A_462 : vector<1x16xf32> to vector<1x16xf32>
        %add3A_464 = arith.addf %get3A_459, %get3A_463 : vector<1x16xf32>
        %swap3A_465 = arith.index_cast %add3A_121 : i32 to index
        %swap3A_466 = arith.constant 384 : index
        %swap3A_467 = tpu.vector_load %arg10[%swap3A_465, %swap3A_466] {strides = array<i32>} : memref<16x1024xf32, #tpu.memory_space<vmem>>, vector<1x16xf32>,
        %swap3A_468 = vector.shape_cast %swap3A_467 : vector<1x16xf32> to vector<1x16xf32>
        %swap3A_469 = vector.shape_cast %add3A_464 : vector<1x16xf32> to vector<1x16xf32>
        tpu.vector_store %arg10[%swap3A_465, %swap3A_466], %swap3A_469 {strides = array<i32>} : memref<16x1024xf32, #tpu.memory_space<vmem>>, vector<1x16xf32>,
        %get3A_470 = arith.index_cast %add3A_121 : i32 to index
        %get3A_471 = arith.constant 400 : index
        %get3A_472 = tpu.vector_load %arg6[%get3A_470, %get3A_471] {strides = array<i32>} : memref<16x1024xf32, #tpu.memory_space<vmem>>, vector<1x16xf32>,
        %get3A_473 = vector.shape_cast %get3A_472 : vector<1x16xf32> to vector<1x16xf32>
        %get3A_474 = arith.index_cast %add3A_121 : i32 to index
        %get3A_475 = arith.constant 400 : index
        %get3A_476 = tpu.vector_load %arg8[%get3A_474, %get3A_475] {strides = array<i32>} : memref<16x1024xf32, #tpu.memory_space<vmem>>, vector<1x16xf32>,
        %get3A_477 = vector.shape_cast %get3A_476 : vector<1x16xf32> to vector<1x16xf32>
        %add3A_478 = arith.addf %get3A_473, %get3A_477 : vector<1x16xf32>
        %swap3A_479 = arith.index_cast %add3A_121 : i32 to index
        %swap3A_480 = arith.constant 400 : index
        %swap3A_481 = tpu.vector_load %arg10[%swap3A_479, %swap3A_480] {strides = array<i32>} : memref<16x1024xf32, #tpu.memory_space<vmem>>, vector<1x16xf32>,
        %swap3A_482 = vector.shape_cast %swap3A_481 : vector<1x16xf32> to vector<1x16xf32>
        %swap3A_483 = vector.shape_cast %add3A_478 : vector<1x16xf32> to vector<1x16xf32>
        tpu.vector_store %arg10[%swap3A_479, %swap3A_480], %swap3A_483 {strides = array<i32>} : memref<16x1024xf32, #tpu.memory_space<vmem>>, vector<1x16xf32>,
        %get3A_484 = arith.index_cast %add3A_121 : i32 to index
        %get3A_485 = arith.constant 416 : index
        %get3A_486 = tpu.vector_load %arg6[%get3A_484, %get3A_485] {strides = array<i32>} : memref<16x1024xf32, #tpu.memory_space<vmem>>, vector<1x16xf32>,
        %get3A_487 = vector.shape_cast %get3A_486 : vector<1x16xf32> to vector<1x16xf32>
        %get3A_488 = arith.index_cast %add3A_121 : i32 to index
        %get3A_489 = arith.constant 416 : index
        %get3A_490 = tpu.vector_load %arg8[%get3A_488, %get3A_489] {strides = array<i32>} : memref<16x1024xf32, #tpu.memory_space<vmem>>, vector<1x16xf32>,
        %get3A_491 = vector.shape_cast %get3A_490 : vector<1x16xf32> to vector<1x16xf32>
        %add3A_492 = arith.addf %get3A_487, %get3A_491 : vector<1x16xf32>
        %swap3A_493 = arith.index_cast %add3A_121 : i32 to index
        %swap3A_494 = arith.constant 416 : index
        %swap3A_495 = tpu.vector_load %arg10[%swap3A_493, %swap3A_494] {strides = array<i32>} : memref<16x1024xf32, #tpu.memory_space<vmem>>, vector<1x16xf32>,
        %swap3A_496 = vector.shape_cast %swap3A_495 : vector<1x16xf32> to vector<1x16xf32>
        %swap3A_497 = vector.shape_cast %add3A_492 : vector<1x16xf32> to vector<1x16xf32>
        tpu.vector_store %arg10[%swap3A_493, %swap3A_494], %swap3A_497 {strides = array<i32>} : memref<16x1024xf32, #tpu.memory_space<vmem>>, vector<1x16xf32>,
        %get3A_498 = arith.index_cast %add3A_121 : i32 to index
        %get3A_499 = arith.constant 432 : index
        %get3A_500 = tpu.vector_load %arg6[%get3A_498, %get3A_499] {strides = array<i32>} : memref<16x1024xf32, #tpu.memory_space<vmem>>, vector<1x16xf32>,
        %get3A_501 = vector.shape_cast %get3A_500 : vector<1x16xf32> to vector<1x16xf32>
        %get3A_502 = arith.index_cast %add3A_121 : i32 to index
        %get3A_503 = arith.constant 432 : index
        %get3A_504 = tpu.vector_load %arg8[%get3A_502, %get3A_503] {strides = array<i32>} : memref<16x1024xf32, #tpu.memory_space<vmem>>, vector<1x16xf32>,
        %get3A_505 = vector.shape_cast %get3A_504 : vector<1x16xf32> to vector<1x16xf32>
        %add3A_506 = arith.addf %get3A_501, %get3A_505 : vector<1x16xf32>
        %swap3A_507 = arith.index_cast %add3A_121 : i32 to index
        %swap3A_508 = arith.constant 432 : index
        %swap3A_509 = tpu.vector_load %arg10[%swap3A_507, %swap3A_508] {strides = array<i32>} : memref<16x1024xf32, #tpu.memory_space<vmem>>, vector<1x16xf32>,
        %swap3A_510 = vector.shape_cast %swap3A_509 : vector<1x16xf32> to vector<1x16xf32>
        %swap3A_511 = vector.shape_cast %add3A_506 : vector<1x16xf32> to vector<1x16xf32>
        tpu.vector_store %arg10[%swap3A_507, %swap3A_508], %swap3A_511 {strides = array<i32>} : memref<16x1024xf32, #tpu.memory_space<vmem>>, vector<1x16xf32>,
        %get3A_512 = arith.index_cast %add3A_121 : i32 to index
        %get3A_513 = arith.constant 448 : index
        %get3A_514 = tpu.vector_load %arg6[%get3A_512, %get3A_513] {strides = array<i32>} : memref<16x1024xf32, #tpu.memory_space<vmem>>, vector<1x16xf32>,
        %get3A_515 = vector.shape_cast %get3A_514 : vector<1x16xf32> to vector<1x16xf32>
        %get3A_516 = arith.index_cast %add3A_121 : i32 to index
        %get3A_517 = arith.constant 448 : index
        %get3A_518 = tpu.vector_load %arg8[%get3A_516, %get3A_517] {strides = array<i32>} : memref<16x1024xf32, #tpu.memory_space<vmem>>, vector<1x16xf32>,
        %get3A_519 = vector.shape_cast %get3A_518 : vector<1x16xf32> to vector<1x16xf32>
        %add3A_520 = arith.addf %get3A_515, %get3A_519 : vector<1x16xf32>
        %swap3A_521 = arith.index_cast %add3A_121 : i32 to index
        %swap3A_522 = arith.constant 448 : index
        %swap3A_523 = tpu.vector_load %arg10[%swap3A_521, %swap3A_522] {strides = array<i32>} : memref<16x1024xf32, #tpu.memory_space<vmem>>, vector<1x16xf32>,
        %swap3A_524 = vector.shape_cast %swap3A_523 : vector<1x16xf32> to vector<1x16xf32>
        %swap3A_525 = vector.shape_cast %add3A_520 : vector<1x16xf32> to vector<1x16xf32>
        tpu.vector_store %arg10[%swap3A_521, %swap3A_522], %swap3A_525 {strides = array<i32>} : memref<16x1024xf32, #tpu.memory_space<vmem>>, vector<1x16xf32>,
        %get3A_526 = arith.index_cast %add3A_121 : i32 to index
        %get3A_527 = arith.constant 464 : index
        %get3A_528 = tpu.vector_load %arg6[%get3A_526, %get3A_527] {strides = array<i32>} : memref<16x1024xf32, #tpu.memory_space<vmem>>, vector<1x16xf32>,
        %get3A_529 = vector.shape_cast %get3A_528 : vector<1x16xf32> to vector<1x16xf32>
        %get3A_530 = arith.index_cast %add3A_121 : i32 to index
        %get3A_531 = arith.constant 464 : index
        %get3A_532 = tpu.vector_load %arg8[%get3A_530, %get3A_531] {strides = array<i32>} : memref<16x1024xf32, #tpu.memory_space<vmem>>, vector<1x16xf32>,
        %get3A_533 = vector.shape_cast %get3A_532 : vector<1x16xf32> to vector<1x16xf32>
        %add3A_534 = arith.addf %get3A_529, %get3A_533 : vector<1x16xf32>
        %swap3A_535 = arith.index_cast %add3A_121 : i32 to index
        %swap3A_536 = arith.constant 464 : index
        %swap3A_537 = tpu.vector_load %arg10[%swap3A_535, %swap3A_536] {strides = array<i32>} : memref<16x1024xf32, #tpu.memory_space<vmem>>, vector<1x16xf32>,
        %swap3A_538 = vector.shape_cast %swap3A_537 : vector<1x16xf32> to vector<1x16xf32>
        %swap3A_539 = vector.shape_cast %add3A_534 : vector<1x16xf32> to vector<1x16xf32>
        tpu.vector_store %arg10[%swap3A_535, %swap3A_536], %swap3A_539 {strides = array<i32>} : memref<16x1024xf32, #tpu.memory_space<vmem>>, vector<1x16xf32>,
        %get3A_540 = arith.index_cast %add3A_121 : i32 to index
        %get3A_541 = arith.constant 480 : index
        %get3A_542 = tpu.vector_load %arg6[%get3A_540, %get3A_541] {strides = array<i32>} : memref<16x1024xf32, #tpu.memory_space<vmem>>, vector<1x16xf32>,
        %get3A_543 = vector.shape_cast %get3A_542 : vector<1x16xf32> to vector<1x16xf32>
        %get3A_544 = arith.index_cast %add3A_121 : i32 to index
        %get3A_545 = arith.constant 480 : index
        %get3A_546 = tpu.vector_load %arg8[%get3A_544, %get3A_545] {strides = array<i32>} : memref<16x1024xf32, #tpu.memory_space<vmem>>, vector<1x16xf32>,
        %get3A_547 = vector.shape_cast %get3A_546 : vector<1x16xf32> to vector<1x16xf32>
        %add3A_548 = arith.addf %get3A_543, %get3A_547 : vector<1x16xf32>
        %swap3A_549 = arith.index_cast %add3A_121 : i32 to index
        %swap3A_550 = arith.constant 480 : index
        %swap3A_551 = tpu.vector_load %arg10[%swap3A_549, %swap3A_550] {strides = array<i32>} : memref<16x1024xf32, #tpu.memory_space<vmem>>, vector<1x16xf32>,
        %swap3A_552 = vector.shape_cast %swap3A_551 : vector<1x16xf32> to vector<1x16xf32>
        %swap3A_553 = vector.shape_cast %add3A_548 : vector<1x16xf32> to vector<1x16xf32>
        tpu.vector_store %arg10[%swap3A_549, %swap3A_550], %swap3A_553 {strides = array<i32>} : memref<16x1024xf32, #tpu.memory_space<vmem>>, vector<1x16xf32>,
        %get3A_554 = arith.index_cast %add3A_121 : i32 to index
        %get3A_555 = arith.constant 496 : index
        %get3A_556 = tpu.vector_load %arg6[%get3A_554, %get3A_555] {strides = array<i32>} : memref<16x1024xf32, #tpu.memory_space<vmem>>, vector<1x16xf32>,
        %get3A_557 = vector.shape_cast %get3A_556 : vector<1x16xf32> to vector<1x16xf32>
        %get3A_558 = arith.index_cast %add3A_121 : i32 to index
        %get3A_559 = arith.constant 496 : index
        %get3A_560 = tpu.vector_load %arg8[%get3A_558, %get3A_559] {strides = array<i32>} : memref<16x1024xf32, #tpu.memory_space<vmem>>, vector<1x16xf32>,
        %get3A_561 = vector.shape_cast %get3A_560 : vector<1x16xf32> to vector<1x16xf32>
        %add3A_562 = arith.addf %get3A_557, %get3A_561 : vector<1x16xf32>
        %swap3A_563 = arith.index_cast %add3A_121 : i32 to index
        %swap3A_564 = arith.constant 496 : index
        %swap3A_565 = tpu.vector_load %arg10[%swap3A_563, %swap3A_564] {strides = array<i32>} : memref<16x1024xf32, #tpu.memory_space<vmem>>, vector<1x16xf32>,
        %swap3A_566 = vector.shape_cast %swap3A_565 : vector<1x16xf32> to vector<1x16xf32>
        %swap3A_567 = vector.shape_cast %add3A_562 : vector<1x16xf32> to vector<1x16xf32>
        tpu.vector_store %arg10[%swap3A_563, %swap3A_564], %swap3A_567 {strides = array<i32>} : memref<16x1024xf32, #tpu.memory_space<vmem>>, vector<1x16xf32>,
        %get3A_568 = arith.index_cast %add3A_121 : i32 to index
        %get3A_569 = arith.constant 512 : index
        %get3A_570 = tpu.vector_load %arg6[%get3A_568, %get3A_569] {strides = array<i32>} : memref<16x1024xf32, #tpu.memory_space<vmem>>, vector<1x16xf32>,
        %get3A_571 = vector.shape_cast %get3A_570 : vector<1x16xf32> to vector<1x16xf32>
        %get3A_572 = arith.index_cast %add3A_121 : i32 to index
        %get3A_573 = arith.constant 512 : index
        %get3A_574 = tpu.vector_load %arg8[%get3A_572, %get3A_573] {strides = array<i32>} : memref<16x1024xf32, #tpu.memory_space<vmem>>, vector<1x16xf32>,
        %get3A_575 = vector.shape_cast %get3A_574 : vector<1x16xf32> to vector<1x16xf32>
        %add3A_576 = arith.addf %get3A_571, %get3A_575 : vector<1x16xf32>
        %swap3A_577 = arith.index_cast %add3A_121 : i32 to index
        %swap3A_578 = arith.constant 512 : index
        %swap3A_579 = tpu.vector_load %arg10[%swap3A_577, %swap3A_578] {strides = array<i32>} : memref<16x1024xf32, #tpu.memory_space<vmem>>, vector<1x16xf32>,
        %swap3A_580 = vector.shape_cast %swap3A_579 : vector<1x16xf32> to vector<1x16xf32>
        %swap3A_581 = vector.shape_cast %add3A_576 : vector<1x16xf32> to vector<1x16xf32>
        tpu.vector_store %arg10[%swap3A_577, %swap3A_578], %swap3A_581 {strides = array<i32>} : memref<16x1024xf32, #tpu.memory_space<vmem>>, vector<1x16xf32>,
        %get3A_582 = arith.index_cast %add3A_121 : i32 to index
        %get3A_583 = arith.constant 528 : index
        %get3A_584 = tpu.vector_load %arg6[%get3A_582, %get3A_583] {strides = array<i32>} : memref<16x1024xf32, #tpu.memory_space<vmem>>, vector<1x16xf32>,
        %get3A_585 = vector.shape_cast %get3A_584 : vector<1x16xf32> to vector<1x16xf32>
        %get3A_586 = arith.index_cast %add3A_121 : i32 to index
        %get3A_587 = arith.constant 528 : index
        %get3A_588 = tpu.vector_load %arg8[%get3A_586, %get3A_587] {strides = array<i32>} : memref<16x1024xf32, #tpu.memory_space<vmem>>, vector<1x16xf32>,
        %get3A_589 = vector.shape_cast %get3A_588 : vector<1x16xf32> to vector<1x16xf32>
        %add3A_590 = arith.addf %get3A_585, %get3A_589 : vector<1x16xf32>
        %swap3A_591 = arith.index_cast %add3A_121 : i32 to index
        %swap3A_592 = arith.constant 528 : index
        %swap3A_593 = tpu.vector_load %arg10[%swap3A_591, %swap3A_592] {strides = array<i32>} : memref<16x1024xf32, #tpu.memory_space<vmem>>, vector<1x16xf32>,
        %swap3A_594 = vector.shape_cast %swap3A_593 : vector<1x16xf32> to vector<1x16xf32>
        %swap3A_595 = vector.shape_cast %add3A_590 : vector<1x16xf32> to vector<1x16xf32>
        tpu.vector_store %arg10[%swap3A_591, %swap3A_592], %swap3A_595 {strides = array<i32>} : memref<16x1024xf32, #tpu.memory_space<vmem>>, vector<1x16xf32>,
        %get3A_596 = arith.index_cast %add3A_121 : i32 to index
        %get3A_597 = arith.constant 544 : index
        %get3A_598 = tpu.vector_load %arg6[%get3A_596, %get3A_597] {strides = array<i32>} : memref<16x1024xf32, #tpu.memory_space<vmem>>, vector<1x16xf32>,
        %get3A_599 = vector.shape_cast %get3A_598 : vector<1x16xf32> to vector<1x16xf32>
        %get3A_600 = arith.index_cast %add3A_121 : i32 to index
        %get3A_601 = arith.constant 544 : index
        %get3A_602 = tpu.vector_load %arg8[%get3A_600, %get3A_601] {strides = array<i32>} : memref<16x1024xf32, #tpu.memory_space<vmem>>, vector<1x16xf32>,
        %get3A_603 = vector.shape_cast %get3A_602 : vector<1x16xf32> to vector<1x16xf32>
        %add3A_604 = arith.addf %get3A_599, %get3A_603 : vector<1x16xf32>
        %swap3A_605 = arith.index_cast %add3A_121 : i32 to index
        %swap3A_606 = arith.constant 544 : index
        %swap3A_607 = tpu.vector_load %arg10[%swap3A_605, %swap3A_606] {strides = array<i32>} : memref<16x1024xf32, #tpu.memory_space<vmem>>, vector<1x16xf32>,
        %swap3A_608 = vector.shape_cast %swap3A_607 : vector<1x16xf32> to vector<1x16xf32>
        %swap3A_609 = vector.shape_cast %add3A_604 : vector<1x16xf32> to vector<1x16xf32>
        tpu.vector_store %arg10[%swap3A_605, %swap3A_606], %swap3A_609 {strides = array<i32>} : memref<16x1024xf32, #tpu.memory_space<vmem>>, vector<1x16xf32>,
        %get3A_610 = arith.index_cast %add3A_121 : i32 to index
        %get3A_611 = arith.constant 560 : index
        %get3A_612 = tpu.vector_load %arg6[%get3A_610, %get3A_611] {strides = array<i32>} : memref<16x1024xf32, #tpu.memory_space<vmem>>, vector<1x16xf32>,
        %get3A_613 = vector.shape_cast %get3A_612 : vector<1x16xf32> to vector<1x16xf32>
        %get3A_614 = arith.index_cast %add3A_121 : i32 to index
        %get3A_615 = arith.constant 560 : index
        %get3A_616 = tpu.vector_load %arg8[%get3A_614, %get3A_615] {strides = array<i32>} : memref<16x1024xf32, #tpu.memory_space<vmem>>, vector<1x16xf32>,
        %get3A_617 = vector.shape_cast %get3A_616 : vector<1x16xf32> to vector<1x16xf32>
        %add3A_618 = arith.addf %get3A_613, %get3A_617 : vector<1x16xf32>
        %swap3A_619 = arith.index_cast %add3A_121 : i32 to index
        %swap3A_620 = arith.constant 560 : index
        %swap3A_621 = tpu.vector_load %arg10[%swap3A_619, %swap3A_620] {strides = array<i32>} : memref<16x1024xf32, #tpu.memory_space<vmem>>, vector<1x16xf32>,
        %swap3A_622 = vector.shape_cast %swap3A_621 : vector<1x16xf32> to vector<1x16xf32>
        %swap3A_623 = vector.shape_cast %add3A_618 : vector<1x16xf32> to vector<1x16xf32>
        tpu.vector_store %arg10[%swap3A_619, %swap3A_620], %swap3A_623 {strides = array<i32>} : memref<16x1024xf32, #tpu.memory_space<vmem>>, vector<1x16xf32>,
        %get3A_624 = arith.index_cast %add3A_121 : i32 to index
        %get3A_625 = arith.constant 576 : index
        %get3A_626 = tpu.vector_load %arg6[%get3A_624, %get3A_625] {strides = array<i32>} : memref<16x1024xf32, #tpu.memory_space<vmem>>, vector<1x16xf32>,
        %get3A_627 = vector.shape_cast %get3A_626 : vector<1x16xf32> to vector<1x16xf32>
        %get3A_628 = arith.index_cast %add3A_121 : i32 to index
        %get3A_629 = arith.constant 576 : index
        %get3A_630 = tpu.vector_load %arg8[%get3A_628, %get3A_629] {strides = array<i32>} : memref<16x1024xf32, #tpu.memory_space<vmem>>, vector<1x16xf32>,
        %get3A_631 = vector.shape_cast %get3A_630 : vector<1x16xf32> to vector<1x16xf32>
        %add3A_632 = arith.addf %get3A_627, %get3A_631 : vector<1x16xf32>
        %swap3A_633 = arith.index_cast %add3A_121 : i32 to index
        %swap3A_634 = arith.constant 576 : index
        %swap3A_635 = tpu.vector_load %arg10[%swap3A_633, %swap3A_634] {strides = array<i32>} : memref<16x1024xf32, #tpu.memory_space<vmem>>, vector<1x16xf32>,
        %swap3A_636 = vector.shape_cast %swap3A_635 : vector<1x16xf32> to vector<1x16xf32>
        %swap3A_637 = vector.shape_cast %add3A_632 : vector<1x16xf32> to vector<1x16xf32>
        tpu.vector_store %arg10[%swap3A_633, %swap3A_634], %swap3A_637 {strides = array<i32>} : memref<16x1024xf32, #tpu.memory_space<vmem>>, vector<1x16xf32>,
        %get3A_638 = arith.index_cast %add3A_121 : i32 to index
        %get3A_639 = arith.constant 592 : index
        %get3A_640 = tpu.vector_load %arg6[%get3A_638, %get3A_639] {strides = array<i32>} : memref<16x1024xf32, #tpu.memory_space<vmem>>, vector<1x16xf32>,
        %get3A_641 = vector.shape_cast %get3A_640 : vector<1x16xf32> to vector<1x16xf32>
        %get3A_642 = arith.index_cast %add3A_121 : i32 to index
        %get3A_643 = arith.constant 592 : index
        %get3A_644 = tpu.vector_load %arg8[%get3A_642, %get3A_643] {strides = array<i32>} : memref<16x1024xf32, #tpu.memory_space<vmem>>, vector<1x16xf32>,
        %get3A_645 = vector.shape_cast %get3A_644 : vector<1x16xf32> to vector<1x16xf32>
        %add3A_646 = arith.addf %get3A_641, %get3A_645 : vector<1x16xf32>
        %swap3A_647 = arith.index_cast %add3A_121 : i32 to index
        %swap3A_648 = arith.constant 592 : index
        %swap3A_649 = tpu.vector_load %arg10[%swap3A_647, %swap3A_648] {strides = array<i32>} : memref<16x1024xf32, #tpu.memory_space<vmem>>, vector<1x16xf32>,
        %swap3A_650 = vector.shape_cast %swap3A_649 : vector<1x16xf32> to vector<1x16xf32>
        %swap3A_651 = vector.shape_cast %add3A_646 : vector<1x16xf32> to vector<1x16xf32>
        tpu.vector_store %arg10[%swap3A_647, %swap3A_648], %swap3A_651 {strides = array<i32>} : memref<16x1024xf32, #tpu.memory_space<vmem>>, vector<1x16xf32>,
        %get3A_652 = arith.index_cast %add3A_121 : i32 to index
        %get3A_653 = arith.constant 608 : index
        %get3A_654 = tpu.vector_load %arg6[%get3A_652, %get3A_653] {strides = array<i32>} : memref<16x1024xf32, #tpu.memory_space<vmem>>, vector<1x16xf32>,
        %get3A_655 = vector.shape_cast %get3A_654 : vector<1x16xf32> to vector<1x16xf32>
        %get3A_656 = arith.index_cast %add3A_121 : i32 to index
        %get3A_657 = arith.constant 608 : index
        %get3A_658 = tpu.vector_load %arg8[%get3A_656, %get3A_657] {strides = array<i32>} : memref<16x1024xf32, #tpu.memory_space<vmem>>, vector<1x16xf32>,
        %get3A_659 = vector.shape_cast %get3A_658 : vector<1x16xf32> to vector<1x16xf32>
        %add3A_660 = arith.addf %get3A_655, %get3A_659 : vector<1x16xf32>
        %swap3A_661 = arith.index_cast %add3A_121 : i32 to index
        %swap3A_662 = arith.constant 608 : index
        %swap3A_663 = tpu.vector_load %arg10[%swap3A_661, %swap3A_662] {strides = array<i32>} : memref<16x1024xf32, #tpu.memory_space<vmem>>, vector<1x16xf32>,
        %swap3A_664 = vector.shape_cast %swap3A_663 : vector<1x16xf32> to vector<1x16xf32>
        %swap3A_665 = vector.shape_cast %add3A_660 : vector<1x16xf32> to vector<1x16xf32>
        tpu.vector_store %arg10[%swap3A_661, %swap3A_662], %swap3A_665 {strides = array<i32>} : memref<16x1024xf32, #tpu.memory_space<vmem>>, vector<1x16xf32>,
        %get3A_666 = arith.index_cast %add3A_121 : i32 to index
        %get3A_667 = arith.constant 624 : index
        %get3A_668 = tpu.vector_load %arg6[%get3A_666, %get3A_667] {strides = array<i32>} : memref<16x1024xf32, #tpu.memory_space<vmem>>, vector<1x16xf32>,
        %get3A_669 = vector.shape_cast %get3A_668 : vector<1x16xf32> to vector<1x16xf32>
        %get3A_670 = arith.index_cast %add3A_121 : i32 to index
        %get3A_671 = arith.constant 624 : index
        %get3A_672 = tpu.vector_load %arg8[%get3A_670, %get3A_671] {strides = array<i32>} : memref<16x1024xf32, #tpu.memory_space<vmem>>, vector<1x16xf32>,
        %get3A_673 = vector.shape_cast %get3A_672 : vector<1x16xf32> to vector<1x16xf32>
        %add3A_674 = arith.addf %get3A_669, %get3A_673 : vector<1x16xf32>
        %swap3A_675 = arith.index_cast %add3A_121 : i32 to index
        %swap3A_676 = arith.constant 624 : index
        %swap3A_677 = tpu.vector_load %arg10[%swap3A_675, %swap3A_676] {strides = array<i32>} : memref<16x1024xf32, #tpu.memory_space<vmem>>, vector<1x16xf32>,
        %swap3A_678 = vector.shape_cast %swap3A_677 : vector<1x16xf32> to vector<1x16xf32>
        %swap3A_679 = vector.shape_cast %add3A_674 : vector<1x16xf32> to vector<1x16xf32>
        tpu.vector_store %arg10[%swap3A_675, %swap3A_676], %swap3A_679 {strides = array<i32>} : memref<16x1024xf32, #tpu.memory_space<vmem>>, vector<1x16xf32>,
        %get3A_680 = arith.index_cast %add3A_121 : i32 to index
        %get3A_681 = arith.constant 640 : index
        %get3A_682 = tpu.vector_load %arg6[%get3A_680, %get3A_681] {strides = array<i32>} : memref<16x1024xf32, #tpu.memory_space<vmem>>, vector<1x16xf32>,
        %get3A_683 = vector.shape_cast %get3A_682 : vector<1x16xf32> to vector<1x16xf32>
        %get3A_684 = arith.index_cast %add3A_121 : i32 to index
        %get3A_685 = arith.constant 640 : index
        %get3A_686 = tpu.vector_load %arg8[%get3A_684, %get3A_685] {strides = array<i32>} : memref<16x1024xf32, #tpu.memory_space<vmem>>, vector<1x16xf32>,
        %get3A_687 = vector.shape_cast %get3A_686 : vector<1x16xf32> to vector<1x16xf32>
        %add3A_688 = arith.addf %get3A_683, %get3A_687 : vector<1x16xf32>
        %swap3A_689 = arith.index_cast %add3A_121 : i32 to index
        %swap3A_690 = arith.constant 640 : index
        %swap3A_691 = tpu.vector_load %arg10[%swap3A_689, %swap3A_690] {strides = array<i32>} : memref<16x1024xf32, #tpu.memory_space<vmem>>, vector<1x16xf32>,
        %swap3A_692 = vector.shape_cast %swap3A_691 : vector<1x16xf32> to vector<1x16xf32>
        %swap3A_693 = vector.shape_cast %add3A_688 : vector<1x16xf32> to vector<1x16xf32>
        tpu.vector_store %arg10[%swap3A_689, %swap3A_690], %swap3A_693 {strides = array<i32>} : memref<16x1024xf32, #tpu.memory_space<vmem>>, vector<1x16xf32>,
        %get3A_694 = arith.index_cast %add3A_121 : i32 to index
        %get3A_695 = arith.constant 656 : index
        %get3A_696 = tpu.vector_load %arg6[%get3A_694, %get3A_695] {strides = array<i32>} : memref<16x1024xf32, #tpu.memory_space<vmem>>, vector<1x16xf32>,
        %get3A_697 = vector.shape_cast %get3A_696 : vector<1x16xf32> to vector<1x16xf32>
        %get3A_698 = arith.index_cast %add3A_121 : i32 to index
        %get3A_699 = arith.constant 656 : index
        %get3A_700 = tpu.vector_load %arg8[%get3A_698, %get3A_699] {strides = array<i32>} : memref<16x1024xf32, #tpu.memory_space<vmem>>, vector<1x16xf32>,
        %get3A_701 = vector.shape_cast %get3A_700 : vector<1x16xf32> to vector<1x16xf32>
        %add3A_702 = arith.addf %get3A_697, %get3A_701 : vector<1x16xf32>
        %swap3A_703 = arith.index_cast %add3A_121 : i32 to index
        %swap3A_704 = arith.constant 656 : index
        %swap3A_705 = tpu.vector_load %arg10[%swap3A_703, %swap3A_704] {strides = array<i32>} : memref<16x1024xf32, #tpu.memory_space<vmem>>, vector<1x16xf32>,
        %swap3A_706 = vector.shape_cast %swap3A_705 : vector<1x16xf32> to vector<1x16xf32>
        %swap3A_707 = vector.shape_cast %add3A_702 : vector<1x16xf32> to vector<1x16xf32>
        tpu.vector_store %arg10[%swap3A_703, %swap3A_704], %swap3A_707 {strides = array<i32>} : memref<16x1024xf32, #tpu.memory_space<vmem>>, vector<1x16xf32>,
        %get3A_708 = arith.index_cast %add3A_121 : i32 to index
        %get3A_709 = arith.constant 672 : index
        %get3A_710 = tpu.vector_load %arg6[%get3A_708, %get3A_709] {strides = array<i32>} : memref<16x1024xf32, #tpu.memory_space<vmem>>, vector<1x16xf32>,
        %get3A_711 = vector.shape_cast %get3A_710 : vector<1x16xf32> to vector<1x16xf32>
        %get3A_712 = arith.index_cast %add3A_121 : i32 to index
        %get3A_713 = arith.constant 672 : index
        %get3A_714 = tpu.vector_load %arg8[%get3A_712, %get3A_713] {strides = array<i32>} : memref<16x1024xf32, #tpu.memory_space<vmem>>, vector<1x16xf32>,
        %get3A_715 = vector.shape_cast %get3A_714 : vector<1x16xf32> to vector<1x16xf32>
        %add3A_716 = arith.addf %get3A_711, %get3A_715 : vector<1x16xf32>
        %swap3A_717 = arith.index_cast %add3A_121 : i32 to index
        %swap3A_718 = arith.constant 672 : index
        %swap3A_719 = tpu.vector_load %arg10[%swap3A_717, %swap3A_718] {strides = array<i32>} : memref<16x1024xf32, #tpu.memory_space<vmem>>, vector<1x16xf32>,
        %swap3A_720 = vector.shape_cast %swap3A_719 : vector<1x16xf32> to vector<1x16xf32>
        %swap3A_721 = vector.shape_cast %add3A_716 : vector<1x16xf32> to vector<1x16xf32>
        tpu.vector_store %arg10[%swap3A_717, %swap3A_718], %swap3A_721 {strides = array<i32>} : memref<16x1024xf32, #tpu.memory_space<vmem>>, vector<1x16xf32>,
        %get3A_722 = arith.index_cast %add3A_121 : i32 to index
        %get3A_723 = arith.constant 688 : index
        %get3A_724 = tpu.vector_load %arg6[%get3A_722, %get3A_723] {strides = array<i32>} : memref<16x1024xf32, #tpu.memory_space<vmem>>, vector<1x16xf32>,
        %get3A_725 = vector.shape_cast %get3A_724 : vector<1x16xf32> to vector<1x16xf32>
        %get3A_726 = arith.index_cast %add3A_121 : i32 to index
        %get3A_727 = arith.constant 688 : index
        %get3A_728 = tpu.vector_load %arg8[%get3A_726, %get3A_727] {strides = array<i32>} : memref<16x1024xf32, #tpu.memory_space<vmem>>, vector<1x16xf32>,
        %get3A_729 = vector.shape_cast %get3A_728 : vector<1x16xf32> to vector<1x16xf32>
        %add3A_730 = arith.addf %get3A_725, %get3A_729 : vector<1x16xf32>
        %swap3A_731 = arith.index_cast %add3A_121 : i32 to index
        %swap3A_732 = arith.constant 688 : index
        %swap3A_733 = tpu.vector_load %arg10[%swap3A_731, %swap3A_732] {strides = array<i32>} : memref<16x1024xf32, #tpu.memory_space<vmem>>, vector<1x16xf32>,
        %swap3A_734 = vector.shape_cast %swap3A_733 : vector<1x16xf32> to vector<1x16xf32>
        %swap3A_735 = vector.shape_cast %add3A_730 : vector<1x16xf32> to vector<1x16xf32>
        tpu.vector_store %arg10[%swap3A_731, %swap3A_732], %swap3A_735 {strides = array<i32>} : memref<16x1024xf32, #tpu.memory_space<vmem>>, vector<1x16xf32>,
        %get3A_736 = arith.index_cast %add3A_121 : i32 to index
        %get3A_737 = arith.constant 704 : index
        %get3A_738 = tpu.vector_load %arg6[%get3A_736, %get3A_737] {strides = array<i32>} : memref<16x1024xf32, #tpu.memory_space<vmem>>, vector<1x16xf32>,
        %get3A_739 = vector.shape_cast %get3A_738 : vector<1x16xf32> to vector<1x16xf32>
        %get3A_740 = arith.index_cast %add3A_121 : i32 to index
        %get3A_741 = arith.constant 704 : index
        %get3A_742 = tpu.vector_load %arg8[%get3A_740, %get3A_741] {strides = array<i32>} : memref<16x1024xf32, #tpu.memory_space<vmem>>, vector<1x16xf32>,
        %get3A_743 = vector.shape_cast %get3A_742 : vector<1x16xf32> to vector<1x16xf32>
        %add3A_744 = arith.addf %get3A_739, %get3A_743 : vector<1x16xf32>
        %swap3A_745 = arith.index_cast %add3A_121 : i32 to index
        %swap3A_746 = arith.constant 704 : index
        %swap3A_747 = tpu.vector_load %arg10[%swap3A_745, %swap3A_746] {strides = array<i32>} : memref<16x1024xf32, #tpu.memory_space<vmem>>, vector<1x16xf32>,
        %swap3A_748 = vector.shape_cast %swap3A_747 : vector<1x16xf32> to vector<1x16xf32>
        %swap3A_749 = vector.shape_cast %add3A_744 : vector<1x16xf32> to vector<1x16xf32>
        tpu.vector_store %arg10[%swap3A_745, %swap3A_746], %swap3A_749 {strides = array<i32>} : memref<16x1024xf32, #tpu.memory_space<vmem>>, vector<1x16xf32>,
        %get3A_750 = arith.index_cast %add3A_121 : i32 to index
        %get3A_751 = arith.constant 720 : index
        %get3A_752 = tpu.vector_load %arg6[%get3A_750, %get3A_751] {strides = array<i32>} : memref<16x1024xf32, #tpu.memory_space<vmem>>, vector<1x16xf32>,
        %get3A_753 = vector.shape_cast %get3A_752 : vector<1x16xf32> to vector<1x16xf32>
        %get3A_754 = arith.index_cast %add3A_121 : i32 to index
        %get3A_755 = arith.constant 720 : index
        %get3A_756 = tpu.vector_load %arg8[%get3A_754, %get3A_755] {strides = array<i32>} : memref<16x1024xf32, #tpu.memory_space<vmem>>, vector<1x16xf32>,
        %get3A_757 = vector.shape_cast %get3A_756 : vector<1x16xf32> to vector<1x16xf32>
        %add3A_758 = arith.addf %get3A_753, %get3A_757 : vector<1x16xf32>
        %swap3A_759 = arith.index_cast %add3A_121 : i32 to index
        %swap3A_760 = arith.constant 720 : index
        %swap3A_761 = tpu.vector_load %arg10[%swap3A_759, %swap3A_760] {strides = array<i32>} : memref<16x1024xf32, #tpu.memory_space<vmem>>, vector<1x16xf32>,
        %swap3A_762 = vector.shape_cast %swap3A_761 : vector<1x16xf32> to vector<1x16xf32>
        %swap3A_763 = vector.shape_cast %add3A_758 : vector<1x16xf32> to vector<1x16xf32>
        tpu.vector_store %arg10[%swap3A_759, %swap3A_760], %swap3A_763 {strides = array<i32>} : memref<16x1024xf32, #tpu.memory_space<vmem>>, vector<1x16xf32>,
        %get3A_764 = arith.index_cast %add3A_121 : i32 to index
        %get3A_765 = arith.constant 736 : index
        %get3A_766 = tpu.vector_load %arg6[%get3A_764, %get3A_765] {strides = array<i32>} : memref<16x1024xf32, #tpu.memory_space<vmem>>, vector<1x16xf32>,
        %get3A_767 = vector.shape_cast %get3A_766 : vector<1x16xf32> to vector<1x16xf32>
        %get3A_768 = arith.index_cast %add3A_121 : i32 to index
        %get3A_769 = arith.constant 736 : index
        %get3A_770 = tpu.vector_load %arg8[%get3A_768, %get3A_769] {strides = array<i32>} : memref<16x1024xf32, #tpu.memory_space<vmem>>, vector<1x16xf32>,
        %get3A_771 = vector.shape_cast %get3A_770 : vector<1x16xf32> to vector<1x16xf32>
        %add3A_772 = arith.addf %get3A_767, %get3A_771 : vector<1x16xf32>
        %swap3A_773 = arith.index_cast %add3A_121 : i32 to index
        %swap3A_774 = arith.constant 736 : index
        %swap3A_775 = tpu.vector_load %arg10[%swap3A_773, %swap3A_774] {strides = array<i32>} : memref<16x1024xf32, #tpu.memory_space<vmem>>, vector<1x16xf32>,
        %swap3A_776 = vector.shape_cast %swap3A_775 : vector<1x16xf32> to vector<1x16xf32>
        %swap3A_777 = vector.shape_cast %add3A_772 : vector<1x16xf32> to vector<1x16xf32>
        tpu.vector_store %arg10[%swap3A_773, %swap3A_774], %swap3A_777 {strides = array<i32>} : memref<16x1024xf32, #tpu.memory_space<vmem>>, vector<1x16xf32>,
        %get3A_778 = arith.index_cast %add3A_121 : i32 to index
        %get3A_779 = arith.constant 752 : index
        %get3A_780 = tpu.vector_load %arg6[%get3A_778, %get3A_779] {strides = array<i32>} : memref<16x1024xf32, #tpu.memory_space<vmem>>, vector<1x16xf32>,
        %get3A_781 = vector.shape_cast %get3A_780 : vector<1x16xf32> to vector<1x16xf32>
        %get3A_782 = arith.index_cast %add3A_121 : i32 to index
        %get3A_783 = arith.constant 752 : index
        %get3A_784 = tpu.vector_load %arg8[%get3A_782, %get3A_783] {strides = array<i32>} : memref<16x1024xf32, #tpu.memory_space<vmem>>, vector<1x16xf32>,
        %get3A_785 = vector.shape_cast %get3A_784 : vector<1x16xf32> to vector<1x16xf32>
        %add3A_786 = arith.addf %get3A_781, %get3A_785 : vector<1x16xf32>
        %swap3A_787 = arith.index_cast %add3A_121 : i32 to index
        %swap3A_788 = arith.constant 752 : index
        %swap3A_789 = tpu.vector_load %arg10[%swap3A_787, %swap3A_788] {strides = array<i32>} : memref<16x1024xf32, #tpu.memory_space<vmem>>, vector<1x16xf32>,
        %swap3A_790 = vector.shape_cast %swap3A_789 : vector<1x16xf32> to vector<1x16xf32>
        %swap3A_791 = vector.shape_cast %add3A_786 : vector<1x16xf32> to vector<1x16xf32>
        tpu.vector_store %arg10[%swap3A_787, %swap3A_788], %swap3A_791 {strides = array<i32>} : memref<16x1024xf32, #tpu.memory_space<vmem>>, vector<1x16xf32>,
        %get3A_792 = arith.index_cast %add3A_121 : i32 to index
        %get3A_793 = arith.constant 768 : index
        %get3A_794 = tpu.vector_load %arg6[%get3A_792, %get3A_793] {strides = array<i32>} : memref<16x1024xf32, #tpu.memory_space<vmem>>, vector<1x16xf32>,
        %get3A_795 = vector.shape_cast %get3A_794 : vector<1x16xf32> to vector<1x16xf32>
        %get3A_796 = arith.index_cast %add3A_121 : i32 to index
        %get3A_797 = arith.constant 768 : index
        %get3A_798 = tpu.vector_load %arg8[%get3A_796, %get3A_797] {strides = array<i32>} : memref<16x1024xf32, #tpu.memory_space<vmem>>, vector<1x16xf32>,
        %get3A_799 = vector.shape_cast %get3A_798 : vector<1x16xf32> to vector<1x16xf32>
        %add3A_800 = arith.addf %get3A_795, %get3A_799 : vector<1x16xf32>
        %swap3A_801 = arith.index_cast %add3A_121 : i32 to index
        %swap3A_802 = arith.constant 768 : index
        %swap3A_803 = tpu.vector_load %arg10[%swap3A_801, %swap3A_802] {strides = array<i32>} : memref<16x1024xf32, #tpu.memory_space<vmem>>, vector<1x16xf32>,
        %swap3A_804 = vector.shape_cast %swap3A_803 : vector<1x16xf32> to vector<1x16xf32>
        %swap3A_805 = vector.shape_cast %add3A_800 : vector<1x16xf32> to vector<1x16xf32>
        tpu.vector_store %arg10[%swap3A_801, %swap3A_802], %swap3A_805 {strides = array<i32>} : memref<16x1024xf32, #tpu.memory_space<vmem>>, vector<1x16xf32>,
        %get3A_806 = arith.index_cast %add3A_121 : i32 to index
        %get3A_807 = arith.constant 784 : index
        %get3A_808 = tpu.vector_load %arg6[%get3A_806, %get3A_807] {strides = array<i32>} : memref<16x1024xf32, #tpu.memory_space<vmem>>, vector<1x16xf32>,
        %get3A_809 = vector.shape_cast %get3A_808 : vector<1x16xf32> to vector<1x16xf32>
        %get3A_810 = arith.index_cast %add3A_121 : i32 to index
        %get3A_811 = arith.constant 784 : index
        %get3A_812 = tpu.vector_load %arg8[%get3A_810, %get3A_811] {strides = array<i32>} : memref<16x1024xf32, #tpu.memory_space<vmem>>, vector<1x16xf32>,
        %get3A_813 = vector.shape_cast %get3A_812 : vector<1x16xf32> to vector<1x16xf32>
        %add3A_814 = arith.addf %get3A_809, %get3A_813 : vector<1x16xf32>
        %swap3A_815 = arith.index_cast %add3A_121 : i32 to index
        %swap3A_816 = arith.constant 784 : index
        %swap3A_817 = tpu.vector_load %arg10[%swap3A_815, %swap3A_816] {strides = array<i32>} : memref<16x1024xf32, #tpu.memory_space<vmem>>, vector<1x16xf32>,
        %swap3A_818 = vector.shape_cast %swap3A_817 : vector<1x16xf32> to vector<1x16xf32>
        %swap3A_819 = vector.shape_cast %add3A_814 : vector<1x16xf32> to vector<1x16xf32>
        tpu.vector_store %arg10[%swap3A_815, %swap3A_816], %swap3A_819 {strides = array<i32>} : memref<16x1024xf32, #tpu.memory_space<vmem>>, vector<1x16xf32>,
        %get3A_820 = arith.index_cast %add3A_121 : i32 to index
        %get3A_821 = arith.constant 800 : index
        %get3A_822 = tpu.vector_load %arg6[%get3A_820, %get3A_821] {strides = array<i32>} : memref<16x1024xf32, #tpu.memory_space<vmem>>, vector<1x16xf32>,
        %get3A_823 = vector.shape_cast %get3A_822 : vector<1x16xf32> to vector<1x16xf32>
        %get3A_824 = arith.index_cast %add3A_121 : i32 to index
        %get3A_825 = arith.constant 800 : index
        %get3A_826 = tpu.vector_load %arg8[%get3A_824, %get3A_825] {strides = array<i32>} : memref<16x1024xf32, #tpu.memory_space<vmem>>, vector<1x16xf32>,
        %get3A_827 = vector.shape_cast %get3A_826 : vector<1x16xf32> to vector<1x16xf32>
        %add3A_828 = arith.addf %get3A_823, %get3A_827 : vector<1x16xf32>
        %swap3A_829 = arith.index_cast %add3A_121 : i32 to index
        %swap3A_830 = arith.constant 800 : index
        %swap3A_831 = tpu.vector_load %arg10[%swap3A_829, %swap3A_830] {strides = array<i32>} : memref<16x1024xf32, #tpu.memory_space<vmem>>, vector<1x16xf32>,
        %swap3A_832 = vector.shape_cast %swap3A_831 : vector<1x16xf32> to vector<1x16xf32>
        %swap3A_833 = vector.shape_cast %add3A_828 : vector<1x16xf32> to vector<1x16xf32>
        tpu.vector_store %arg10[%swap3A_829, %swap3A_830], %swap3A_833 {strides = array<i32>} : memref<16x1024xf32, #tpu.memory_space<vmem>>, vector<1x16xf32>,
        %get3A_834 = arith.index_cast %add3A_121 : i32 to index
        %get3A_835 = arith.constant 816 : index
        %get3A_836 = tpu.vector_load %arg6[%get3A_834, %get3A_835] {strides = array<i32>} : memref<16x1024xf32, #tpu.memory_space<vmem>>, vector<1x16xf32>,
        %get3A_837 = vector.shape_cast %get3A_836 : vector<1x16xf32> to vector<1x16xf32>
        %get3A_838 = arith.index_cast %add3A_121 : i32 to index
        %get3A_839 = arith.constant 816 : index
        %get3A_840 = tpu.vector_load %arg8[%get3A_838, %get3A_839] {strides = array<i32>} : memref<16x1024xf32, #tpu.memory_space<vmem>>, vector<1x16xf32>,
        %get3A_841 = vector.shape_cast %get3A_840 : vector<1x16xf32> to vector<1x16xf32>
        %add3A_842 = arith.addf %get3A_837, %get3A_841 : vector<1x16xf32>
        %swap3A_843 = arith.index_cast %add3A_121 : i32 to index
        %swap3A_844 = arith.constant 816 : index
        %swap3A_845 = tpu.vector_load %arg10[%swap3A_843, %swap3A_844] {strides = array<i32>} : memref<16x1024xf32, #tpu.memory_space<vmem>>, vector<1x16xf32>,
        %swap3A_846 = vector.shape_cast %swap3A_845 : vector<1x16xf32> to vector<1x16xf32>
        %swap3A_847 = vector.shape_cast %add3A_842 : vector<1x16xf32> to vector<1x16xf32>
        tpu.vector_store %arg10[%swap3A_843, %swap3A_844], %swap3A_847 {strides = array<i32>} : memref<16x1024xf32, #tpu.memory_space<vmem>>, vector<1x16xf32>,
        %get3A_848 = arith.index_cast %add3A_121 : i32 to index
        %get3A_849 = arith.constant 832 : index
        %get3A_850 = tpu.vector_load %arg6[%get3A_848, %get3A_849] {strides = array<i32>} : memref<16x1024xf32, #tpu.memory_space<vmem>>, vector<1x16xf32>,
        %get3A_851 = vector.shape_cast %get3A_850 : vector<1x16xf32> to vector<1x16xf32>
        %get3A_852 = arith.index_cast %add3A_121 : i32 to index
        %get3A_853 = arith.constant 832 : index
        %get3A_854 = tpu.vector_load %arg8[%get3A_852, %get3A_853] {strides = array<i32>} : memref<16x1024xf32, #tpu.memory_space<vmem>>, vector<1x16xf32>,
        %get3A_855 = vector.shape_cast %get3A_854 : vector<1x16xf32> to vector<1x16xf32>
        %add3A_856 = arith.addf %get3A_851, %get3A_855 : vector<1x16xf32>
        %swap3A_857 = arith.index_cast %add3A_121 : i32 to index
        %swap3A_858 = arith.constant 832 : index
        %swap3A_859 = tpu.vector_load %arg10[%swap3A_857, %swap3A_858] {strides = array<i32>} : memref<16x1024xf32, #tpu.memory_space<vmem>>, vector<1x16xf32>,
        %swap3A_860 = vector.shape_cast %swap3A_859 : vector<1x16xf32> to vector<1x16xf32>
        %swap3A_861 = vector.shape_cast %add3A_856 : vector<1x16xf32> to vector<1x16xf32>
        tpu.vector_store %arg10[%swap3A_857, %swap3A_858], %swap3A_861 {strides = array<i32>} : memref<16x1024xf32, #tpu.memory_space<vmem>>, vector<1x16xf32>,
        %get3A_862 = arith.index_cast %add3A_121 : i32 to index
        %get3A_863 = arith.constant 848 : index
        %get3A_864 = tpu.vector_load %arg6[%get3A_862, %get3A_863] {strides = array<i32>} : memref<16x1024xf32, #tpu.memory_space<vmem>>, vector<1x16xf32>,
        %get3A_865 = vector.shape_cast %get3A_864 : vector<1x16xf32> to vector<1x16xf32>
        %get3A_866 = arith.index_cast %add3A_121 : i32 to index
        %get3A_867 = arith.constant 848 : index
        %get3A_868 = tpu.vector_load %arg8[%get3A_866, %get3A_867] {strides = array<i32>} : memref<16x1024xf32, #tpu.memory_space<vmem>>, vector<1x16xf32>,
        %get3A_869 = vector.shape_cast %get3A_868 : vector<1x16xf32> to vector<1x16xf32>
        %add3A_870 = arith.addf %get3A_865, %get3A_869 : vector<1x16xf32>
        %swap3A_871 = arith.index_cast %add3A_121 : i32 to index
        %swap3A_872 = arith.constant 848 : index
        %swap3A_873 = tpu.vector_load %arg10[%swap3A_871, %swap3A_872] {strides = array<i32>} : memref<16x1024xf32, #tpu.memory_space<vmem>>, vector<1x16xf32>,
        %swap3A_874 = vector.shape_cast %swap3A_873 : vector<1x16xf32> to vector<1x16xf32>
        %swap3A_875 = vector.shape_cast %add3A_870 : vector<1x16xf32> to vector<1x16xf32>
        tpu.vector_store %arg10[%swap3A_871, %swap3A_872], %swap3A_875 {strides = array<i32>} : memref<16x1024xf32, #tpu.memory_space<vmem>>, vector<1x16xf32>,
        %get3A_876 = arith.index_cast %add3A_121 : i32 to index
        %get3A_877 = arith.constant 864 : index
        %get3A_878 = tpu.vector_load %arg6[%get3A_876, %get3A_877] {strides = array<i32>} : memref<16x1024xf32, #tpu.memory_space<vmem>>, vector<1x16xf32>,
        %get3A_879 = vector.shape_cast %get3A_878 : vector<1x16xf32> to vector<1x16xf32>
        %get3A_880 = arith.index_cast %add3A_121 : i32 to index
        %get3A_881 = arith.constant 864 : index
        %get3A_882 = tpu.vector_load %arg8[%get3A_880, %get3A_881] {strides = array<i32>} : memref<16x1024xf32, #tpu.memory_space<vmem>>, vector<1x16xf32>,
        %get3A_883 = vector.shape_cast %get3A_882 : vector<1x16xf32> to vector<1x16xf32>
        %add3A_884 = arith.addf %get3A_879, %get3A_883 : vector<1x16xf32>
        %swap3A_885 = arith.index_cast %add3A_121 : i32 to index
        %swap3A_886 = arith.constant 864 : index
        %swap3A_887 = tpu.vector_load %arg10[%swap3A_885, %swap3A_886] {strides = array<i32>} : memref<16x1024xf32, #tpu.memory_space<vmem>>, vector<1x16xf32>,
        %swap3A_888 = vector.shape_cast %swap3A_887 : vector<1x16xf32> to vector<1x16xf32>
        %swap3A_889 = vector.shape_cast %add3A_884 : vector<1x16xf32> to vector<1x16xf32>
        tpu.vector_store %arg10[%swap3A_885, %swap3A_886], %swap3A_889 {strides = array<i32>} : memref<16x1024xf32, #tpu.memory_space<vmem>>, vector<1x16xf32>,
        %get3A_890 = arith.index_cast %add3A_121 : i32 to index
        %get3A_891 = arith.constant 880 : index
        %get3A_892 = tpu.vector_load %arg6[%get3A_890, %get3A_891] {strides = array<i32>} : memref<16x1024xf32, #tpu.memory_space<vmem>>, vector<1x16xf32>,
        %get3A_893 = vector.shape_cast %get3A_892 : vector<1x16xf32> to vector<1x16xf32>
        %get3A_894 = arith.index_cast %add3A_121 : i32 to index
        %get3A_895 = arith.constant 880 : index
        %get3A_896 = tpu.vector_load %arg8[%get3A_894, %get3A_895] {strides = array<i32>} : memref<16x1024xf32, #tpu.memory_space<vmem>>, vector<1x16xf32>,
        %get3A_897 = vector.shape_cast %get3A_896 : vector<1x16xf32> to vector<1x16xf32>
        %add3A_898 = arith.addf %get3A_893, %get3A_897 : vector<1x16xf32>
        %swap3A_899 = arith.index_cast %add3A_121 : i32 to index
        %swap3A_900 = arith.constant 880 : index
        %swap3A_901 = tpu.vector_load %arg10[%swap3A_899, %swap3A_900] {strides = array<i32>} : memref<16x1024xf32, #tpu.memory_space<vmem>>, vector<1x16xf32>,
        %swap3A_902 = vector.shape_cast %swap3A_901 : vector<1x16xf32> to vector<1x16xf32>
        %swap3A_903 = vector.shape_cast %add3A_898 : vector<1x16xf32> to vector<1x16xf32>
        tpu.vector_store %arg10[%swap3A_899, %swap3A_900], %swap3A_903 {strides = array<i32>} : memref<16x1024xf32, #tpu.memory_space<vmem>>, vector<1x16xf32>,
        %get3A_904 = arith.index_cast %add3A_121 : i32 to index
        %get3A_905 = arith.constant 896 : index
        %get3A_906 = tpu.vector_load %arg6[%get3A_904, %get3A_905] {strides = array<i32>} : memref<16x1024xf32, #tpu.memory_space<vmem>>, vector<1x16xf32>,
        %get3A_907 = vector.shape_cast %get3A_906 : vector<1x16xf32> to vector<1x16xf32>
        %get3A_908 = arith.index_cast %add3A_121 : i32 to index
        %get3A_909 = arith.constant 896 : index
        %get3A_910 = tpu.vector_load %arg8[%get3A_908, %get3A_909] {strides = array<i32>} : memref<16x1024xf32, #tpu.memory_space<vmem>>, vector<1x16xf32>,
        %get3A_911 = vector.shape_cast %get3A_910 : vector<1x16xf32> to vector<1x16xf32>
        %add3A_912 = arith.addf %get3A_907, %get3A_911 : vector<1x16xf32>
        %swap3A_913 = arith.index_cast %add3A_121 : i32 to index
        %swap3A_914 = arith.constant 896 : index
        %swap3A_915 = tpu.vector_load %arg10[%swap3A_913, %swap3A_914] {strides = array<i32>} : memref<16x1024xf32, #tpu.memory_space<vmem>>, vector<1x16xf32>,
        %swap3A_916 = vector.shape_cast %swap3A_915 : vector<1x16xf32> to vector<1x16xf32>
        %swap3A_917 = vector.shape_cast %add3A_912 : vector<1x16xf32> to vector<1x16xf32>
        tpu.vector_store %arg10[%swap3A_913, %swap3A_914], %swap3A_917 {strides = array<i32>} : memref<16x1024xf32, #tpu.memory_space<vmem>>, vector<1x16xf32>,
        %get3A_918 = arith.index_cast %add3A_121 : i32 to index
        %get3A_919 = arith.constant 912 : index
        %get3A_920 = tpu.vector_load %arg6[%get3A_918, %get3A_919] {strides = array<i32>} : memref<16x1024xf32, #tpu.memory_space<vmem>>, vector<1x16xf32>,
        %get3A_921 = vector.shape_cast %get3A_920 : vector<1x16xf32> to vector<1x16xf32>
        %get3A_922 = arith.index_cast %add3A_121 : i32 to index
        %get3A_923 = arith.constant 912 : index
        %get3A_924 = tpu.vector_load %arg8[%get3A_922, %get3A_923] {strides = array<i32>} : memref<16x1024xf32, #tpu.memory_space<vmem>>, vector<1x16xf32>,
        %get3A_925 = vector.shape_cast %get3A_924 : vector<1x16xf32> to vector<1x16xf32>
        %add3A_926 = arith.addf %get3A_921, %get3A_925 : vector<1x16xf32>
        %swap3A_927 = arith.index_cast %add3A_121 : i32 to index
        %swap3A_928 = arith.constant 912 : index
        %swap3A_929 = tpu.vector_load %arg10[%swap3A_927, %swap3A_928] {strides = array<i32>} : memref<16x1024xf32, #tpu.memory_space<vmem>>, vector<1x16xf32>,
        %swap3A_930 = vector.shape_cast %swap3A_929 : vector<1x16xf32> to vector<1x16xf32>
        %swap3A_931 = vector.shape_cast %add3A_926 : vector<1x16xf32> to vector<1x16xf32>
        tpu.vector_store %arg10[%swap3A_927, %swap3A_928], %swap3A_931 {strides = array<i32>} : memref<16x1024xf32, #tpu.memory_space<vmem>>, vector<1x16xf32>,
        %get3A_932 = arith.index_cast %add3A_121 : i32 to index
        %get3A_933 = arith.constant 928 : index
        %get3A_934 = tpu.vector_load %arg6[%get3A_932, %get3A_933] {strides = array<i32>} : memref<16x1024xf32, #tpu.memory_space<vmem>>, vector<1x16xf32>,
        %get3A_935 = vector.shape_cast %get3A_934 : vector<1x16xf32> to vector<1x16xf32>
        %get3A_936 = arith.index_cast %add3A_121 : i32 to index
        %get3A_937 = arith.constant 928 : index
        %get3A_938 = tpu.vector_load %arg8[%get3A_936, %get3A_937] {strides = array<i32>} : memref<16x1024xf32, #tpu.memory_space<vmem>>, vector<1x16xf32>,
        %get3A_939 = vector.shape_cast %get3A_938 : vector<1x16xf32> to vector<1x16xf32>
        %add3A_940 = arith.addf %get3A_935, %get3A_939 : vector<1x16xf32>
        %swap3A_941 = arith.index_cast %add3A_121 : i32 to index
        %swap3A_942 = arith.constant 928 : index
        %swap3A_943 = tpu.vector_load %arg10[%swap3A_941, %swap3A_942] {strides = array<i32>} : memref<16x1024xf32, #tpu.memory_space<vmem>>, vector<1x16xf32>,
        %swap3A_944 = vector.shape_cast %swap3A_943 : vector<1x16xf32> to vector<1x16xf32>
        %swap3A_945 = vector.shape_cast %add3A_940 : vector<1x16xf32> to vector<1x16xf32>
        tpu.vector_store %arg10[%swap3A_941, %swap3A_942], %swap3A_945 {strides = array<i32>} : memref<16x1024xf32, #tpu.memory_space<vmem>>, vector<1x16xf32>,
        %get3A_946 = arith.index_cast %add3A_121 : i32 to index
        %get3A_947 = arith.constant 944 : index
        %get3A_948 = tpu.vector_load %arg6[%get3A_946, %get3A_947] {strides = array<i32>} : memref<16x1024xf32, #tpu.memory_space<vmem>>, vector<1x16xf32>,
        %get3A_949 = vector.shape_cast %get3A_948 : vector<1x16xf32> to vector<1x16xf32>
        %get3A_950 = arith.index_cast %add3A_121 : i32 to index
        %get3A_951 = arith.constant 944 : index
        %get3A_952 = tpu.vector_load %arg8[%get3A_950, %get3A_951] {strides = array<i32>} : memref<16x1024xf32, #tpu.memory_space<vmem>>, vector<1x16xf32>,
        %get3A_953 = vector.shape_cast %get3A_952 : vector<1x16xf32> to vector<1x16xf32>
        %add3A_954 = arith.addf %get3A_949, %get3A_953 : vector<1x16xf32>
        %swap3A_955 = arith.index_cast %add3A_121 : i32 to index
        %swap3A_956 = arith.constant 944 : index
        %swap3A_957 = tpu.vector_load %arg10[%swap3A_955, %swap3A_956] {strides = array<i32>} : memref<16x1024xf32, #tpu.memory_space<vmem>>, vector<1x16xf32>,
        %swap3A_958 = vector.shape_cast %swap3A_957 : vector<1x16xf32> to vector<1x16xf32>
        %swap3A_959 = vector.shape_cast %add3A_954 : vector<1x16xf32> to vector<1x16xf32>
        tpu.vector_store %arg10[%swap3A_955, %swap3A_956], %swap3A_959 {strides = array<i32>} : memref<16x1024xf32, #tpu.memory_space<vmem>>, vector<1x16xf32>,
        %get3A_960 = arith.index_cast %add3A_121 : i32 to index
        %get3A_961 = arith.constant 960 : index
        %get3A_962 = tpu.vector_load %arg6[%get3A_960, %get3A_961] {strides = array<i32>} : memref<16x1024xf32, #tpu.memory_space<vmem>>, vector<1x16xf32>,
        %get3A_963 = vector.shape_cast %get3A_962 : vector<1x16xf32> to vector<1x16xf32>
        %get3A_964 = arith.index_cast %add3A_121 : i32 to index
        %get3A_965 = arith.constant 960 : index
        %get3A_966 = tpu.vector_load %arg8[%get3A_964, %get3A_965] {strides = array<i32>} : memref<16x1024xf32, #tpu.memory_space<vmem>>, vector<1x16xf32>,
        %get3A_967 = vector.shape_cast %get3A_966 : vector<1x16xf32> to vector<1x16xf32>
        %add3A_968 = arith.addf %get3A_963, %get3A_967 : vector<1x16xf32>
        %swap3A_969 = arith.index_cast %add3A_121 : i32 to index
        %swap3A_970 = arith.constant 960 : index
        %swap3A_971 = tpu.vector_load %arg10[%swap3A_969, %swap3A_970] {strides = array<i32>} : memref<16x1024xf32, #tpu.memory_space<vmem>>, vector<1x16xf32>,
        %swap3A_972 = vector.shape_cast %swap3A_971 : vector<1x16xf32> to vector<1x16xf32>
        %swap3A_973 = vector.shape_cast %add3A_968 : vector<1x16xf32> to vector<1x16xf32>
        tpu.vector_store %arg10[%swap3A_969, %swap3A_970], %swap3A_973 {strides = array<i32>} : memref<16x1024xf32, #tpu.memory_space<vmem>>, vector<1x16xf32>,
        %get3A_974 = arith.index_cast %add3A_121 : i32 to index
        %get3A_975 = arith.constant 976 : index
        %get3A_976 = tpu.vector_load %arg6[%get3A_974, %get3A_975] {strides = array<i32>} : memref<16x1024xf32, #tpu.memory_space<vmem>>, vector<1x16xf32>,
        %get3A_977 = vector.shape_cast %get3A_976 : vector<1x16xf32> to vector<1x16xf32>
        %get3A_978 = arith.index_cast %add3A_121 : i32 to index
        %get3A_979 = arith.constant 976 : index
        %get3A_980 = tpu.vector_load %arg8[%get3A_978, %get3A_979] {strides = array<i32>} : memref<16x1024xf32, #tpu.memory_space<vmem>>, vector<1x16xf32>,
        %get3A_981 = vector.shape_cast %get3A_980 : vector<1x16xf32> to vector<1x16xf32>
        %add3A_982 = arith.addf %get3A_977, %get3A_981 : vector<1x16xf32>
        %swap3A_983 = arith.index_cast %add3A_121 : i32 to index
        %swap3A_984 = arith.constant 976 : index
        %swap3A_985 = tpu.vector_load %arg10[%swap3A_983, %swap3A_984] {strides = array<i32>} : memref<16x1024xf32, #tpu.memory_space<vmem>>, vector<1x16xf32>,
        %swap3A_986 = vector.shape_cast %swap3A_985 : vector<1x16xf32> to vector<1x16xf32>
        %swap3A_987 = vector.shape_cast %add3A_982 : vector<1x16xf32> to vector<1x16xf32>
        tpu.vector_store %arg10[%swap3A_983, %swap3A_984], %swap3A_987 {strides = array<i32>} : memref<16x1024xf32, #tpu.memory_space<vmem>>, vector<1x16xf32>,
        %get3A_988 = arith.index_cast %add3A_121 : i32 to index
        %get3A_989 = arith.constant 992 : index
        %get3A_990 = tpu.vector_load %arg6[%get3A_988, %get3A_989] {strides = array<i32>} : memref<16x1024xf32, #tpu.memory_space<vmem>>, vector<1x16xf32>,
        %get3A_991 = vector.shape_cast %get3A_990 : vector<1x16xf32> to vector<1x16xf32>
        %get3A_992 = arith.index_cast %add3A_121 : i32 to index
        %get3A_993 = arith.constant 992 : index
        %get3A_994 = tpu.vector_load %arg8[%get3A_992, %get3A_993] {strides = array<i32>} : memref<16x1024xf32, #tpu.memory_space<vmem>>, vector<1x16xf32>,
        %get3A_995 = vector.shape_cast %get3A_994 : vector<1x16xf32> to vector<1x16xf32>
        %add3A_996 = arith.addf %get3A_991, %get3A_995 : vector<1x16xf32>
        %swap3A_997 = arith.index_cast %add3A_121 : i32 to index
        %swap3A_998 = arith.constant 992 : index
        %swap3A_999 = tpu.vector_load %arg10[%swap3A_997, %swap3A_998] {strides = array<i32>} : memref<16x1024xf32, #tpu.memory_space<vmem>>, vector<1x16xf32>,
        %swap3A_1000 = vector.shape_cast %swap3A_999 : vector<1x16xf32> to vector<1x16xf32>
        %swap3A_1001 = vector.shape_cast %add3A_996 : vector<1x16xf32> to vector<1x16xf32>
        tpu.vector_store %arg10[%swap3A_997, %swap3A_998], %swap3A_1001 {strides = array<i32>} : memref<16x1024xf32, #tpu.memory_space<vmem>>, vector<1x16xf32>,
        %get3A_1002 = arith.index_cast %add3A_121 : i32 to index
        %get3A_1003 = arith.constant 1008 : index
        %get3A_1004 = tpu.vector_load %arg6[%get3A_1002, %get3A_1003] {strides = array<i32>} : memref<16x1024xf32, #tpu.memory_space<vmem>>, vector<1x16xf32>,
        %get3A_1005 = vector.shape_cast %get3A_1004 : vector<1x16xf32> to vector<1x16xf32>
        %get3A_1006 = arith.index_cast %add3A_121 : i32 to index
        %get3A_1007 = arith.constant 1008 : index
        %get3A_1008 = tpu.vector_load %arg8[%get3A_1006, %get3A_1007] {strides = array<i32>} : memref<16x1024xf32, #tpu.memory_space<vmem>>, vector<1x16xf32>,
        %get3A_1009 = vector.shape_cast %get3A_1008 : vector<1x16xf32> to vector<1x16xf32>
        %add3A_1010 = arith.addf %get3A_1005, %get3A_1009 : vector<1x16xf32>
        %swap3A_1011 = arith.index_cast %add3A_121 : i32 to index
        %swap3A_1012 = arith.constant 1008 : index
        %swap3A_1013 = tpu.vector_load %arg10[%swap3A_1011, %swap3A_1012] {strides = array<i32>} : memref<16x1024xf32, #tpu.memory_space<vmem>>, vector<1x16xf32>,
        %swap3A_1014 = vector.shape_cast %swap3A_1013 : vector<1x16xf32> to vector<1x16xf32>
        %swap3A_1015 = vector.shape_cast %add3A_1010 : vector<1x16xf32> to vector<1x16xf32>
        tpu.vector_store %arg10[%swap3A_1011, %swap3A_1012], %swap3A_1015 {strides = array<i32>} : memref<16x1024xf32, #tpu.memory_space<vmem>>, vector<1x16xf32>,
      }
      %scan3A_102 = arith.constant 16 : i32
      %mul3A_103 = arith.constant 16 : i32
      %mul3A_104 = arith.muli %add3A_79, %mul3A_103 : i32
      %add3A_105 = arith.addi %mul3A_2, %mul3A_104 : i32
      %dma_start3A_106 = arith.constant 0 : i32
      %dma_start3A_107 = tpu.memref_slice %arg4[%add3A_105, %dma_start3A_106] : memref<5120x1024xf32, #tpu.memory_space<hbm>> -> memref<16x1024xf32, #tpu.memory_space<hbm>>
      %dma_start3A_108 = arith.constant 0 : i32
      %dma_start3A_109 = tpu.memref_slice %arg4[%add3A_105, %dma_start3A_108] : memref<5120x1024xf32, #tpu.memory_space<hbm>> -> memref<16x1024xf32, #tpu.memory_space<hbm>>
      tpu.enqueue_dma source(%arg10 : memref<16x1024xf32, #tpu.memory_space<vmem>>) target(%dma_start3A_109 : memref<16x1024xf32, #tpu.memory_space<hbm>>) target_semaphore(%arg16 : memref<!tpu.dma_semaphore, #tpu.memory_space<semaphore_mem>>)
      %add3A_110 = arith.constant 2 : i32
      %add3A_111 = arith.addi %add3A_79, %add3A_110 : i32
      %lt3A_112 = arith.constant 10 : i32
      %lt3A_113 = arith.cmpi slt, %add3A_111, %lt3A_112 : i32
      %convert_element_type3A_114 = arith.extui %lt3A_113 : i1 to i32
      %cond3A_115 = arith.constant 0 : i32
      %cond3A_116 = arith.cmpi ne, %convert_element_type3A_114, %cond3A_115 : i32
      scf.if %cond3A_116 {
        %add3A_117 = arith.constant 2 : i32
        %add3A_118 = arith.addi %add3A_79, %add3A_117 : i32
        %mul3A_119 = arith.constant 16 : i32
        %mul3A_120 = arith.muli %add3A_118, %mul3A_119 : i32
        %add3A_121 = arith.addi %mul3A_2, %mul3A_120 : i32
        %rem3A_122 = arith.constant 4096 : i32
        %rem3A_123 = arith.remsi %add3A_121, %rem3A_122 : i32
        %dma_start3A_124 = arith.constant 0 : i32
        %dma_start3A_125 = tpu.memref_slice %arg2[%add3A_121, %dma_start3A_124] : memref<16384x1024xf32, #tpu.memory_space<hbm>> -> memref<16x1024xf32, #tpu.memory_space<hbm>>
        %dma_start3A_126 = arith.constant 0 : i32
        %dma_start3A_127 = tpu.memref_slice %arg2[%add3A_121, %dma_start3A_126] : memref<16384x1024xf32, #tpu.memory_space<hbm>> -> memref<16x1024xf32, #tpu.memory_space<hbm>>
        tpu.enqueue_dma source(%dma_start3A_127 : memref<16x1024xf32, #tpu.memory_space<hbm>>) target(%arg6 : memref<16x1024xf32, #tpu.memory_space<vmem>>) target_semaphore(%arg12 : memref<!tpu.dma_semaphore, #tpu.memory_space<semaphore_mem>>)
        %dma_start3A_128 = arith.constant 0 : i32
        %dma_start3A_129 = tpu.memref_slice %arg3[%rem3A_123, %dma_start3A_128] : memref<4096x1024xf32, #tpu.memory_space<hbm>> -> memref<16x1024xf32, #tpu.memory_space<hbm>>
        %dma_start3A_130 = arith.constant 0 : i32
        %dma_start3A_131 = tpu.memref_slice %arg3[%rem3A_123, %dma_start3A_130] : memref<4096x1024xf32, #tpu.memory_space<hbm>> -> memref<16x1024xf32, #tpu.memory_space<hbm>>
        tpu.enqueue_dma source(%dma_start3A_131 : memref<16x1024xf32, #tpu.memory_space<hbm>>) target(%arg8 : memref<16x1024xf32, #tpu.memory_space<vmem>>) target_semaphore(%arg14 : memref<!tpu.dma_semaphore, #tpu.memory_space<semaphore_mem>>)
      } else {
      }
    }
    %scan3A_28 = arith.constant 5 : i32
    %add3A_29 = arith.constant 128 : i32
    %add3A_30 = arith.addi %mul3A_2, %add3A_29 : i32
    %dma_wait3A = arith.constant 0 : i32
    %dma_wait3A_31 = tpu.memref_slice %arg4[%add3A_30, %dma_wait3A] : memref<5120x1024xf32, #tpu.memory_space<hbm>> -> memref<16x1024xf32, #tpu.memory_space<hbm>>
    %dma_wait3A_32 = arith.constant 0 : i32
    %dma_wait3A_33 = tpu.memref_slice %arg4[%add3A_30, %dma_wait3A_32] : memref<5120x1024xf32, #tpu.memory_space<hbm>> -> memref<16x1024xf32, #tpu.memory_space<hbm>>
    tpu.wait_dma2 semaphore(%arg15 : memref<!tpu.dma_semaphore, #tpu.memory_space<semaphore_mem>>) src(%arg9 : memref<16x1024xf32, #tpu.memory_space<vmem>>) dst(%dma_wait3A_33 : memref<16x1024xf32, #tpu.memory_space<hbm>>)
    %add3A_34 = arith.constant 144 : i32
    %add3A_35 = arith.addi %mul3A_2, %add3A_34 : i32
    %dma_wait3A_36 = arith.constant 0 : i32
    %dma_wait3A_37 = tpu.memref_slice %arg4[%add3A_35, %dma_wait3A_36] : memref<5120x1024xf32, #tpu.memory_space<hbm>> -> memref<16x1024xf32, #tpu.memory_space<hbm>>
    %dma_wait3A_38 = arith.constant 0 : i32
    %dma_wait3A_39 = tpu.memref_slice %arg4[%add3A_35, %dma_wait3A_38] : memref<5120x1024xf32, #tpu.memory_space<hbm>> -> memref<16x1024xf32, #tpu.memory_space<hbm>>
    tpu.wait_dma2 semaphore(%arg16 : memref<!tpu.dma_semaphore, #tpu.memory_space<semaphore_mem>>) src(%arg10 : memref<16x1024xf32, #tpu.memory_space<vmem>>) dst(%dma_wait3A_39 : memref<16x1024xf32, #tpu.memory_space<hbm>>)
    return
  }
}

module attributes {stable_mosaic.version = 14 : i64} {
  func.func @_tc_body(%arg0: i32, %arg1: memref<1024x1024xf32, #tpu.memory_space<vmem>>, %arg2: memref<4096x1024xf32, #tpu.memory_space<vmem>>, %arg3: memref<1024x1024xf32, #tpu.memory_space<vmem>>) attributes {dimension_semantics = [#tpu.dimension_semantics<arbitrary>], iteration_bounds = array<i64: 11>, scalar_prefetch = 0 : i64, scratch_operands = 0 : i64, tpu.core_type = #tpu.core_type<tc>, window_params = [{transform_indices = @transform_0, window_bounds = array<i64: 1024, 1024>}, {pipeline_mode = #tpu.pipeline_mode<synchronous>, transform_indices = @transform_1, window_bounds = array<i64: 4096, 1024>}, {transform_indices = @transform_2, window_bounds = array<i64: 1024, 1024>}]} {
    %mul3A = arith.constant 1024 : i32
    %mul3A_0 = arith.muli %arg0, %mul3A : i32
    %add3A = arith.constant 5120 : i32
    %add3A_1 = arith.addi %add3A, %mul3A_0 : i32
    %rem3A = arith.constant 4096 : i32
    %rem3A_2 = arith.remsi %add3A_1, %rem3A : i32
    %get3A = arith.constant 0 : index
    %get3A_3 = arith.constant 0 : index
    %get3A_4 = vector.load %arg1[%get3A, %get3A_3] : memref<1024x1024xf32, #tpu.memory_space<vmem>>, vector<1024x1024xf32>
    %get3A_5 = arith.index_cast %rem3A_2 : i32 to index
    %get3A_6 = arith.constant 0 : index
    %get3A_7 = vector.load %arg2[%get3A_5, %get3A_6] : memref<4096x1024xf32, #tpu.memory_space<vmem>>, vector<1024x1024xf32>
    %add3A_8 = arith.addf %get3A_4, %get3A_7 : vector<1024x1024xf32>
    %swap3A = arith.constant 0 : index
    %swap3A_9 = arith.constant 0 : index
    %swap3A_10 = vector.load %arg3[%swap3A, %swap3A_9] : memref<1024x1024xf32, #tpu.memory_space<vmem>>, vector<1024x1024xf32>
    tpu.vector_store %arg3[%swap3A, %swap3A_9], %add3A_8 {strides = array<i32>} : memref<1024x1024xf32, #tpu.memory_space<vmem>>, vector<1024x1024xf32>,
    return
  }
  func.func @transform_0(%arg0: i32) -> (i32, i32) {
    %add3A = arith.constant 5 : i32
    %add3A_0 = arith.addi %arg0, %add3A : i32
    %c0_i32 = arith.constant 0 : i32
    %c0_i32_1 = arith.constant 0 : i32
    return %add3A_0, %c0_i32 : i32, i32
  }
  func.func @transform_1(%arg0: i32) -> (i32, i32) {
    %c0_i32 = arith.constant 0 : i32
    %c0_i32_0 = arith.constant 0 : i32
    %c0_i32_1 = arith.constant 0 : i32
    return %c0_i32, %c0_i32_0 : i32, i32
  }
  func.func @transform_2(%arg0: i32) -> (i32, i32) {
    %add3A = arith.constant 5 : i32
    %add3A_0 = arith.addi %arg0, %add3A : i32
    %c0_i32 = arith.constant 0 : i32
    %c0_i32_1 = arith.constant 0 : i32
    return %add3A_0, %c0_i32 : i32, i32
  }
}

</mosaic_0001>

<sc_bundles>
// kernel: kernel.4.cloned.1.call-start
scs
__scs_entry_jumppad:
0x0: {  	(pc) =	sbr.rel $0x88, $3  }
0x1: {  	(tag) =	ssettag $0x0;
	lr =	simm.s32 $0x1  }
0x2: {  	[smem:$0x3F9F] =	sst lr;
	_ =	strace $0xD0000000  }
0x3: {  	_ = 	snop  }
0x4: {  	_ = 	snop  }
0x5: {  	_ = 	snop  }
0x6: {  	_ = 	snop  }
0x7: {  	_ = 	snop  }
__scs_overlays_trampoline_lowered:
0x8: {  	[smem:$0x3FAE] =	sst s0  }
0x9: {  	[smem:$0x3FAF] =	sst s1  }
0xa: {  	[smem:$0x3FB0] =	sst s2  }
0xb: {  	[smem:$0x3FB1] =	sst s3  }
0xc: {  	[smem:$0x3FB2] =	sst s4  }
0xd: {  	[smem:$0x3FB3] =	sst s5  }
0xe: {  	[smem:$0x3FB4] =	sst s6  }
0xf: {  	[smem:$0x3FB5] =	sst s7  }
0x10: {  	[smem:$0x3FB6] =	sst s8  }
0x11: {  	[smem:$0x3FB7] =	sst s9;
	s0 =	simm.s32 @!p0 $0x0  }
0x12: {  	s1 =	sld [smem:$0x3F9D];
	s0 =	simm.s32 @p0 $0x1  }
0x13: {  	[smem:$0x3FB8] =	sst s0;
	s0 =	simm.s32 @!p1 $0x0  }
0x14: {  	s2 =	sld [smem:$0x3F9C];
	s0 =	simm.s32 @p1 $0x1  }
0x15: {  	[smem:$0x3FB9] =	sst s0;
	s0 =	simm.s32 @!p2 $0x0  }
0x16: {  	s3 =	sld [smem:$0x3FDB];
	s0 =	simm.s32 @p2 $0x1  }
0x17: {  	s4 =	simm.s32 $0x1BF5;
	[smem:$0x3FBB] =	sst s0  }
0x18: {  	s0 =	sld [smem:$0x3F9E];
	_ =	swait.ge [sflag:s4], $0x0  }
0x19: {  	s7 =	sld [smem:$0x3F9F]  }
0x1a: {  	s8 =	sadd.s32 $0xFFFFE003, lr  }
0x1b: {  	s9 =	sadd.s32 $0xFFFFFEF7, lr;
	s5 =	simm.s32 $0xFFFFFFFF;
	p2 =	slt.u32 s8, $0xFFFFF086  }
0x1c: {  	p1 =	slt.u32 s9, $0xF7A;
	s5 =	simm.s32 @!p2 $0x0  }
0x1d: {  	s5 =	simm.s32 @p1 $0x1;
	p0 =	seq.s32 s7, s2  }
0x1e: {  	s7 =	smul.u32 @!p0 $0xF7A, s2;
	p2 =	seq.s32 @!p0 s5, $0x0  }
0x1f: {  	s9 =	smul.u32 $0xF7A, s1;
	s8 =	simm.s32 @!p0 $0x1BF5;
	p2 =	por !p2, p0  }
0x20: {  	[sflag:s8] =	ssyncset.s32 @!p0 $0xFFFFF086;
	s6 =	sadd.s32 @!p0 s3, s7;
	s7 =	simm.s32 @!p0 $0x108  }
0x21: {  	s3 =	sadd.s32 s3, s9;
	s6 =	sadd.s32 @!p0 $0x88, s6;
	s7 =	simm.s32 @p2 $0x1082  }
0x22: {  	[simem:s7], [sflag:s8] =	dma.local @!p0 [hbm:s6], $0xF7A  }
0x23: {  	s9 =	sor.u32 $0xD0000000, s2;
	s6 =	simm.s32 $0x108;
	_ =	swait.ge @!p0 [sflag:s8], $0x0  }
0x24: {  	s3 =	sadd.s32 $0x88, s3;
	s6 =	simm.s32 @!p1 $0x1082;
	[sflag:s4] =	ssyncset.s32 $0xFFFFF086  }
0x25: {  	[simem:s6], [sflag:s4] =	dma.local [hbm:s3], $0xF7A  }
0x26: {  	[smem:$0x3F9F] =	sst s1;
	(tag) =	ssettag s2;
	_ =	strace s9  }
0x27: {  	s1 =	sld [smem:$0x3FAF]  }
0x28: {  	s2 =	sld [smem:$0x3FB0]  }
0x29: {  	s4 =	sld [smem:$0x3FB2]  }
0x2a: {  	p0 =	seq.s32 s5, $0x0;
	s5 =	sld [smem:$0x3FB3]  }
0x2b: {  	s6 =	sld [smem:$0x3FB4]  }
0x2c: {  	s7 =	sld [smem:$0x3FB5]  }
0x2d: {  	s3 =	simm.s32 $0x108;
	s8 =	sld [smem:$0x3FB6]  }
0x2e: {  	s3 =	simm.s32 @!p0 $0x1082;
	s9 =	sld [smem:$0x3FB7]  }
0x2f: {  	lr =	sadd.s32 s0, s3;
	s0 =	sld [smem:$0x3FAE]  }
0x30: {  	s3 =	sld [smem:$0x3FB1]  }
0x31: {  	[smem:$0x3FBA] =	sst s10  }
0x32: {  	s10 =	sld [smem:$0x3FB8];
	_ =	sdelay $0x3  }
0x33: {  	p0 =	seq.s32 s10, $0x1;
	s10 =	sld [smem:$0x3FBA];
	_ =	sdelay $0x3  }
0x34: {  	[smem:$0x3FBA] =	sst s10  }
0x35: {  	s10 =	sld [smem:$0x3FB9];
	_ =	sdelay $0x3  }
0x36: {  	p1 =	seq.s32 s10, $0x1;
	s10 =	sld [smem:$0x3FBA];
	_ =	sdelay $0x3  }
0x37: {  	[smem:$0x3FBA] =	sst s10  }
0x38: {  	s10 =	sld [smem:$0x3FBB]  }
0x39: {  	_ = 	snop;
	(pc) =	sbr.ind lr, $3  }
0x3a: {  	_ = 	snop  }
0x3b: {  	_ = 	snop  }
0x3c: {  	p2 =	seq.s32 s10, $0x1;
	s10 =	sld [smem:$0x3FBA]  }
0x3d: {  	_ =	shalt  }
0x3e: {  	_ =	shalt  }
0x3f: {  	_ =	shalt  }
0x40: {  	_ =	shalt  }
0x41: {  	_ =	shalt  }
0x42: {  	_ =	shalt  }
0x43: {  	_ =	shalt  }
0x44: {  	_ =	shalt  }
0x45: {  	_ =	shalt  }
0x46: {  	_ =	shalt  }
0x47: {  	_ =	shalt  }
0x48: {  	_ =	shalt  }
0x49: {  	_ =	shalt  }
0x4a: {  	_ =	shalt  }
0x4b: {  	_ =	shalt  }
0x4c: {  	_ =	shalt  }
0x4d: {  	_ =	shalt  }
0x4e: {  	_ =	shalt  }
0x4f: {  	_ =	shalt  }
0x50: {  	_ =	shalt  }
0x51: {  	_ =	shalt  }
0x52: {  	_ =	shalt  }
0x53: {  	_ =	shalt  }
0x54: {  	_ =	shalt  }
0x55: {  	_ =	shalt  }
0x56: {  	_ =	shalt  }
0x57: {  	_ =	shalt  }
0x58: {  	_ =	shalt  }
0x59: {  	_ =	shalt  }
0x5a: {  	_ =	shalt  }
0x5b: {  	_ =	shalt  }
0x5c: {  	_ =	shalt  }
0x5d: {  	_ =	shalt  }
0x5e: {  	_ =	shalt  }
0x5f: {  	_ =	shalt  }
0x60: {  	_ =	shalt  }
0x61: {  	_ =	shalt  }
0x62: {  	_ =	shalt  }
0x63: {  	_ =	shalt  }
0x64: {  	_ =	shalt  }
0x65: {  	_ =	shalt  }
0x66: {  	_ =	shalt  }
0x67: {  	_ =	shalt  }
0x68: {  	_ =	shalt  }
0x69: {  	_ =	shalt  }
0x6a: {  	_ =	shalt  }
0x6b: {  	_ =	shalt  }
0x6c: {  	_ =	shalt  }
0x6d: {  	_ =	shalt  }
0x6e: {  	_ =	shalt  }
0x6f: {  	_ =	shalt  }
0x70: {  	_ =	shalt  }
0x71: {  	_ =	shalt  }
0x72: {  	_ =	shalt  }
0x73: {  	_ =	shalt  }
0x74: {  	_ =	shalt  }
0x75: {  	_ =	shalt  }
0x76: {  	_ =	shalt  }
0x77: {  	_ =	shalt  }
0x78: {  	_ =	shalt  }
0x79: {  	_ =	shalt  }
0x7a: {  	_ =	shalt  }
0x7b: {  	_ =	shalt  }
0x7c: {  	_ =	shalt  }
0x7d: {  	_ =	shalt  }
0x7e: {  	_ =	shalt  }
0x7f: {  	_ =	shalt  }
0x80: {  	_ =	shalt  }
0x81: {  	_ =	shalt  }
0x82: {  	_ =	shalt  }
0x83: {  	_ =	shalt  }
0x84: {  	_ =	shalt  }
0x85: {  	_ =	shalt  }
0x86: {  	_ =	shalt  }
0x87: {  	_ =	shalt  }
.Lfunc_end0:
.L_simem_size_0:
called_computation_lowered:
.L_overlay_start_0:
0x88: {  	s2 =	sld [smem:$0x3FD9]  }
0x89: {  	s3 =	sld [smem:$0x3FFE];
	_ =	sdelay $0x1  }
0x8a: {  	s1 =	srdreg.scid  }
0x8b: {  	s0 =	sand.u32 $0x1, s1  }
0x8c: {  	s17 =	sshll.u32 s0, $0xA;
	s2 =	sadd.s32 s3, s2  }
0x8d: {  	s2 =	sadd.s32 s2, s17  }
0x8e: {  	[smem:$0x3FC6] =	sst s2  }
0x8f: {  	_ = 	snop  }
0x90: {  	s2 =	sld [smem:$0x3FC9]  }
0x91: {  	s18 =	sld [smem:$0x3FC8];
	(tm) =	ssettm $0x1  }
0x92: {  	s4 =	sld [smem:$0x3FFB];
	_ =	sdelay $0x3  }
0x93: {  	_ =	strace s4  }
0x94: {  	s4 =	sld [smem:$0x3FFC];
	_ =	sdelay $0x3  }
0x95: {  	_ =	strace s4  }
0x96: {  	s4 =	sld [smem:$0x3FFD];
	_ =	sdelay $0x3  }
0x97: {  	_ =	strace s4  }
0x98: {  	_ =	strace $0x8FFFFFFF  }
0x99: {  	s19 =	sld [smem:$0x3FDB];
	_ =	sdelay $0x1  }
0x9a: {  	s5 =	simm.s32 $_scs_section_size  }
0x9b: {  	s6 =	simm.s32 $_size__tile_overlayer_lowered;
	s7 =	simm.s32 $_tile_overlayer_lowered  }
0x9c: {  	s22 =	simm.s32 $0x1BFF;
	s21 =	sshll.u32 s7, $0x1;
	s4 =	sadd.s32 s5, s19  }
0x9d: {  	s8 =	simm.s32 $0x0;
	s20 =	sshll.u32 s6, $0x1;
	s6 =	sadd.s32 s21, s4  }
0x9e: {  	[timem:s8], [sflag:s22] =	dma.local [hbm:s6], s20  }
0x9f: {  	_ =	swait.ge [sflag:s22], s20  }
0xa0: {  	s5 =	ssub.s32 $0x0, s20;
	[sflag:s22] =	ssyncset.done $0x0  }
0xa1: {  	[sflag:s22] =	ssyncadd.s32 s5;
	_ =	sdelay $0x1  }
0xa2: {  	s23 =	simm.s32 $0x1B8B  }
0xa3: {  	_ =	swait.ge [sflag:s23], $0x1  }
0xa4: {  	[sflag:s23] =	ssyncset.done $0x0  }
0xa5: {  	s25 =	simm.s32 $0x1B8E;
	s24 =	sld [smem:$0x3FFE];
	[sflag:s23] =	ssyncadd.s32 $0xFFFFFFFF  }
0xa6: {  	s26 =	simm.s32 $execute0_lowered;
	[smem:$0x3FD2] =	sst s25  }
0xa7: {  	s6 =	sshll.u32 s26, $0x1;
	_ =	strace $0x80000046;
	[dreg:$0x1] =	wrdreg $0xFFFFFFFF  }
0xa8: {  	s28 =	simm.s32 $_size_execute0_lowered;
	s4 =	sadd.s32 s4, s6;
	[dreg:$0x0] =	wrdreg $0x0  }
0xa9: {  	s6 =	sshll.u32 s28, $0x1;
	[dreg:$0x2] =	wrdreg s4  }
0xaa: {  	[dreg:$0x3] =	wrdreg s6  }
0xab: {  	[dreg:$0x4] =	wrdreg $0xC0  }
0xac: {  	_ =	task [dreg:s8], $0x5FFFF  }
0xad: {  	[dreg:$0x1] =	wrdreg $0xFFFFFFFF  }
0xae: {  	[dreg:$0x0] =	wrdreg $0x60  }
0xaf: {  	[dreg:$0x2] =	wrdreg s2  }
0xb0: {  	[dreg:$0x3] =	wrdreg s18  }
0xb1: {  	[dreg:$0x4] =	wrdreg s24  }
0xb2: {  	[dreg:$0x5] =	wrdreg $0x9  }
0xb3: {  	_ =	task.clear_ibuf [dreg:s8], $0x6FFFF;
	_ =	strace $0x90000046  }
0xb4: {  	s29 =	simm.s32 $0x9;
	_ =	strace $0x80000048  }
0xb5: {  	_ =	swait.ge [sflag:s29], $0x1  }
0xb6: {  	[sflag:s29] =	ssyncadd.s32 $0xFFFFFFFF  }
0xb7: {  	_ =	strace $0x90000048  }
0xb8: {  	_ =	sfence  }
0xb9: {  	s30 =	sld [smem:$0x0];
	_ =	sdelay $0x2  }
0xba: {  	s31 =	sshll.u32 s1, $0xD;
	s1 =	sshrl.u32 s1, $0x2  }
0xbb: {  	s3 =	sand.u32 $0x4000, s31;
	s1 =	sadd.s32 s1, s30  }
0xbc: {  	s0 =	sor.u32 s3, s0;
	s1 =	sshll.u32 s1, $0x11  }
0xbd: {  	s0 =	sor.u32 s1, s0  }
0xbe: {  	s0 =	sadd.s32 $0x8F2B, s0  }
0xbf: {  	[sflag:s0] =	ssyncadd.remote.s32 $0x1  }
0xc0: {  	_ =	sfence.sel $0xFFFF  }
0xc1: {  	[dreg:$0x0] =	wrdreg $0xFFFFFFFF;
	(pc) =	sbr.abs _section_cstart, $3  }
0xc2: {  	[dreg:$0x1] =	wrdreg $0xFFFFFFFF  }
0xc3: {  	_ =	task.clear_ibuf [dreg:s8], $0x2FFFF;
	_ =	strace $0x9FFFFFFF  }
0xc4: {  	(tm) =	ssettm $0x7FFFFFFF  }
0xc5: {  	_ =	shalt  }
tec
execute0_lowered:
.L_overlay_start_1:
0x0: {  	(tag) =	ssettag $0x1  }
0x1: {  	s1 =	rddreg [dreg:$0x0]  }
0x2: {  	s3 =	rddreg [dreg:$0x1]  }
0x3: {  	s0 =	rddreg [dreg:$0x2];
	s2 =	srdreg.scid  }
0x4: {  	s5 =	stileid.u32;
	s4 =	simm.s32 $0x0;
	s16 =	simm.s32 $0x4000  }
0x5: {  	s17 =	simm.s32 $0xC000;
	s18 =	simm.s32 $0x1;
	s19 =	simm.s32 $0x3  }
0x6: {  	s20 =	simm.s32 $0x10000;
	s21 =	simm.s32 $0x2;
	s22 =	simm.s32 $0x4  }
0x7: {  	s23 =	simm.s32 $0x14000;
	s2 =	sand.u32 $0x1, s2;
	s5 =	sshll.u32 s5, $0x1  }
0x8: {  	s24 =	simm.s32 $0x5;
	s6 =	ssub.s32 $0x2, s2;
	s2 =	sor.u32 s2, s5  }
0x9: {  	s25 =	simm.s32 $0x6;
	[smem:$0x7FF] =	sst s4;
	s8 =	smul.u32 $0x5000, s2  }
0xa: {  	s26 =	simm.s32 $0x0;
	_ =	strace $0x80000047;
	s29 =	smul.u32 $0xA0, s2  }
0xb: {  	s5 =	sadd.s32 $0x600, s0;
	s7 =	sshrl.u32 s6, $0x1;
	s10 =	smul.u32 $0x28000, s2  }
.Ltmp0:
0xc: {  	s28 =	ssub.s32 s6, s7;
	s30 =	sadd.s32 s1, s8;
	(pc) =	sbr.rel .LBB2_1-.Ltmp0, $4  }
0xd: {  	s31 =	sand.u32 $0x7F000, s8;
	s9 =	sor.u32 $0x800, s8;
	s11 =	sadd.s32 $0x20, s29  }
0xe: {  	s12 =	sor.u32 $0x10, s29;
	s13 =	sadd.s32 $0x30, s29;
	[dreg:$0x4] =	wrdreg s30  }
0xf: {  	s7 =	sadd.s32 s3, s31;
	s8 =	sadd.s32 s1, s9;
	s9 =	sand.u32 $0x7F800, s9  }
0x10: {  	s14 =	smax.u32 s28, $0x1;
	[dreg:$0x5] =	wrdreg s7;
	s9 =	sadd.s32 s3, s9  }
.LBB2_8:
0x11: {  	s26 =	sadd.s32 $0x1, s26  }
0x12: {  	_ =	swait.ge [sflag:s24], $0x4000;
	p0 =	sne.s32 s26, s14  }
.Ltmp1:
0x13: {  	[sflag:s24] =	ssyncset.done $0x0;
	(pc) =	sbr.rel @!p0 .LBB2_9-.Ltmp1, $4  }
0x14: {  	[sflag:s24] =	ssyncadd.s32 $0xFFFFC000  }
0x15: {  	_ =	swait.ge [sflag:s25], $0x4000  }
0x16: {  	[sflag:s25] =	ssyncset.done $0x0  }
0x17: {  	[sflag:s25] =	ssyncadd.s32 $0xFFFFC000  }
.LBB2_1:
0x18: {  	s0 =	rddreg [dreg:$0x4]  }
0x19: {  	[tilespmem:s4], [sflag:$0x1] =	stream.linear.gather [hbm4b:s0+s4], $0x4000, $0x38;
	[tilespmem:$0x18000] =	vst v63  }
0x1a: {  	s31 =	rddreg [dreg:$0x5];
	s2 =	simm.s32 $0x8000  }
0x1b: {  	[tilespmem:s2], [sflag:$0x3] =	stream.linear.gather [hbm4b:s31+s4], $0x4000, $0x38;
	[tilespmem:$0x18000] =	vst v63  }
0x1c: {  	_ = 	snop  }
0x1d: {  	[tilespmem:s16], [sflag:$0x2] =	stream.linear.gather [hbm4b:s8+s4], $0x4000, $0x38;
	[tilespmem:$0x18000] =	vst v63  }
0x1e: {  	s28 =	simm.s32 $0x0  }
0x1f: {  	[tilespmem:s17], [sflag:$0x4] =	stream.linear.gather [hbm4b:s9+s4], $0x4000, $0x38;
	[tilespmem:$0x18000] =	vst v63  }
.LBB2_2:
0x20: {  	_ =	swait.ge [sflag:s18], $0x4000  }
0x21: {  	[sflag:s18] =	ssyncset.done $0x0  }
0x22: {  	[sflag:s18] =	ssyncadd.s32 $0xFFFFC000  }
0x23: {  	_ =	swait.ge [sflag:s19], $0x4000  }
0x24: {  	p0 =	seq.s32 s28, $0x0;
	[sflag:s19] =	ssyncset.done $0x0  }
0x25: {  	s0 =	simm.s32 @!p0 $0x5;
	[sflag:s19] =	ssyncadd.s32 $0xFFFFC000  }
0x26: {  	s29 =	sshll.u32 s28, $0x5;
	_ =	swait.ge @!p0 [sflag:s0], $0x4000  }
0x27: {  	s30 =	simm.s32 $0x0;
	s31 =	simm.s32 $0xFFFFC000;
	[sflag:s0] =	ssyncset.done @!p0 $0x0  }
0x28: {  	s2 =	simm.s32 $0x0;
	[sflag:s0] =	ssyncadd.s32 @!p0 $0xFFFFC000;
	s0 =	simm.s32 $0x0  }
.LBB2_3:
0x29: {  	s6 =	sadd.s32 $0x4000, s31  }
0x2a: {  	s15 =	sand.u32 $0x380, s2;
	s6 =	sand.u32 $0x2000, s6  }
0x2b: {  	s15 =	sor.u32 s15, s6  }
0x2c: {  	v0 =	vld [tilespmem:s15+$0x0]  }
0x2d: {  	v1 =	vld [tilespmem:s15+$0x8000]  }
0x2e: {  	v2 =	vld [tilespmem:s15+$0x10]  }
0x2f: {  	v3 =	vld [tilespmem:s15+$0x8010]  }
0x30: {  	v4 =	vld [tilespmem:s15+$0x20]  }
0x31: {  	v5 =	vld [tilespmem:s15+$0x8020]  }
0x32: {  	v6 =	vld [tilespmem:s15+$0x30]  }
0x33: {  	v7 =	vld [tilespmem:s15+$0x8030]  }
0x34: {  	v8 =	vld [tilespmem:s15+$0x40]  }
0x35: {  	v9 =	vld [tilespmem:s15+$0x8040]  }
0x36: {  	v10 =	vld [tilespmem:s15+$0x50]  }
0x37: {  	v11 =	vld [tilespmem:s15+$0x8050]  }
0x38: {  	v12 =	vld [tilespmem:s15+$0x60]  }
0x39: {  	v13 =	vld [tilespmem:s15+$0x8060]  }
0x3a: {  	v14 =	vld [tilespmem:s15+$0x70]  }
0x3b: {  	v15 =	vld [tilespmem:s15+$0x8070]  }
0x3c: {  	v16 =	vld [tilespmem:s15+$0x400]  }
0x3d: {  	v17 =	vld [tilespmem:s15+$0x8400]  }
0x3e: {  	v18 =	vld [tilespmem:s15+$0x410]  }
0x3f: {  	v19 =	vld [tilespmem:s15+$0x8410]  }
0x40: {  	v20 =	vld [tilespmem:s15+$0x420]  }
0x41: {  	v21 =	vld [tilespmem:s15+$0x8420]  }
0x42: {  	v22 =	vld [tilespmem:s15+$0x430]  }
0x43: {  	v23 =	vld [tilespmem:s15+$0x8430]  }
0x44: {  	v24 =	vld [tilespmem:s15+$0x440]  }
0x45: {  	v25 =	vld [tilespmem:s15+$0x8440]  }
0x46: {  	v26 =	vld [tilespmem:s15+$0x450]  }
0x47: {  	v27 =	vld [tilespmem:s15+$0x8450]  }
0x48: {  	v28 =	vld [tilespmem:s15+$0x460]  }
0x49: {  	v29 =	vld [tilespmem:s15+$0x8460]  }
0x4a: {  	v30 =	vld [tilespmem:s15+$0x470]  }
0x4b: {  	v31 =	vld [tilespmem:s15+$0x8470]  }
0x4c: {  	v32 =	vld [tilespmem:s15+$0x800]  }
0x4d: {  	v33 =	vld [tilespmem:s15+$0x8800]  }
0x4e: {  	v34 =	vld [tilespmem:s15+$0x810]  }
0x4f: {  	v35 =	vld [tilespmem:s15+$0x8810]  }
0x50: {  	v36 =	vld [tilespmem:s15+$0x820]  }
0x51: {  	v37 =	vld [tilespmem:s15+$0x8820]  }
0x52: {  	v38 =	vld [tilespmem:s15+$0x830]  }
0x53: {  	v39 =	vld [tilespmem:s15+$0x8830]  }
0x54: {  	v40 =	vld [tilespmem:s15+$0x840]  }
0x55: {  	v41 =	vld [tilespmem:s15+$0x8840]  }
0x56: {  	v42 =	vld [tilespmem:s15+$0x850]  }
0x57: {  	v43 =	vld [tilespmem:s15+$0x8850]  }
0x58: {  	v44 =	vld [tilespmem:s15+$0x860]  }
0x59: {  	v45 =	vld [tilespmem:s15+$0x8860]  }
0x5a: {  	v46 =	vld [tilespmem:s15+$0x870]  }
0x5b: {  	v47 =	vld [tilespmem:s15+$0x8870]  }
0x5c: {  	v48 =	vld [tilespmem:s15+$0xC00]  }
0x5d: {  	v49 =	vld [tilespmem:s15+$0x8C00]  }
0x5e: {  	v50 =	vld [tilespmem:s15+$0xC10]  }
0x5f: {  	v51 =	vld [tilespmem:s15+$0x8C10]  }
0x60: {  	v52 =	vld [tilespmem:s15+$0xC20]  }
0x61: {  	v53 =	vld [tilespmem:s15+$0x8C20]  }
0x62: {  	v54 =	vld [tilespmem:s15+$0xC30]  }
0x63: {  	v55 =	vld [tilespmem:s15+$0x8C30]  }
0x64: {  	v56 =	vld [tilespmem:s15+$0xC40]  }
0x65: {  	v57 =	vld [tilespmem:s15+$0x8C40]  }
0x66: {  	v58 =	vld [tilespmem:s15+$0xC50]  }
0x67: {  	v59 =	vld [tilespmem:s15+$0x8C50]  }
0x68: {  	v60 =	vld [tilespmem:s15+$0xC60]  }
0x69: {  	v0 =	vadd.f32 v1, v0;
	v1 =	vld [tilespmem:s15+$0x8C60]  }
0x6a: {  	v2 =	vadd.f32 v3, v2;
	v3 =	vld [tilespmem:s15+$0xC70]  }
0x6b: {  	v63 =	vadd.f32 v5, v4;
	v4 =	vld [tilespmem:s15+$0x8C70];
	[tilespmem:s15+$0x10000] =	vst v0  }
0x6c: {  	v61 =	vadd.f32 v7, v6;
	v5 =	vld [tilespmem:s15+$0x1000];
	[tilespmem:s15+$0x10010] =	vst v2  }
0x6d: {  	v62 =	vadd.f32 v9, v8;
	v6 =	vld [tilespmem:s15+$0x9000];
	[tilespmem:s15+$0x10020] =	vst v63  }
0x6e: {  	v7 =	vld [tilespmem:s15+$0x1010];
	v13 =	vadd.f32 v13, v12;
	[tilespmem:s15+$0x10030] =	vst v61  }
0x6f: {  	v8 =	vld [tilespmem:s15+$0x9010];
	v15 =	vadd.f32 v15, v14;
	[tilespmem:s15+$0x10040] =	vst v62  }
0x70: {  	v9 =	vld [tilespmem:s15+$0x1020];
	v17 =	vadd.f32 v17, v16;
	[tilespmem:s15+$0x10060] =	vst v13  }
0x71: {  	v19 =	vadd.f32 v19, v18;
	v12 =	vld [tilespmem:s15+$0x9030];
	[tilespmem:s15+$0x10070] =	vst v15  }
0x72: {  	v21 =	vadd.f32 v21, v20;
	v14 =	vld [tilespmem:s15+$0x9040];
	[tilespmem:s15+$0x10400] =	vst v17  }
0x73: {  	v23 =	vadd.f32 v23, v22;
	v16 =	vld [tilespmem:s15+$0x9050];
	[tilespmem:s15+$0x10410] =	vst v19  }
0x74: {  	v25 =	vadd.f32 v25, v24;
	v20 =	vld [tilespmem:s15+$0x9070];
	[tilespmem:s15+$0x10420] =	vst v21  }
0x75: {  	v27 =	vadd.f32 v27, v26;
	v22 =	vld [tilespmem:s15+$0x9400];
	[tilespmem:s15+$0x10430] =	vst v23  }
0x76: {  	v29 =	vadd.f32 v29, v28;
	v24 =	vld [tilespmem:s15+$0x9410];
	[tilespmem:s15+$0x10440] =	vst v25  }
0x77: {  	v28 =	vadd.f32 v37, v36;
	v37 =	vld [tilespmem:s15+$0x1430];
	[tilespmem:s15+$0x10450] =	vst v27  }
0x78: {  	v36 =	vadd.f32 v51, v50;
	v51 =	vld [tilespmem:s15+$0x9460];
	[tilespmem:s15+$0x10460] =	vst v29  }
0x79: {  	v63 =	vadd.f32 v11, v10;
	v10 =	vld [tilespmem:s15+$0x9020];
	[tilespmem:s15+$0x10820] =	vst v28  }
0x7a: {  	v11 =	vld [tilespmem:s15+$0x1030];
	v61 =	vadd.f32 v31, v30;
	[tilespmem:s15+$0x10C10] =	vst v36  }
0x7b: {  	v13 =	vld [tilespmem:s15+$0x1040];
	v62 =	vadd.f32 v33, v32;
	[tilespmem:s15+$0x10050] =	vst v63  }
0x7c: {  	v15 =	vld [tilespmem:s15+$0x1050];
	v27 =	vadd.f32 v35, v34;
	[tilespmem:s15+$0x10470] =	vst v61  }
0x7d: {  	v17 =	vld [tilespmem:s15+$0x1060];
	v29 =	vadd.f32 v39, v38;
	[tilespmem:s15+$0x10800] =	vst v62  }
0x7e: {  	v19 =	vld [tilespmem:s15+$0x1070];
	v30 =	vadd.f32 v41, v40;
	[tilespmem:s15+$0x10810] =	vst v27  }
0x7f: {  	v21 =	vld [tilespmem:s15+$0x1400];
	v31 =	vadd.f32 v43, v42;
	[tilespmem:s15+$0x10830] =	vst v29  }
0x80: {  	v23 =	vld [tilespmem:s15+$0x1410];
	v32 =	vadd.f32 v45, v44;
	[tilespmem:s15+$0x10840] =	vst v30  }
0x81: {  	v33 =	vadd.f32 v47, v46;
	v25 =	vld [tilespmem:s15+$0x1420];
	[tilespmem:s15+$0x10850] =	vst v31  }
0x82: {  	v34 =	vadd.f32 v49, v48;
	v35 =	vld [tilespmem:s15+$0x9420];
	[tilespmem:s15+$0x10860] =	vst v32  }
0x83: {  	v38 =	vadd.f32 v53, v52;
	v39 =	vld [tilespmem:s15+$0x9430];
	[tilespmem:s15+$0x10870] =	vst v33  }
0x84: {  	v40 =	vadd.f32 v55, v54;
	v41 =	vld [tilespmem:s15+$0x1440];
	[tilespmem:s15+$0x10C00] =	vst v34  }
0x85: {  	v42 =	vadd.f32 v57, v56;
	v43 =	vld [tilespmem:s15+$0x9440];
	[tilespmem:s15+$0x10C20] =	vst v38  }
0x86: {  	v44 =	vadd.f32 v59, v58;
	v45 =	vld [tilespmem:s15+$0x1450];
	[tilespmem:s15+$0x10C30] =	vst v40  }
0x87: {  	v47 =	vld [tilespmem:s15+$0x9450];
	[tilespmem:s15+$0x10C40] =	vst v42;
	v46 =	vadd.f32 v1, v60  }
0x88: {  	v49 =	vld [tilespmem:s15+$0x1460];
	[tilespmem:s15+$0x10C50] =	vst v44;
	v48 =	vadd.f32 v4, v3  }
0x89: {  	v53 =	vld [tilespmem:s15+$0x1470];
	v50 =	vadd.f32 v6, v5;
	[tilespmem:s15+$0x10C60] =	vst v46  }
0x8a: {  	v55 =	vld [tilespmem:s15+$0x9470];
	v52 =	vadd.f32 v8, v7;
	[tilespmem:s15+$0x10C70] =	vst v48  }
0x8b: {  	v57 =	vld [tilespmem:s15+$0x1800];
	[tilespmem:s15+$0x11000] =	vst v50;
	v54 =	vadd.f32 v10, v9  }
0x8c: {  	v59 =	vld [tilespmem:s15+$0x9800];
	[tilespmem:s15+$0x11010] =	vst v52;
	v56 =	vadd.f32 v12, v11  }
0x8d: {  	v36 =	vld [tilespmem:s15+$0x9830];
	v58 =	vadd.f32 v14, v13;
	[tilespmem:s15+$0x11020] =	vst v54  }
0x8e: {  	v63 =	vld [tilespmem:s15+$0x9060];
	v60 =	vadd.f32 v16, v15;
	[tilespmem:s15+$0x11030] =	vst v56  }
0x8f: {  	v61 =	vld [tilespmem:s15+$0x1810];
	v19 =	vadd.f32 v20, v19;
	[tilespmem:s15+$0x11040] =	vst v58  }
0x90: {  	v32 =	vld [tilespmem:s15+$0x9820];
	v22 =	vadd.f32 v22, v21;
	[tilespmem:s15+$0x11050] =	vst v60  }
0x91: {  	v34 =	vld [tilespmem:s15+$0x1830];
	v33 =	vadd.f32 v24, v23;
	[tilespmem:s15+$0x11070] =	vst v19  }
0x92: {  	v38 =	vld [tilespmem:s15+$0x1840];
	v35 =	vadd.f32 v35, v25;
	[tilespmem:s15+$0x11400] =	vst v22  }
0x93: {  	v40 =	vld [tilespmem:s15+$0x9840];
	v37 =	vadd.f32 v39, v37;
	[tilespmem:s15+$0x11410] =	vst v33  }
0x94: {  	v20 =	vld [tilespmem:s15+$0x1820];
	v39 =	vadd.f32 v43, v41;
	[tilespmem:s15+$0x11420] =	vst v35  }
0x95: {  	v1 =	vadd.f32 v47, v45;
	v41 =	vld [tilespmem:s15+$0x1850];
	[tilespmem:s15+$0x11430] =	vst v37  }
0x96: {  	v42 =	vadd.f32 v51, v49;
	v43 =	vld [tilespmem:s15+$0x9850];
	[tilespmem:s15+$0x11440] =	vst v39  }
0x97: {  	v44 =	vadd.f32 v55, v53;
	v45 =	vld [tilespmem:s15+$0x1860];
	[tilespmem:s15+$0x11450] =	vst v1  }
0x98: {  	v46 =	vadd.f32 v59, v57;
	v47 =	vld [tilespmem:s15+$0x9860];
	[tilespmem:s15+$0x11460] =	vst v42  }
0x99: {  	v49 =	vld [tilespmem:s15+$0x1870];
	v62 =	vadd.f32 v63, v17;
	[tilespmem:s15+$0x11470] =	vst v44  }
0x9a: {  	v51 =	vld [tilespmem:s15+$0x9870];
	[tilespmem:s15+$0x11800] =	vst v46;
	v52 =	vadd.f32 v36, v34  }
0x9b: {  	v63 =	vld [tilespmem:s15+$0x9810];
	v53 =	vadd.f32 v40, v38;
	[tilespmem:s15+$0x11060] =	vst v62  }
0x9c: {  	[tilespmem:s15+$0x11830] =	vst v52;
	v50 =	vadd.f32 v32, v20  }
0x9d: {  	[tilespmem:s15+$0x11840] =	vst v53;
	v54 =	vadd.f32 v43, v41  }
0x9e: {  	v55 =	vadd.f32 v47, v45;
	[tilespmem:s15+$0x11820] =	vst v50  }
0x9f: {  	s7 =	sand.u32 $0x7, s30;
	v56 =	vadd.f32 v51, v49;
	[tilespmem:s15+$0x11850] =	vst v54  }
0xa0: {  	s6 =	sshll.u32 s7, $0x7;
	v48 =	vadd.f32 v63, v61;
	[tilespmem:s15+$0x11860] =	vst v55  }
0xa1: {  	s6 =	sadd.s32 s6, s0;
	[tilespmem:s15+$0x11870] =	vst v56  }
0xa2: {  	s7 =	sor.u32 $0x1C00, s6;
	[tilespmem:s15+$0x11810] =	vst v48  }
0xa3: {  	v0 =	vld [tilespmem:s7+$0x0]  }
0xa4: {  	v1 =	vld [tilespmem:s7+$0x8000];
	_ =	sdelay $0x4  }
0xa5: {  	v0 =	vadd.f32 v1, v0;
	_ =	sdelay $0x1  }
0xa6: {  	[tilespmem:s7+$0x10000] =	vst v0;
	s7 =	sor.u32 $0x1C10, s6  }
0xa7: {  	v0 =	vld [tilespmem:s7+$0x0]  }
0xa8: {  	v57 =	vld [tilespmem:s7+$0x8000];
	_ =	sdelay $0x4  }
0xa9: {  	v0 =	vadd.f32 v57, v0;
	_ =	sdelay $0x1  }
0xaa: {  	[tilespmem:s7+$0x10000] =	vst v0;
	s7 =	sor.u32 $0x1C20, s6  }
0xab: {  	v0 =	vld [tilespmem:s7+$0x0]  }
0xac: {  	v58 =	vld [tilespmem:s7+$0x8000];
	_ =	sdelay $0x4  }
0xad: {  	v0 =	vadd.f32 v58, v0;
	_ =	sdelay $0x1  }
0xae: {  	[tilespmem:s7+$0x10000] =	vst v0;
	s7 =	sor.u32 $0x1C30, s6  }
0xaf: {  	v0 =	vld [tilespmem:s7+$0x0]  }
0xb0: {  	v59 =	vld [tilespmem:s7+$0x8000];
	_ =	sdelay $0x4  }
0xb1: {  	v0 =	vadd.f32 v59, v0;
	_ =	sdelay $0x1  }
0xb2: {  	[tilespmem:s7+$0x10000] =	vst v0;
	s7 =	sor.u32 $0x1C40, s6  }
0xb3: {  	v0 =	vld [tilespmem:s7+$0x0]  }
0xb4: {  	v60 =	vld [tilespmem:s7+$0x8000];
	_ =	sdelay $0x4  }
0xb5: {  	v0 =	vadd.f32 v60, v0;
	_ =	sdelay $0x1  }
0xb6: {  	[tilespmem:s7+$0x10000] =	vst v0;
	s7 =	sor.u32 $0x1C50, s6  }
0xb7: {  	v0 =	vld [tilespmem:s7+$0x0]  }
0xb8: {  	v61 =	vld [tilespmem:s7+$0x8000];
	_ =	sdelay $0x4  }
0xb9: {  	v0 =	vadd.f32 v61, v0;
	_ =	sdelay $0x1  }
0xba: {  	[tilespmem:s7+$0x10000] =	vst v0;
	s7 =	sor.u32 $0x1C60, s6  }
0xbb: {  	v0 =	vld [tilespmem:s7+$0x0]  }
0xbc: {  	v62 =	vld [tilespmem:s7+$0x8000];
	_ =	sdelay $0x4  }
0xbd: {  	v0 =	vadd.f32 v62, v0;
	_ =	sdelay $0x1  }
0xbe: {  	s6 =	sor.u32 $0x1C70, s6;
	[tilespmem:s7+$0x10000] =	vst v0  }
0xbf: {  	v0 =	vld [tilespmem:s6+$0x0]  }
0xc0: {  	v63 =	vld [tilespmem:s6+$0x8000];
	_ =	sdelay $0x1  }
0xc1: {  	p1 =	sne.s32 s2, $0x780  }
.Ltmp2:
0xc2: {  	_ = 	snop;
	(pc) =	sbr.rel @p1 .LBB2_3-.Ltmp2, $4  }
0xc3: {  	_ = 	snop  }
0xc4: {  	v0 =	vadd.f32 v63, v0  }
0xc5: {  	s30 =	sadd.s32 $0x1, s30  }
0xc6: {  	s31 =	sadd.s32 $0x400, s31;
	s2 =	sadd.s32 $0x80, s2;
	s0 =	sadd.s32 $0x400, s0;
	[tilespmem:s6+$0x10000] =	vst v0  }
0xc7: {  	s0 =	sshll.u32 s28, $0xF  }
0xc8: {  	s0 =	sadd.s32 s10, s0  }
0xc9: {  	s0 =	sshrl.u32 s0, $0x3  }
0xca: {  	p1 =	seq.s32 s28, $0x4;
	s0 =	sadd.s32 s5, s0  }
0xcb: {  	[hbm4b:s0+s4] =	stream.linear.scatter [tilespmem:s20], [sflag:$0x5], $0x4000, $0x38;
	[tilespmem:$0x18000] =	vst v63  }
0xcc: {  	s0 =	sadd.s32 @!p1 s29, s11  }
0xcd: {  	s0 =	sshll.u32 @!p1 s0, $0x7  }
0xce: {  	s6 =	simm.s32 @!p1 $0x0;
	s2 =	sadd.s32 @!p1 s1, s0;
	s0 =	sand.u32 @!p1 $0x7F000, s0  }
0xcf: {  	[tilespmem:s6], [sflag:$0x1] =	stream.linear.gather @!p1 [hbm4b:s2+s6], $0x4000, $0x38;
	[tilespmem:$0x18000] =	vst v63  }
0xd0: {  	s0 =	sadd.s32 @!p1 s3, s0;
	s2 =	simm.s32 @!p1 $0x8000  }
0xd1: {  	[tilespmem:s2], [sflag:$0x3] =	stream.linear.gather @!p1 [hbm4b:s0+s6], $0x4000, $0x38;
	[tilespmem:$0x18000] =	vst v63  }
0xd2: {  	_ =	swait.ge [sflag:s21], $0x4000  }
0xd3: {  	[sflag:s21] =	ssyncset.done $0x0  }
0xd4: {  	[sflag:s21] =	ssyncadd.s32 $0xFFFFC000  }
0xd5: {  	_ =	swait.ge [sflag:s22], $0x4000  }
0xd6: {  	[sflag:s22] =	ssyncset.done $0x0  }
0xd7: {  	s0 =	simm.s32 @!p0 $0x6;
	[sflag:s22] =	ssyncadd.s32 $0xFFFFC000  }
0xd8: {  	s30 =	sadd.s32 s29, s12;
	_ =	swait.ge @!p0 [sflag:s0], $0x4000  }
0xd9: {  	s31 =	simm.s32 $0x0;
	s15 =	simm.s32 $0x0;
	[sflag:s0] =	ssyncset.done @!p0 $0x0  }
0xda: {  	s2 =	simm.s32 $0x0;
	[sflag:s0] =	ssyncadd.s32 @!p0 $0xFFFFC000;
	s0 =	simm.s32 $0xFFFFC000  }
.LBB2_5:
0xdb: {  	s6 =	sadd.s32 $0x4000, s0  }
0xdc: {  	s7 =	sand.u32 $0x380, s15;
	s6 =	sand.u32 $0x2000, s6  }
0xdd: {  	s6 =	sor.u32 s7, s6  }
0xde: {  	v0 =	vld [tilespmem:s6+$0x4000]  }
0xdf: {  	v1 =	vld [tilespmem:s6+$0xC000]  }
0xe0: {  	v2 =	vld [tilespmem:s6+$0x4010]  }
0xe1: {  	v3 =	vld [tilespmem:s6+$0xC010]  }
0xe2: {  	v4 =	vld [tilespmem:s6+$0x4020]  }
0xe3: {  	v5 =	vld [tilespmem:s6+$0xC020]  }
0xe4: {  	v6 =	vld [tilespmem:s6+$0x4030]  }
0xe5: {  	v7 =	vld [tilespmem:s6+$0xC030]  }
0xe6: {  	v8 =	vld [tilespmem:s6+$0x4040]  }
0xe7: {  	v9 =	vld [tilespmem:s6+$0xC040]  }
0xe8: {  	v10 =	vld [tilespmem:s6+$0x4050]  }
0xe9: {  	v11 =	vld [tilespmem:s6+$0xC050]  }
0xea: {  	v12 =	vld [tilespmem:s6+$0x4060]  }
0xeb: {  	v13 =	vld [tilespmem:s6+$0xC060]  }
0xec: {  	v14 =	vld [tilespmem:s6+$0x4070]  }
0xed: {  	v15 =	vld [tilespmem:s6+$0xC070]  }
0xee: {  	v16 =	vld [tilespmem:s6+$0x4400]  }
0xef: {  	v17 =	vld [tilespmem:s6+$0xC400]  }
0xf0: {  	v18 =	vld [tilespmem:s6+$0x4410]  }
0xf1: {  	v19 =	vld [tilespmem:s6+$0xC410]  }
0xf2: {  	v20 =	vld [tilespmem:s6+$0x4420]  }
0xf3: {  	v21 =	vld [tilespmem:s6+$0xC420]  }
0xf4: {  	v22 =	vld [tilespmem:s6+$0x4430]  }
0xf5: {  	v23 =	vld [tilespmem:s6+$0xC430]  }
0xf6: {  	v24 =	vld [tilespmem:s6+$0x4440]  }
0xf7: {  	v25 =	vld [tilespmem:s6+$0xC440]  }
0xf8: {  	v26 =	vld [tilespmem:s6+$0x4450]  }
0xf9: {  	v27 =	vld [tilespmem:s6+$0xC450]  }
0xfa: {  	v28 =	vld [tilespmem:s6+$0x4460]  }
0xfb: {  	v29 =	vld [tilespmem:s6+$0xC460]  }
0xfc: {  	v30 =	vld [tilespmem:s6+$0x4470]  }
0xfd: {  	v31 =	vld [tilespmem:s6+$0xC470]  }
0xfe: {  	v32 =	vld [tilespmem:s6+$0x4800]  }
0xff: {  	v33 =	vld [tilespmem:s6+$0xC800]  }
0x100: {  	v34 =	vld [tilespmem:s6+$0x4810]  }
0x101: {  	v35 =	vld [tilespmem:s6+$0xC810]  }
0x102: {  	v36 =	vld [tilespmem:s6+$0x4820]  }
0x103: {  	v37 =	vld [tilespmem:s6+$0xC820]  }
0x104: {  	v38 =	vld [tilespmem:s6+$0x4830]  }
0x105: {  	v39 =	vld [tilespmem:s6+$0xC830]  }
0x106: {  	v40 =	vld [tilespmem:s6+$0x4840]  }
0x107: {  	v41 =	vld [tilespmem:s6+$0xC840]  }
0x108: {  	v42 =	vld [tilespmem:s6+$0x4850]  }
0x109: {  	v43 =	vld [tilespmem:s6+$0xC850]  }
0x10a: {  	v44 =	vld [tilespmem:s6+$0x4860]  }
0x10b: {  	v45 =	vld [tilespmem:s6+$0xC860]  }
0x10c: {  	v46 =	vld [tilespmem:s6+$0x4870]  }
0x10d: {  	v47 =	vld [tilespmem:s6+$0xC870]  }
0x10e: {  	v48 =	vld [tilespmem:s6+$0x4C00]  }
0x10f: {  	v49 =	vld [tilespmem:s6+$0xCC00]  }
0x110: {  	v50 =	vld [tilespmem:s6+$0x4C10]  }
0x111: {  	v51 =	vld [tilespmem:s6+$0xCC10]  }
0x112: {  	v52 =	vld [tilespmem:s6+$0x4C20]  }
0x113: {  	v53 =	vld [tilespmem:s6+$0xCC20]  }
0x114: {  	v54 =	vld [tilespmem:s6+$0x4C30]  }
0x115: {  	v55 =	vld [tilespmem:s6+$0xCC30]  }
0x116: {  	v56 =	vld [tilespmem:s6+$0x4C40]  }
0x117: {  	v57 =	vld [tilespmem:s6+$0xCC40]  }
0x118: {  	v58 =	vld [tilespmem:s6+$0x4C50]  }
0x119: {  	v59 =	vld [tilespmem:s6+$0xCC50]  }
0x11a: {  	v60 =	vld [tilespmem:s6+$0x4C60]  }
0x11b: {  	v0 =	vadd.f32 v1, v0;
	v1 =	vld [tilespmem:s6+$0xCC60]  }
0x11c: {  	v2 =	vadd.f32 v3, v2;
	v3 =	vld [tilespmem:s6+$0x4C70]  }
0x11d: {  	v63 =	vadd.f32 v5, v4;
	v4 =	vld [tilespmem:s6+$0xCC70];
	[tilespmem:s6+$0x14000] =	vst v0  }
0x11e: {  	v61 =	vadd.f32 v7, v6;
	v5 =	vld [tilespmem:s6+$0x5000];
	[tilespmem:s6+$0x14010] =	vst v2  }
0x11f: {  	v62 =	vadd.f32 v9, v8;
	v6 =	vld [tilespmem:s6+$0xD000];
	[tilespmem:s6+$0x14020] =	vst v63  }
0x120: {  	v7 =	vld [tilespmem:s6+$0x5010];
	v13 =	vadd.f32 v13, v12;
	[tilespmem:s6+$0x14030] =	vst v61  }
0x121: {  	v8 =	vld [tilespmem:s6+$0xD010];
	v15 =	vadd.f32 v15, v14;
	[tilespmem:s6+$0x14040] =	vst v62  }
0x122: {  	v9 =	vld [tilespmem:s6+$0x5020];
	v17 =	vadd.f32 v17, v16;
	[tilespmem:s6+$0x14060] =	vst v13  }
0x123: {  	v19 =	vadd.f32 v19, v18;
	v12 =	vld [tilespmem:s6+$0xD030];
	[tilespmem:s6+$0x14070] =	vst v15  }
0x124: {  	v21 =	vadd.f32 v21, v20;
	v14 =	vld [tilespmem:s6+$0xD040];
	[tilespmem:s6+$0x14400] =	vst v17  }
0x125: {  	v23 =	vadd.f32 v23, v22;
	v16 =	vld [tilespmem:s6+$0xD050];
	[tilespmem:s6+$0x14410] =	vst v19  }
0x126: {  	v25 =	vadd.f32 v25, v24;
	v20 =	vld [tilespmem:s6+$0xD070];
	[tilespmem:s6+$0x14420] =	vst v21  }
0x127: {  	v27 =	vadd.f32 v27, v26;
	v22 =	vld [tilespmem:s6+$0xD400];
	[tilespmem:s6+$0x14430] =	vst v23  }
0x128: {  	v29 =	vadd.f32 v29, v28;
	v24 =	vld [tilespmem:s6+$0xD410];
	[tilespmem:s6+$0x14440] =	vst v25  }
0x129: {  	v28 =	vadd.f32 v37, v36;
	v37 =	vld [tilespmem:s6+$0x5430];
	[tilespmem:s6+$0x14450] =	vst v27  }
0x12a: {  	v36 =	vadd.f32 v51, v50;
	v51 =	vld [tilespmem:s6+$0xD460];
	[tilespmem:s6+$0x14460] =	vst v29  }
0x12b: {  	v63 =	vadd.f32 v11, v10;
	v10 =	vld [tilespmem:s6+$0xD020];
	[tilespmem:s6+$0x14820] =	vst v28  }
0x12c: {  	v11 =	vld [tilespmem:s6+$0x5030];
	v61 =	vadd.f32 v31, v30;
	[tilespmem:s6+$0x14C10] =	vst v36  }
0x12d: {  	v13 =	vld [tilespmem:s6+$0x5040];
	v62 =	vadd.f32 v33, v32;
	[tilespmem:s6+$0x14050] =	vst v63  }
0x12e: {  	v15 =	vld [tilespmem:s6+$0x5050];
	v27 =	vadd.f32 v35, v34;
	[tilespmem:s6+$0x14470] =	vst v61  }
0x12f: {  	v17 =	vld [tilespmem:s6+$0x5060];
	v29 =	vadd.f32 v39, v38;
	[tilespmem:s6+$0x14800] =	vst v62  }
0x130: {  	v19 =	vld [tilespmem:s6+$0x5070];
	v30 =	vadd.f32 v41, v40;
	[tilespmem:s6+$0x14810] =	vst v27  }
0x131: {  	v21 =	vld [tilespmem:s6+$0x5400];
	v31 =	vadd.f32 v43, v42;
	[tilespmem:s6+$0x14830] =	vst v29  }
0x132: {  	v23 =	vld [tilespmem:s6+$0x5410];
	v32 =	vadd.f32 v45, v44;
	[tilespmem:s6+$0x14840] =	vst v30  }
0x133: {  	v33 =	vadd.f32 v47, v46;
	v25 =	vld [tilespmem:s6+$0x5420];
	[tilespmem:s6+$0x14850] =	vst v31  }
0x134: {  	v34 =	vadd.f32 v49, v48;
	v35 =	vld [tilespmem:s6+$0xD420];
	[tilespmem:s6+$0x14860] =	vst v32  }
0x135: {  	v38 =	vadd.f32 v53, v52;
	v39 =	vld [tilespmem:s6+$0xD430];
	[tilespmem:s6+$0x14870] =	vst v33  }
0x136: {  	v40 =	vadd.f32 v55, v54;
	v41 =	vld [tilespmem:s6+$0x5440];
	[tilespmem:s6+$0x14C00] =	vst v34  }
0x137: {  	v42 =	vadd.f32 v57, v56;
	v43 =	vld [tilespmem:s6+$0xD440];
	[tilespmem:s6+$0x14C20] =	vst v38  }
0x138: {  	v44 =	vadd.f32 v59, v58;
	v45 =	vld [tilespmem:s6+$0x5450];
	[tilespmem:s6+$0x14C30] =	vst v40  }
0x139: {  	v47 =	vld [tilespmem:s6+$0xD450];
	[tilespmem:s6+$0x14C40] =	vst v42;
	v46 =	vadd.f32 v1, v60  }
0x13a: {  	v49 =	vld [tilespmem:s6+$0x5460];
	[tilespmem:s6+$0x14C50] =	vst v44;
	v48 =	vadd.f32 v4, v3  }
0x13b: {  	v53 =	vld [tilespmem:s6+$0x5470];
	v50 =	vadd.f32 v6, v5;
	[tilespmem:s6+$0x14C60] =	vst v46  }
0x13c: {  	v55 =	vld [tilespmem:s6+$0xD470];
	v52 =	vadd.f32 v8, v7;
	[tilespmem:s6+$0x14C70] =	vst v48  }
0x13d: {  	v57 =	vld [tilespmem:s6+$0x5800];
	[tilespmem:s6+$0x15000] =	vst v50;
	v54 =	vadd.f32 v10, v9  }
0x13e: {  	v59 =	vld [tilespmem:s6+$0xD800];
	[tilespmem:s6+$0x15010] =	vst v52;
	v56 =	vadd.f32 v12, v11  }
0x13f: {  	v36 =	vld [tilespmem:s6+$0xD830];
	v58 =	vadd.f32 v14, v13;
	[tilespmem:s6+$0x15020] =	vst v54  }
0x140: {  	v63 =	vld [tilespmem:s6+$0xD060];
	v60 =	vadd.f32 v16, v15;
	[tilespmem:s6+$0x15030] =	vst v56  }
0x141: {  	v61 =	vld [tilespmem:s6+$0x5810];
	v19 =	vadd.f32 v20, v19;
	[tilespmem:s6+$0x15040] =	vst v58  }
0x142: {  	v32 =	vld [tilespmem:s6+$0xD820];
	v22 =	vadd.f32 v22, v21;
	[tilespmem:s6+$0x15050] =	vst v60  }
0x143: {  	v34 =	vld [tilespmem:s6+$0x5830];
	v33 =	vadd.f32 v24, v23;
	[tilespmem:s6+$0x15070] =	vst v19  }
0x144: {  	v38 =	vld [tilespmem:s6+$0x5840];
	v35 =	vadd.f32 v35, v25;
	[tilespmem:s6+$0x15400] =	vst v22  }
0x145: {  	v40 =	vld [tilespmem:s6+$0xD840];
	v37 =	vadd.f32 v39, v37;
	[tilespmem:s6+$0x15410] =	vst v33  }
0x146: {  	v20 =	vld [tilespmem:s6+$0x5820];
	v39 =	vadd.f32 v43, v41;
	[tilespmem:s6+$0x15420] =	vst v35  }
0x147: {  	v1 =	vadd.f32 v47, v45;
	v41 =	vld [tilespmem:s6+$0x5850];
	[tilespmem:s6+$0x15430] =	vst v37  }
0x148: {  	v42 =	vadd.f32 v51, v49;
	v43 =	vld [tilespmem:s6+$0xD850];
	[tilespmem:s6+$0x15440] =	vst v39  }
0x149: {  	v44 =	vadd.f32 v55, v53;
	v45 =	vld [tilespmem:s6+$0x5860];
	[tilespmem:s6+$0x15450] =	vst v1  }
0x14a: {  	v46 =	vadd.f32 v59, v57;
	v47 =	vld [tilespmem:s6+$0xD860];
	[tilespmem:s6+$0x15460] =	vst v42  }
0x14b: {  	v49 =	vld [tilespmem:s6+$0x5870];
	v62 =	vadd.f32 v63, v17;
	[tilespmem:s6+$0x15470] =	vst v44  }
0x14c: {  	v51 =	vld [tilespmem:s6+$0xD870];
	[tilespmem:s6+$0x15800] =	vst v46;
	v52 =	vadd.f32 v36, v34  }
0x14d: {  	v63 =	vld [tilespmem:s6+$0xD810];
	v53 =	vadd.f32 v40, v38;
	[tilespmem:s6+$0x15060] =	vst v62  }
0x14e: {  	[tilespmem:s6+$0x15830] =	vst v52;
	v50 =	vadd.f32 v32, v20  }
0x14f: {  	[tilespmem:s6+$0x15840] =	vst v53;
	v54 =	vadd.f32 v43, v41  }
0x150: {  	v55 =	vadd.f32 v47, v45;
	[tilespmem:s6+$0x15820] =	vst v50  }
0x151: {  	s7 =	sand.u32 $0x7, s31;
	v56 =	vadd.f32 v51, v49;
	[tilespmem:s6+$0x15850] =	vst v54  }
0x152: {  	s7 =	sshll.u32 s7, $0x7;
	v48 =	vadd.f32 v63, v61;
	[tilespmem:s6+$0x15860] =	vst v55  }
0x153: {  	s7 =	sadd.s32 s7, s2;
	[tilespmem:s6+$0x15870] =	vst v56  }
0x154: {  	[tilespmem:s6+$0x15810] =	vst v48;
	s6 =	sor.u32 $0x1C00, s7  }
0x155: {  	v0 =	vld [tilespmem:s6+$0x4000]  }
0x156: {  	v1 =	vld [tilespmem:s6+$0xC000];
	_ =	sdelay $0x4  }
0x157: {  	v0 =	vadd.f32 v1, v0;
	_ =	sdelay $0x1  }
0x158: {  	[tilespmem:s6+$0x14000] =	vst v0;
	s6 =	sor.u32 $0x1C10, s7  }
0x159: {  	v0 =	vld [tilespmem:s6+$0x4000]  }
0x15a: {  	v57 =	vld [tilespmem:s6+$0xC000];
	_ =	sdelay $0x4  }
0x15b: {  	v0 =	vadd.f32 v57, v0;
	_ =	sdelay $0x1  }
0x15c: {  	[tilespmem:s6+$0x14000] =	vst v0;
	s6 =	sor.u32 $0x1C20, s7  }
0x15d: {  	v0 =	vld [tilespmem:s6+$0x4000]  }
0x15e: {  	v58 =	vld [tilespmem:s6+$0xC000];
	_ =	sdelay $0x4  }
0x15f: {  	v0 =	vadd.f32 v58, v0;
	_ =	sdelay $0x1  }
0x160: {  	[tilespmem:s6+$0x14000] =	vst v0;
	s6 =	sor.u32 $0x1C30, s7  }
0x161: {  	v0 =	vld [tilespmem:s6+$0x4000]  }
0x162: {  	v59 =	vld [tilespmem:s6+$0xC000];
	_ =	sdelay $0x4  }
0x163: {  	v0 =	vadd.f32 v59, v0;
	_ =	sdelay $0x1  }
0x164: {  	[tilespmem:s6+$0x14000] =	vst v0;
	s6 =	sor.u32 $0x1C40, s7  }
0x165: {  	v0 =	vld [tilespmem:s6+$0x4000]  }
0x166: {  	v60 =	vld [tilespmem:s6+$0xC000];
	_ =	sdelay $0x4  }
0x167: {  	v0 =	vadd.f32 v60, v0;
	_ =	sdelay $0x1  }
0x168: {  	[tilespmem:s6+$0x14000] =	vst v0;
	s6 =	sor.u32 $0x1C50, s7  }
0x169: {  	v0 =	vld [tilespmem:s6+$0x4000]  }
0x16a: {  	v61 =	vld [tilespmem:s6+$0xC000];
	_ =	sdelay $0x4  }
0x16b: {  	v0 =	vadd.f32 v61, v0;
	_ =	sdelay $0x1  }
0x16c: {  	[tilespmem:s6+$0x14000] =	vst v0;
	s6 =	sor.u32 $0x1C60, s7  }
0x16d: {  	v0 =	vld [tilespmem:s6+$0x4000]  }
0x16e: {  	v62 =	vld [tilespmem:s6+$0xC000];
	_ =	sdelay $0x4  }
0x16f: {  	v0 =	vadd.f32 v62, v0;
	_ =	sdelay $0x1  }
0x170: {  	s7 =	sor.u32 $0x1C70, s7;
	[tilespmem:s6+$0x14000] =	vst v0  }
0x171: {  	v0 =	vld [tilespmem:s7+$0x4000]  }
0x172: {  	v63 =	vld [tilespmem:s7+$0xC000];
	_ =	sdelay $0x1  }
0x173: {  	p0 =	sne.s32 s15, $0x780  }
.Ltmp3:
0x174: {  	_ = 	snop;
	(pc) =	sbr.rel @p0 .LBB2_5-.Ltmp3, $4  }
0x175: {  	_ = 	snop  }
0x176: {  	v0 =	vadd.f32 v63, v0  }
0x177: {  	s0 =	sadd.s32 $0x400, s0  }
0x178: {  	s15 =	sadd.s32 $0x80, s15;
	s31 =	sadd.s32 $0x1, s31;
	s2 =	sadd.s32 $0x400, s2;
	[tilespmem:s7+$0x14000] =	vst v0  }
.Ltmp4:
0x179: {  	(pc) =	sbr.rel @p1 .LBB2_8-.Ltmp4, $4  }
0x17a: {  	_ = 	snop  }
0x17b: {  	s0 =	sshll.u32 s30, $0x7  }
0x17c: {  	s0 =	sadd.s32 s5, s0  }
0x17d: {  	[hbm4b:s0+s4] =	stream.linear.scatter [tilespmem:s23], [sflag:$0x6], $0x4000, $0x38;
	[tilespmem:$0x18000] =	vst v63  }
0x17e: {  	s0 =	sadd.s32 s29, s13  }
.Ltmp5:
0x17f: {  	s0 =	sshll.u32 s0, $0x7;
	(pc) =	sbr.rel .LBB2_2-.Ltmp5, $4  }
0x180: {  	s2 =	sadd.s32 s1, s0;
	s0 =	sand.u32 $0x7F800, s0  }
0x181: {  	[tilespmem:s16], [sflag:$0x2] =	stream.linear.gather [hbm4b:s2+s4], $0x4000, $0x38;
	[tilespmem:$0x18000] =	vst v63  }
0x182: {  	s28 =	sadd.s32 $0x1, s28;
	s0 =	sadd.s32 s3, s0  }
0x183: {  	[tilespmem:s17], [sflag:$0x4] =	stream.linear.gather [hbm4b:s0+s4], $0x4000, $0x38;
	[tilespmem:$0x18000] =	vst v63  }
.LBB2_9:
0x184: {  	_ =	sfence.sel $0x180000  }
0x185: {  	[bflag:$0x0] =	sbarrier.arrive $0xFFFF  }
0x186: {  	_ =	strace $0x90000047  }
0x187: {  	s0 =	stileid.u32;
	[bflag:$0x2] =	sbarrier.arrive $0xFFFF  }
0x188: {  	p0 =	sne.s32 s0, $0x0;
	s0 =	rddreg [dreg:$0x3]  }
0x189: {  	s0 =	sadd.s32 @!p0 $0x100000, s0  }
0x18a: {  	[sflag:s0] =	ssyncadd.tile.s32 @!p0 $0x1;
	_ =	shalt  }
.Lfunc_end2:
_tile_overlayer_lowered:
.L_overlay_start_2:
0x18b: {  	(tag) =	ssettag $0x2  }
0x18c: {  	s0 =	rddreg [dreg:$0x0];
	s2 =	stileid.u32  }
0x18d: {  	s1 =	rddreg [dreg:$0x1];
	p0 =	sne.s32 s2, $0x0  }
0x18e: {  	s3 =	rddreg [dreg:$0x2];
	[bflag:$0x3] =	sbarrier.arrive $0xFFFF;
	s2 =	simm.s32 @!p0 $0x1C07  }
0x18f: {  	[timem:s3], [sflag:s2] =	dma.local @!p0 [hbm:s0], s1  }
0x190: {  	s0 =	simm.s32 @!p0 $0x7  }
0x191: {  	_ =	swait.ge @!p0 [sflag:s0], s1  }
0x192: {  	s1 =	ssub.s32 @!p0 $0x0, s1;
	[sflag:s0] =	ssyncset.done @!p0 $0x0  }
0x193: {  	[sflag:s0] =	ssyncadd.s32 @!p0 s1  }
0x194: {  	[bflag:$0x3] =	sbarrier.arrive $0xFFFF  }
0x195: {  	_ =	shalt  }

</sc_bundles>
